<compile_context>
chip_gen: v7x
topology: tpu7x:2x2x1
jax: 0.10.2.dev20260603
libtpu: 0.0.44.dev20260713+nightly
codegen_flags: <defaults>
</compile_context>

<pallas_src>
import functools

import jax
import jax.numpy as jnp
from jax import lax
from jax.experimental import pallas as pl
from jax.experimental.pallas import tpu as pltpu
from jax.experimental.pallas import tpu_sc as plsc


def kernel(x, W, H):
    B = x.shape[0]
    K = W.shape[1]
    V = W.shape[0]
    uidx = x[:, 0].astype(jnp.int32)
    iidx = x[:, 1].astype(jnp.int32)
    Wt = W.T
    Ht = H.T

    TW = 128
    tail_lo = (V // TW) * TW
    npad = TW - (V - tail_lo)
    Wtt = jnp.pad(W[tail_lo:], ((0, npad), (0, 0))).T
    Htt = jnp.pad(H[tail_lo:], ((0, npad), (0, 0))).T
    c0_max = tail_lo - TW

    info = plsc.get_sparse_core_info()
    NC, NS, L = info.num_cores, info.num_subcores, info.num_lanes
    NW = NC * NS
    bpw = B // NW
    G = bpw // L
    HG = L // 2

    mesh = plsc.VectorSubcoreMesh(core_axis_name="c", subcore_axis_name="s")

    @functools.partial(
        pl.kernel,
        mesh=mesh,
        out_type=jax.ShapeDtypeStruct((B,), jnp.float32),
        scratch_types=[
            pltpu.VMEM((bpw,), jnp.int32),
            pltpu.VMEM((bpw,), jnp.int32),
            pltpu.VMEM((2, HG, K, TW), jnp.float32),
            pltpu.VMEM((2, HG, K, TW), jnp.float32),
            pltpu.VMEM((K, TW), jnp.float32),
            pltpu.VMEM((K, TW), jnp.float32),
            pltpu.VMEM((bpw,), jnp.float32),
            pltpu.HBM((HG, K, TW), jnp.float32),
            pltpu.SemaphoreType.DMA,
            pltpu.SemaphoreType.DMA,
        ],
        compiler_params=pltpu.CompilerParams(
            needs_layout_passes=False, use_tc_tiling_on_sc=True
        ),
    )
    def mf_dot(
        wt_hbm, ht_hbm, wtt_hbm, htt_hbm, u_hbm, i_hbm, out_hbm,
        u_v, i_v, wwin, hwin, wtail, htail, o_v, dummy_hbm, sem0, sem1,
    ):
        wid = lax.axis_index("s") * NC + lax.axis_index("c")
        base = wid * bpw
        pltpu.sync_copy(u_hbm.at[pl.ds(base, bpw)], u_v)
        pltpu.sync_copy(i_hbm.at[pl.ds(base, bpw)], i_v)
        pltpu.sync_copy(wtt_hbm, wtail)
        pltpu.sync_copy(htt_hbm, htail)

        lane = lax.iota(jnp.int32, L)
        sems = (sem0, sem1)

        def issue(rcvec, scvec, l0, buf):
            sem = sems[buf]
            for l in range(HG):
                rc = pl.multiple_of(rcvec[l0 + l], TW)
                sc = pl.multiple_of(scvec[l0 + l], TW)
                pltpu.async_copy(
                    wt_hbm.at[:, pl.ds(rc, TW)], wwin.at[buf, l], sem
                )
                pltpu.async_copy(
                    ht_hbm.at[:, pl.ds(sc, TW)], hwin.at[buf, l], sem
                )

        def win_starts(vec):
            return jnp.minimum((vec >> 7) << 7, c0_max)

        def drain(buf):
            sem = sems[buf]
            pltpu.make_async_copy(dummy_hbm, wwin.at[buf], sem).wait()
            pltpu.make_async_copy(dummy_hbm, hwin.at[buf], sem).wait()

        def process(uvec, ivec, l0, buf, with_tail):
            slot = jnp.clip(lane - l0, 0, HG - 1)
            bvec = jnp.full((L,), buf, jnp.int32)
            uloc = jnp.bitwise_and(uvec, TW - 1)
            iloc = jnp.bitwise_and(ivec, TW - 1)
            utail = uvec >= tail_lo
            itail = ivec >= tail_lo
            acc = jnp.zeros((L,), jnp.float32)
            for k in range(K):
                kfull = jnp.full((L,), k, jnp.int32)
                wv = plsc.load_gather(wwin, [bvec, slot, kfull, uloc])
                hv = plsc.load_gather(hwin, [bvec, slot, kfull, iloc])
                if with_tail:
                    wtl = plsc.load_gather(wtail, [kfull, uloc])
                    htl = plsc.load_gather(htail, [kfull, iloc])
                    wv = jnp.where(utail, wtl, wv)
                    hv = jnp.where(itail, htl, hv)
                acc = acc + wv * hv
            return acc

        uvec0 = u_v[pl.ds(0, L)]
        ivec0 = i_v[pl.ds(0, L)]
        issue(win_starts(uvec0), win_starts(ivec0), 0, 0)

        def body(g, carry):
            uvec = u_v[pl.ds(g * L, L)]
            ivec = i_v[pl.ds(g * L, L)]
            any_tail = jnp.max(
                jnp.where((uvec >= tail_lo) | (ivec >= tail_lo), 1, 0)
            )

            def issue_next():
                nuvec = u_v[pl.ds((g + 1) * L, L)]
                nivec = i_v[pl.ds((g + 1) * L, L)]
                issue(win_starts(nuvec), win_starts(nivec), 0, 0)

            issue(win_starts(uvec), win_starts(ivec), HG, 1)
            drain(0)
            acc0 = process(uvec, ivec, 0, 0, False)

            @pl.when((g + 1 < G) & (any_tail == 0))
            def _():
                issue_next()

            drain(1)
            acc1 = process(uvec, ivec, HG, 1, False)
            acc = jnp.where(lane < HG, acc0, acc1)
            o_v[pl.ds(g * L, L)] = 1.0 / (1.0 + jnp.exp(-acc))

            @pl.when(any_tail > 0)
            def _():
                t0 = process(uvec, ivec, 0, 0, True)
                t1 = process(uvec, ivec, HG, 1, True)
                t = jnp.where(lane < HG, t0, t1)
                o_v[pl.ds(g * L, L)] = 1.0 / (1.0 + jnp.exp(-t))

                @pl.when(g + 1 < G)
                def _():
                    issue_next()

            return carry

        lax.fori_loop(0, G, body, 0)
        pltpu.sync_copy(o_v, out_hbm.at[pl.ds(base, bpw)])

    return mf_dot(Wt, Ht, Wtt, Htt, uidx, iidx)

# --- scband reference (transcript-rebuilt; emitter-appended) ---
"""Pipeline reference for scband-mf-cvib-18786186953061 (READ-ONLY COPY).

The authoritative reference and input builder live on the scoring server;
editing this copy changes nothing except your own understanding.
"""

import jax, jax.numpy as jnp
import numpy as np

NUM_USERS = 1000000
NUM_ITEMS = 1000000
EMBEDDING_K = 16
BATCH = 16384

def setup_inputs(seed: int = 0) -> dict:
    key = jax.random.key(seed)
    k1, k2, k3 = jax.random.split(key, 3)
    x = jax.random.randint(k1, (BATCH, 2), 0, NUM_USERS, dtype=jnp.int64) if jax.config.jax_enable_x64 else jax.random.randint(k1, (BATCH, 2), 0, NUM_USERS).astype(jnp.int32)
    W = jax.random.normal(k2, (NUM_USERS, EMBEDDING_K), dtype=jnp.float32)
    H = jax.random.normal(k3, (NUM_ITEMS, EMBEDDING_K), dtype=jnp.float32)
    return {"x": x, "W": W, "H": H}

def reference(x, W, H):
    user_idx = x[:, 0]
    item_idx = x[:, 1]
    zz_user_emb = jnp.take(W, user_idx, axis=0)
    cc_user_emb = jnp.take(W, user_idx, axis=0)
    z_user_emb = jnp.concatenate((zz_user_emb, jnp.zeros_like(zz_user_emb)), axis=1)
    c_user_emb = jnp.concatenate((jnp.zeros_like(cc_user_emb), cc_user_emb), axis=1)
    zz_item_emb = jnp.take(H, item_idx, axis=0)
    cc_item_emb = jnp.take(H, item_idx, axis=0)
    z_item_emb = jnp.concatenate((zz_item_emb, jnp.zeros_like(zz_item_emb)), axis=1)
    c_item_emb = jnp.concatenate((jnp.zeros_like(cc_item_emb), cc_item_emb), axis=1)
    z_out = jnp.sum(z_user_emb * z_item_emb, axis=1)
    z_out = jax.nn.sigmoid(z_out)
    return z_out

if __name__ == "__main__":
    import jax
    _d = setup_inputs()
    print(jax.jit(kernel)(*tuple(_d.values())))

</pallas_src>

<mosaic_0001>
#map = affine_map<(d0, d1) -> (0, 0)>
#map1 = affine_map<(d0, d1) -> (0)>
module attributes {stable_mosaic.version = 14 : i64} {
  func.func @mf_dot(%arg0: i32, %arg1: i32, %arg2: memref<16x1000000xf32, #tpu.memory_space<hbm>>, %arg3: memref<16x1000000xf32, #tpu.memory_space<hbm>>, %arg4: memref<16x128xf32, #tpu.memory_space<hbm>>, %arg5: memref<16x128xf32, #tpu.memory_space<hbm>>, %arg6: memref<16384xi32, #tpu.memory_space<hbm>>, %arg7: memref<16384xi32, #tpu.memory_space<hbm>>, %arg8: memref<16384xf32, #tpu.memory_space<hbm>>, %arg9: memref<512xi32, #tpu.memory_space<vmem>>, %arg10: memref<512xi32, #tpu.memory_space<vmem>>, %arg11: memref<2x8x16x128xf32, #tpu.memory_space<vmem>>, %arg12: memref<2x8x16x128xf32, #tpu.memory_space<vmem>>, %arg13: memref<16x128xf32, #tpu.memory_space<vmem>>, %arg14: memref<16x128xf32, #tpu.memory_space<vmem>>, %arg15: memref<512xf32, #tpu.memory_space<vmem>>, %arg16: memref<8x16x128xf32, #tpu.memory_space<hbm>>, %arg17: memref<!tpu.dma_semaphore, #tpu.memory_space<semaphore_mem>>, %arg18: memref<!tpu.dma_semaphore, #tpu.memory_space<semaphore_mem>>) attributes {dimension_semantics = [#tpu.dimension_semantics<core_parallel>, #tpu.dimension_semantics<subcore_parallel>], iteration_bounds = array<i64: 2, 16>, scalar_prefetch = 0 : i64, scratch_operands = 10 : i64, tpu.core_type = #tpu.core_type<sc_vector_subcore>, window_params = [{transform_indices = #map}, {transform_indices = #map}, {transform_indices = #map}, {transform_indices = #map}, {transform_indices = #map1}, {transform_indices = #map1}, {transform_indices = #map1}]} {
    %mul3A = arith.constant 2 : i32
    %mul3A_0 = arith.muli %arg1, %mul3A : i32
    %add3A = arith.addi %mul3A_0, %arg0 : i32
    %mul3A_1 = arith.constant 512 : i32
    %mul3A_2 = arith.muli %add3A, %mul3A_1 : i32
    "tpu.region"() ({
      %run_scoped3A = tpu.sem_alloc : memref<!tpu.dma_semaphore, #tpu.memory_space<semaphore_mem>>
      %dma_start3A_294 = tpu.memref_slice %arg6[%mul3A_2] : memref<16384xi32, #tpu.memory_space<hbm>> -> memref<512xi32, #tpu.memory_space<hbm>>
      %dma_start3A_295 = tpu.memref_slice %arg6[%mul3A_2] : memref<16384xi32, #tpu.memory_space<hbm>> -> memref<512xi32, #tpu.memory_space<hbm>>
      tpu.enqueue_dma source(%dma_start3A_295 : memref<512xi32, #tpu.memory_space<hbm>>) target(%arg9 : memref<512xi32, #tpu.memory_space<vmem>>) target_semaphore(%run_scoped3A : memref<!tpu.dma_semaphore, #tpu.memory_space<semaphore_mem>>)
      %dma_wait3A = tpu.memref_slice %arg6[%mul3A_2] : memref<16384xi32, #tpu.memory_space<hbm>> -> memref<512xi32, #tpu.memory_space<hbm>>
      %dma_wait3A_296 = tpu.memref_slice %arg6[%mul3A_2] : memref<16384xi32, #tpu.memory_space<hbm>> -> memref<512xi32, #tpu.memory_space<hbm>>
      tpu.wait_dma2 semaphore(%run_scoped3A : memref<!tpu.dma_semaphore, #tpu.memory_space<semaphore_mem>>) src(%dma_wait3A_296 : memref<512xi32, #tpu.memory_space<hbm>>) dst(%arg9 : memref<512xi32, #tpu.memory_space<vmem>>)
      tpu.yield
    }) : () -> ()
    "tpu.region"() ({
      %run_scoped3A = tpu.sem_alloc : memref<!tpu.dma_semaphore, #tpu.memory_space<semaphore_mem>>
      %dma_start3A_294 = tpu.memref_slice %arg7[%mul3A_2] : memref<16384xi32, #tpu.memory_space<hbm>> -> memref<512xi32, #tpu.memory_space<hbm>>
      %dma_start3A_295 = tpu.memref_slice %arg7[%mul3A_2] : memref<16384xi32, #tpu.memory_space<hbm>> -> memref<512xi32, #tpu.memory_space<hbm>>
      tpu.enqueue_dma source(%dma_start3A_295 : memref<512xi32, #tpu.memory_space<hbm>>) target(%arg10 : memref<512xi32, #tpu.memory_space<vmem>>) target_semaphore(%run_scoped3A : memref<!tpu.dma_semaphore, #tpu.memory_space<semaphore_mem>>)
      %dma_wait3A = tpu.memref_slice %arg7[%mul3A_2] : memref<16384xi32, #tpu.memory_space<hbm>> -> memref<512xi32, #tpu.memory_space<hbm>>
      %dma_wait3A_296 = tpu.memref_slice %arg7[%mul3A_2] : memref<16384xi32, #tpu.memory_space<hbm>> -> memref<512xi32, #tpu.memory_space<hbm>>
      tpu.wait_dma2 semaphore(%run_scoped3A : memref<!tpu.dma_semaphore, #tpu.memory_space<semaphore_mem>>) src(%dma_wait3A_296 : memref<512xi32, #tpu.memory_space<hbm>>) dst(%arg10 : memref<512xi32, #tpu.memory_space<vmem>>)
      tpu.yield
    }) : () -> ()
    "tpu.region"() ({
      %run_scoped3A = tpu.sem_alloc : memref<!tpu.dma_semaphore, #tpu.memory_space<semaphore_mem>>
      tpu.enqueue_dma source(%arg4 : memref<16x128xf32, #tpu.memory_space<hbm>>) target(%arg13 : memref<16x128xf32, #tpu.memory_space<vmem>>) target_semaphore(%run_scoped3A : memref<!tpu.dma_semaphore, #tpu.memory_space<semaphore_mem>>)
      tpu.wait_dma2 semaphore(%run_scoped3A : memref<!tpu.dma_semaphore, #tpu.memory_space<semaphore_mem>>) src(%arg4 : memref<16x128xf32, #tpu.memory_space<hbm>>) dst(%arg13 : memref<16x128xf32, #tpu.memory_space<vmem>>)
      tpu.yield
    }) : () -> ()
    "tpu.region"() ({
      %run_scoped3A = tpu.sem_alloc : memref<!tpu.dma_semaphore, #tpu.memory_space<semaphore_mem>>
      tpu.enqueue_dma source(%arg5 : memref<16x128xf32, #tpu.memory_space<hbm>>) target(%arg14 : memref<16x128xf32, #tpu.memory_space<vmem>>) target_semaphore(%run_scoped3A : memref<!tpu.dma_semaphore, #tpu.memory_space<semaphore_mem>>)
      tpu.wait_dma2 semaphore(%run_scoped3A : memref<!tpu.dma_semaphore, #tpu.memory_space<semaphore_mem>>) src(%arg5 : memref<16x128xf32, #tpu.memory_space<hbm>>) dst(%arg14 : memref<16x128xf32, #tpu.memory_space<vmem>>)
      tpu.yield
    }) : () -> ()
    %iota3A = tpu.iota {dimensions = array<i32: 0>} : vector<16xi32>
    %get3A = arith.constant 0 : index
    %get3A_3 = tpu.vector_load %arg9[%get3A] {strides = array<i32>} : memref<512xi32, #tpu.memory_space<vmem>>, vector<16xi32>,
    %get3A_4 = arith.constant 0 : index
    %get3A_5 = tpu.vector_load %arg10[%get3A_4] {strides = array<i32>} : memref<512xi32, #tpu.memory_space<vmem>>, vector<16xi32>,
    %shift_right_arithmetic3A = arith.constant 7 : i32
    %shift_right_arithmetic3A_6 = vector.broadcast %shift_right_arithmetic3A : i32 to vector<16xi32>
    %shift_right_arithmetic3A_7 = arith.shrsi %get3A_3, %shift_right_arithmetic3A_6 : vector<16xi32>
    %shift_left3A = arith.constant 7 : i32
    %shift_left3A_8 = vector.broadcast %shift_left3A : i32 to vector<16xi32>
    %shift_left3A_9 = arith.shli %shift_right_arithmetic3A_7, %shift_left3A_8 : vector<16xi32>
    %min3A = arith.constant 999808 : i32
    %min3A_10 = vector.broadcast %min3A : i32 to vector<16xi32>
    %min3A_11 = arith.minsi %shift_left3A_9, %min3A_10 : vector<16xi32>
    %shift_right_arithmetic3A_12 = arith.constant 7 : i32
    %shift_right_arithmetic3A_13 = vector.broadcast %shift_right_arithmetic3A_12 : i32 to vector<16xi32>
    %shift_right_arithmetic3A_14 = arith.shrsi %get3A_5, %shift_right_arithmetic3A_13 : vector<16xi32>
    %shift_left3A_15 = arith.constant 7 : i32
    %shift_left3A_16 = vector.broadcast %shift_left3A_15 : i32 to vector<16xi32>
    %shift_left3A_17 = arith.shli %shift_right_arithmetic3A_14, %shift_left3A_16 : vector<16xi32>
    %min3A_18 = arith.constant 999808 : i32
    %min3A_19 = vector.broadcast %min3A_18 : i32 to vector<16xi32>
    %min3A_20 = arith.minsi %shift_left3A_17, %min3A_19 : vector<16xi32>
    %slice3A = vector.extract_strided_slice %min3A_11 {offsets = [0], sizes = [1], strides = [1]} : vector<16xi32> to vector<1xi32>
    %squeeze3A = vector.extract %slice3A[0] : i32 from vector<1xi32>
    %multiple_of3A = tpu.assume_multiple %squeeze3A, 128 : i32
    %slice3A_21 = vector.extract_strided_slice %min3A_20 {offsets = [0], sizes = [1], strides = [1]} : vector<16xi32> to vector<1xi32>
    %squeeze3A_22 = vector.extract %slice3A_21[0] : i32 from vector<1xi32>
    %multiple_of3A_23 = tpu.assume_multiple %squeeze3A_22, 128 : i32
    %dma_start3A = arith.constant 0 : i32
    %dma_start3A_24 = arith.constant 0 : i32
    %dma_start3A_25 = arith.constant 0 : i32
    %dma_start3A_26 = arith.constant 0 : i32
    %dma_start3A_27 = tpu.memref_slice %arg11[%dma_start3A, %dma_start3A_24, %dma_start3A_25, %dma_start3A_26] : memref<2x8x16x128xf32, #tpu.memory_space<vmem>> -> memref<1x1x16x128xf32, #tpu.memory_space<vmem>>
    %dma_start3A_28 = tpu.memref_squeeze %dma_start3A_27 : memref<1x1x16x128xf32, #tpu.memory_space<vmem>> -> memref<16x128xf32, #tpu.memory_space<vmem>>
    %dma_start3A_29 = arith.constant 0 : i32
    %dma_start3A_30 = tpu.memref_slice %arg2[%dma_start3A_29, %multiple_of3A] : memref<16x1000000xf32, #tpu.memory_space<hbm>> -> memref<16x128xf32, #tpu.memory_space<hbm>>
    %dma_start3A_31 = arith.constant 0 : i32
    %dma_start3A_32 = arith.constant 0 : i32
    %dma_start3A_33 = tpu.memref_slice %arg11[%dma_start3A, %dma_start3A_24, %dma_start3A_31, %dma_start3A_32] : memref<2x8x16x128xf32, #tpu.memory_space<vmem>> -> memref<1x1x16x128xf32, #tpu.memory_space<vmem>>
    %dma_start3A_34 = tpu.memref_squeeze %dma_start3A_33 : memref<1x1x16x128xf32, #tpu.memory_space<vmem>> -> memref<16x128xf32, #tpu.memory_space<vmem>>
    %dma_start3A_35 = arith.constant 0 : i32
    %dma_start3A_36 = tpu.memref_slice %arg2[%dma_start3A_35, %multiple_of3A] : memref<16x1000000xf32, #tpu.memory_space<hbm>> -> memref<16x128xf32, #tpu.memory_space<hbm>>
    tpu.enqueue_dma source(%dma_start3A_36 : memref<16x128xf32, #tpu.memory_space<hbm>>) target(%dma_start3A_34 : memref<16x128xf32, #tpu.memory_space<vmem>>) target_semaphore(%arg17 : memref<!tpu.dma_semaphore, #tpu.memory_space<semaphore_mem>>)
    %dma_start3A_37 = arith.constant 0 : i32
    %dma_start3A_38 = arith.constant 0 : i32
    %dma_start3A_39 = arith.constant 0 : i32
    %dma_start3A_40 = arith.constant 0 : i32
    %dma_start3A_41 = tpu.memref_slice %arg12[%dma_start3A_37, %dma_start3A_38, %dma_start3A_39, %dma_start3A_40] : memref<2x8x16x128xf32, #tpu.memory_space<vmem>> -> memref<1x1x16x128xf32, #tpu.memory_space<vmem>>
    %dma_start3A_42 = tpu.memref_squeeze %dma_start3A_41 : memref<1x1x16x128xf32, #tpu.memory_space<vmem>> -> memref<16x128xf32, #tpu.memory_space<vmem>>
    %dma_start3A_43 = arith.constant 0 : i32
    %dma_start3A_44 = tpu.memref_slice %arg3[%dma_start3A_43, %multiple_of3A_23] : memref<16x1000000xf32, #tpu.memory_space<hbm>> -> memref<16x128xf32, #tpu.memory_space<hbm>>
    %dma_start3A_45 = arith.constant 0 : i32
    %dma_start3A_46 = arith.constant 0 : i32
    %dma_start3A_47 = tpu.memref_slice %arg12[%dma_start3A_37, %dma_start3A_38, %dma_start3A_45, %dma_start3A_46] : memref<2x8x16x128xf32, #tpu.memory_space<vmem>> -> memref<1x1x16x128xf32, #tpu.memory_space<vmem>>
    %dma_start3A_48 = tpu.memref_squeeze %dma_start3A_47 : memref<1x1x16x128xf32, #tpu.memory_space<vmem>> -> memref<16x128xf32, #tpu.memory_space<vmem>>
    %dma_start3A_49 = arith.constant 0 : i32
    %dma_start3A_50 = tpu.memref_slice %arg3[%dma_start3A_49, %multiple_of3A_23] : memref<16x1000000xf32, #tpu.memory_space<hbm>> -> memref<16x128xf32, #tpu.memory_space<hbm>>
    tpu.enqueue_dma source(%dma_start3A_50 : memref<16x128xf32, #tpu.memory_space<hbm>>) target(%dma_start3A_48 : memref<16x128xf32, #tpu.memory_space<vmem>>) target_semaphore(%arg17 : memref<!tpu.dma_semaphore, #tpu.memory_space<semaphore_mem>>)
    %slice3A_51 = vector.extract_strided_slice %min3A_11 {offsets = [1], sizes = [1], strides = [1]} : vector<16xi32> to vector<1xi32>
    %squeeze3A_52 = vector.extract %slice3A_51[0] : i32 from vector<1xi32>
    %multiple_of3A_53 = tpu.assume_multiple %squeeze3A_52, 128 : i32
    %slice3A_54 = vector.extract_strided_slice %min3A_20 {offsets = [1], sizes = [1], strides = [1]} : vector<16xi32> to vector<1xi32>
    %squeeze3A_55 = vector.extract %slice3A_54[0] : i32 from vector<1xi32>
    %multiple_of3A_56 = tpu.assume_multiple %squeeze3A_55, 128 : i32
    %dma_start3A_57 = arith.constant 0 : i32
    %dma_start3A_58 = arith.constant 1 : i32
    %dma_start3A_59 = arith.constant 0 : i32
    %dma_start3A_60 = arith.constant 0 : i32
    %dma_start3A_61 = tpu.memref_slice %arg11[%dma_start3A_57, %dma_start3A_58, %dma_start3A_59, %dma_start3A_60] : memref<2x8x16x128xf32, #tpu.memory_space<vmem>> -> memref<1x1x16x128xf32, #tpu.memory_space<vmem>>
    %dma_start3A_62 = tpu.memref_squeeze %dma_start3A_61 : memref<1x1x16x128xf32, #tpu.memory_space<vmem>> -> memref<16x128xf32, #tpu.memory_space<vmem>>
    %dma_start3A_63 = arith.constant 0 : i32
    %dma_start3A_64 = tpu.memref_slice %arg2[%dma_start3A_63, %multiple_of3A_53] : memref<16x1000000xf32, #tpu.memory_space<hbm>> -> memref<16x128xf32, #tpu.memory_space<hbm>>
    %dma_start3A_65 = arith.constant 0 : i32
    %dma_start3A_66 = arith.constant 0 : i32
    %dma_start3A_67 = tpu.memref_slice %arg11[%dma_start3A_57, %dma_start3A_58, %dma_start3A_65, %dma_start3A_66] : memref<2x8x16x128xf32, #tpu.memory_space<vmem>> -> memref<1x1x16x128xf32, #tpu.memory_space<vmem>>
    %dma_start3A_68 = tpu.memref_squeeze %dma_start3A_67 : memref<1x1x16x128xf32, #tpu.memory_space<vmem>> -> memref<16x128xf32, #tpu.memory_space<vmem>>
    %dma_start3A_69 = arith.constant 0 : i32
    %dma_start3A_70 = tpu.memref_slice %arg2[%dma_start3A_69, %multiple_of3A_53] : memref<16x1000000xf32, #tpu.memory_space<hbm>> -> memref<16x128xf32, #tpu.memory_space<hbm>>
    tpu.enqueue_dma source(%dma_start3A_70 : memref<16x128xf32, #tpu.memory_space<hbm>>) target(%dma_start3A_68 : memref<16x128xf32, #tpu.memory_space<vmem>>) target_semaphore(%arg17 : memref<!tpu.dma_semaphore, #tpu.memory_space<semaphore_mem>>)
    %dma_start3A_71 = arith.constant 0 : i32
    %dma_start3A_72 = arith.constant 1 : i32
    %dma_start3A_73 = arith.constant 0 : i32
    %dma_start3A_74 = arith.constant 0 : i32
    %dma_start3A_75 = tpu.memref_slice %arg12[%dma_start3A_71, %dma_start3A_72, %dma_start3A_73, %dma_start3A_74] : memref<2x8x16x128xf32, #tpu.memory_space<vmem>> -> memref<1x1x16x128xf32, #tpu.memory_space<vmem>>
    %dma_start3A_76 = tpu.memref_squeeze %dma_start3A_75 : memref<1x1x16x128xf32, #tpu.memory_space<vmem>> -> memref<16x128xf32, #tpu.memory_space<vmem>>
    %dma_start3A_77 = arith.constant 0 : i32
    %dma_start3A_78 = tpu.memref_slice %arg3[%dma_start3A_77, %multiple_of3A_56] : memref<16x1000000xf32, #tpu.memory_space<hbm>> -> memref<16x128xf32, #tpu.memory_space<hbm>>
    %dma_start3A_79 = arith.constant 0 : i32
    %dma_start3A_80 = arith.constant 0 : i32
    %dma_start3A_81 = tpu.memref_slice %arg12[%dma_start3A_71, %dma_start3A_72, %dma_start3A_79, %dma_start3A_80] : memref<2x8x16x128xf32, #tpu.memory_space<vmem>> -> memref<1x1x16x128xf32, #tpu.memory_space<vmem>>
    %dma_start3A_82 = tpu.memref_squeeze %dma_start3A_81 : memref<1x1x16x128xf32, #tpu.memory_space<vmem>> -> memref<16x128xf32, #tpu.memory_space<vmem>>
    %dma_start3A_83 = arith.constant 0 : i32
    %dma_start3A_84 = tpu.memref_slice %arg3[%dma_start3A_83, %multiple_of3A_56] : memref<16x1000000xf32, #tpu.memory_space<hbm>> -> memref<16x128xf32, #tpu.memory_space<hbm>>
    tpu.enqueue_dma source(%dma_start3A_84 : memref<16x128xf32, #tpu.memory_space<hbm>>) target(%dma_start3A_82 : memref<16x128xf32, #tpu.memory_space<vmem>>) target_semaphore(%arg17 : memref<!tpu.dma_semaphore, #tpu.memory_space<semaphore_mem>>)
    %slice3A_85 = vector.extract_strided_slice %min3A_11 {offsets = [2], sizes = [1], strides = [1]} : vector<16xi32> to vector<1xi32>
    %squeeze3A_86 = vector.extract %slice3A_85[0] : i32 from vector<1xi32>
    %multiple_of3A_87 = tpu.assume_multiple %squeeze3A_86, 128 : i32
    %slice3A_88 = vector.extract_strided_slice %min3A_20 {offsets = [2], sizes = [1], strides = [1]} : vector<16xi32> to vector<1xi32>
    %squeeze3A_89 = vector.extract %slice3A_88[0] : i32 from vector<1xi32>
    %multiple_of3A_90 = tpu.assume_multiple %squeeze3A_89, 128 : i32
    %dma_start3A_91 = arith.constant 0 : i32
    %dma_start3A_92 = arith.constant 2 : i32
    %dma_start3A_93 = arith.constant 0 : i32
    %dma_start3A_94 = arith.constant 0 : i32
    %dma_start3A_95 = tpu.memref_slice %arg11[%dma_start3A_91, %dma_start3A_92, %dma_start3A_93, %dma_start3A_94] : memref<2x8x16x128xf32, #tpu.memory_space<vmem>> -> memref<1x1x16x128xf32, #tpu.memory_space<vmem>>
    %dma_start3A_96 = tpu.memref_squeeze %dma_start3A_95 : memref<1x1x16x128xf32, #tpu.memory_space<vmem>> -> memref<16x128xf32, #tpu.memory_space<vmem>>
    %dma_start3A_97 = arith.constant 0 : i32
    %dma_start3A_98 = tpu.memref_slice %arg2[%dma_start3A_97, %multiple_of3A_87] : memref<16x1000000xf32, #tpu.memory_space<hbm>> -> memref<16x128xf32, #tpu.memory_space<hbm>>
    %dma_start3A_99 = arith.constant 0 : i32
    %dma_start3A_100 = arith.constant 0 : i32
    %dma_start3A_101 = tpu.memref_slice %arg11[%dma_start3A_91, %dma_start3A_92, %dma_start3A_99, %dma_start3A_100] : memref<2x8x16x128xf32, #tpu.memory_space<vmem>> -> memref<1x1x16x128xf32, #tpu.memory_space<vmem>>
    %dma_start3A_102 = tpu.memref_squeeze %dma_start3A_101 : memref<1x1x16x128xf32, #tpu.memory_space<vmem>> -> memref<16x128xf32, #tpu.memory_space<vmem>>
    %dma_start3A_103 = arith.constant 0 : i32
    %dma_start3A_104 = tpu.memref_slice %arg2[%dma_start3A_103, %multiple_of3A_87] : memref<16x1000000xf32, #tpu.memory_space<hbm>> -> memref<16x128xf32, #tpu.memory_space<hbm>>
    tpu.enqueue_dma source(%dma_start3A_104 : memref<16x128xf32, #tpu.memory_space<hbm>>) target(%dma_start3A_102 : memref<16x128xf32, #tpu.memory_space<vmem>>) target_semaphore(%arg17 : memref<!tpu.dma_semaphore, #tpu.memory_space<semaphore_mem>>)
    %dma_start3A_105 = arith.constant 0 : i32
    %dma_start3A_106 = arith.constant 2 : i32
    %dma_start3A_107 = arith.constant 0 : i32
    %dma_start3A_108 = arith.constant 0 : i32
    %dma_start3A_109 = tpu.memref_slice %arg12[%dma_start3A_105, %dma_start3A_106, %dma_start3A_107, %dma_start3A_108] : memref<2x8x16x128xf32, #tpu.memory_space<vmem>> -> memref<1x1x16x128xf32, #tpu.memory_space<vmem>>
    %dma_start3A_110 = tpu.memref_squeeze %dma_start3A_109 : memref<1x1x16x128xf32, #tpu.memory_space<vmem>> -> memref<16x128xf32, #tpu.memory_space<vmem>>
    %dma_start3A_111 = arith.constant 0 : i32
    %dma_start3A_112 = tpu.memref_slice %arg3[%dma_start3A_111, %multiple_of3A_90] : memref<16x1000000xf32, #tpu.memory_space<hbm>> -> memref<16x128xf32, #tpu.memory_space<hbm>>
    %dma_start3A_113 = arith.constant 0 : i32
    %dma_start3A_114 = arith.constant 0 : i32
    %dma_start3A_115 = tpu.memref_slice %arg12[%dma_start3A_105, %dma_start3A_106, %dma_start3A_113, %dma_start3A_114] : memref<2x8x16x128xf32, #tpu.memory_space<vmem>> -> memref<1x1x16x128xf32, #tpu.memory_space<vmem>>
    %dma_start3A_116 = tpu.memref_squeeze %dma_start3A_115 : memref<1x1x16x128xf32, #tpu.memory_space<vmem>> -> memref<16x128xf32, #tpu.memory_space<vmem>>
    %dma_start3A_117 = arith.constant 0 : i32
    %dma_start3A_118 = tpu.memref_slice %arg3[%dma_start3A_117, %multiple_of3A_90] : memref<16x1000000xf32, #tpu.memory_space<hbm>> -> memref<16x128xf32, #tpu.memory_space<hbm>>
    tpu.enqueue_dma source(%dma_start3A_118 : memref<16x128xf32, #tpu.memory_space<hbm>>) target(%dma_start3A_116 : memref<16x128xf32, #tpu.memory_space<vmem>>) target_semaphore(%arg17 : memref<!tpu.dma_semaphore, #tpu.memory_space<semaphore_mem>>)
    %slice3A_119 = vector.extract_strided_slice %min3A_11 {offsets = [3], sizes = [1], strides = [1]} : vector<16xi32> to vector<1xi32>
    %squeeze3A_120 = vector.extract %slice3A_119[0] : i32 from vector<1xi32>
    %multiple_of3A_121 = tpu.assume_multiple %squeeze3A_120, 128 : i32
    %slice3A_122 = vector.extract_strided_slice %min3A_20 {offsets = [3], sizes = [1], strides = [1]} : vector<16xi32> to vector<1xi32>
    %squeeze3A_123 = vector.extract %slice3A_122[0] : i32 from vector<1xi32>
    %multiple_of3A_124 = tpu.assume_multiple %squeeze3A_123, 128 : i32
    %dma_start3A_125 = arith.constant 0 : i32
    %dma_start3A_126 = arith.constant 3 : i32
    %dma_start3A_127 = arith.constant 0 : i32
    %dma_start3A_128 = arith.constant 0 : i32
    %dma_start3A_129 = tpu.memref_slice %arg11[%dma_start3A_125, %dma_start3A_126, %dma_start3A_127, %dma_start3A_128] : memref<2x8x16x128xf32, #tpu.memory_space<vmem>> -> memref<1x1x16x128xf32, #tpu.memory_space<vmem>>
    %dma_start3A_130 = tpu.memref_squeeze %dma_start3A_129 : memref<1x1x16x128xf32, #tpu.memory_space<vmem>> -> memref<16x128xf32, #tpu.memory_space<vmem>>
    %dma_start3A_131 = arith.constant 0 : i32
    %dma_start3A_132 = tpu.memref_slice %arg2[%dma_start3A_131, %multiple_of3A_121] : memref<16x1000000xf32, #tpu.memory_space<hbm>> -> memref<16x128xf32, #tpu.memory_space<hbm>>
    %dma_start3A_133 = arith.constant 0 : i32
    %dma_start3A_134 = arith.constant 0 : i32
    %dma_start3A_135 = tpu.memref_slice %arg11[%dma_start3A_125, %dma_start3A_126, %dma_start3A_133, %dma_start3A_134] : memref<2x8x16x128xf32, #tpu.memory_space<vmem>> -> memref<1x1x16x128xf32, #tpu.memory_space<vmem>>
    %dma_start3A_136 = tpu.memref_squeeze %dma_start3A_135 : memref<1x1x16x128xf32, #tpu.memory_space<vmem>> -> memref<16x128xf32, #tpu.memory_space<vmem>>
    %dma_start3A_137 = arith.constant 0 : i32
    %dma_start3A_138 = tpu.memref_slice %arg2[%dma_start3A_137, %multiple_of3A_121] : memref<16x1000000xf32, #tpu.memory_space<hbm>> -> memref<16x128xf32, #tpu.memory_space<hbm>>
    tpu.enqueue_dma source(%dma_start3A_138 : memref<16x128xf32, #tpu.memory_space<hbm>>) target(%dma_start3A_136 : memref<16x128xf32, #tpu.memory_space<vmem>>) target_semaphore(%arg17 : memref<!tpu.dma_semaphore, #tpu.memory_space<semaphore_mem>>)
    %dma_start3A_139 = arith.constant 0 : i32
    %dma_start3A_140 = arith.constant 3 : i32
    %dma_start3A_141 = arith.constant 0 : i32
    %dma_start3A_142 = arith.constant 0 : i32
    %dma_start3A_143 = tpu.memref_slice %arg12[%dma_start3A_139, %dma_start3A_140, %dma_start3A_141, %dma_start3A_142] : memref<2x8x16x128xf32, #tpu.memory_space<vmem>> -> memref<1x1x16x128xf32, #tpu.memory_space<vmem>>
    %dma_start3A_144 = tpu.memref_squeeze %dma_start3A_143 : memref<1x1x16x128xf32, #tpu.memory_space<vmem>> -> memref<16x128xf32, #tpu.memory_space<vmem>>
    %dma_start3A_145 = arith.constant 0 : i32
    %dma_start3A_146 = tpu.memref_slice %arg3[%dma_start3A_145, %multiple_of3A_124] : memref<16x1000000xf32, #tpu.memory_space<hbm>> -> memref<16x128xf32, #tpu.memory_space<hbm>>
    %dma_start3A_147 = arith.constant 0 : i32
    %dma_start3A_148 = arith.constant 0 : i32
    %dma_start3A_149 = tpu.memref_slice %arg12[%dma_start3A_139, %dma_start3A_140, %dma_start3A_147, %dma_start3A_148] : memref<2x8x16x128xf32, #tpu.memory_space<vmem>> -> memref<1x1x16x128xf32, #tpu.memory_space<vmem>>
    %dma_start3A_150 = tpu.memref_squeeze %dma_start3A_149 : memref<1x1x16x128xf32, #tpu.memory_space<vmem>> -> memref<16x128xf32, #tpu.memory_space<vmem>>
    %dma_start3A_151 = arith.constant 0 : i32
    %dma_start3A_152 = tpu.memref_slice %arg3[%dma_start3A_151, %multiple_of3A_124] : memref<16x1000000xf32, #tpu.memory_space<hbm>> -> memref<16x128xf32, #tpu.memory_space<hbm>>
    tpu.enqueue_dma source(%dma_start3A_152 : memref<16x128xf32, #tpu.memory_space<hbm>>) target(%dma_start3A_150 : memref<16x128xf32, #tpu.memory_space<vmem>>) target_semaphore(%arg17 : memref<!tpu.dma_semaphore, #tpu.memory_space<semaphore_mem>>)
    %slice3A_153 = vector.extract_strided_slice %min3A_11 {offsets = [4], sizes = [1], strides = [1]} : vector<16xi32> to vector<1xi32>
    %squeeze3A_154 = vector.extract %slice3A_153[0] : i32 from vector<1xi32>
    %multiple_of3A_155 = tpu.assume_multiple %squeeze3A_154, 128 : i32
    %slice3A_156 = vector.extract_strided_slice %min3A_20 {offsets = [4], sizes = [1], strides = [1]} : vector<16xi32> to vector<1xi32>
    %squeeze3A_157 = vector.extract %slice3A_156[0] : i32 from vector<1xi32>
    %multiple_of3A_158 = tpu.assume_multiple %squeeze3A_157, 128 : i32
    %dma_start3A_159 = arith.constant 0 : i32
    %dma_start3A_160 = arith.constant 4 : i32
    %dma_start3A_161 = arith.constant 0 : i32
    %dma_start3A_162 = arith.constant 0 : i32
    %dma_start3A_163 = tpu.memref_slice %arg11[%dma_start3A_159, %dma_start3A_160, %dma_start3A_161, %dma_start3A_162] : memref<2x8x16x128xf32, #tpu.memory_space<vmem>> -> memref<1x1x16x128xf32, #tpu.memory_space<vmem>>
    %dma_start3A_164 = tpu.memref_squeeze %dma_start3A_163 : memref<1x1x16x128xf32, #tpu.memory_space<vmem>> -> memref<16x128xf32, #tpu.memory_space<vmem>>
    %dma_start3A_165 = arith.constant 0 : i32
    %dma_start3A_166 = tpu.memref_slice %arg2[%dma_start3A_165, %multiple_of3A_155] : memref<16x1000000xf32, #tpu.memory_space<hbm>> -> memref<16x128xf32, #tpu.memory_space<hbm>>
    %dma_start3A_167 = arith.constant 0 : i32
    %dma_start3A_168 = arith.constant 0 : i32
    %dma_start3A_169 = tpu.memref_slice %arg11[%dma_start3A_159, %dma_start3A_160, %dma_start3A_167, %dma_start3A_168] : memref<2x8x16x128xf32, #tpu.memory_space<vmem>> -> memref<1x1x16x128xf32, #tpu.memory_space<vmem>>
    %dma_start3A_170 = tpu.memref_squeeze %dma_start3A_169 : memref<1x1x16x128xf32, #tpu.memory_space<vmem>> -> memref<16x128xf32, #tpu.memory_space<vmem>>
    %dma_start3A_171 = arith.constant 0 : i32
    %dma_start3A_172 = tpu.memref_slice %arg2[%dma_start3A_171, %multiple_of3A_155] : memref<16x1000000xf32, #tpu.memory_space<hbm>> -> memref<16x128xf32, #tpu.memory_space<hbm>>
    tpu.enqueue_dma source(%dma_start3A_172 : memref<16x128xf32, #tpu.memory_space<hbm>>) target(%dma_start3A_170 : memref<16x128xf32, #tpu.memory_space<vmem>>) target_semaphore(%arg17 : memref<!tpu.dma_semaphore, #tpu.memory_space<semaphore_mem>>)
    %dma_start3A_173 = arith.constant 0 : i32
    %dma_start3A_174 = arith.constant 4 : i32
    %dma_start3A_175 = arith.constant 0 : i32
    %dma_start3A_176 = arith.constant 0 : i32
    %dma_start3A_177 = tpu.memref_slice %arg12[%dma_start3A_173, %dma_start3A_174, %dma_start3A_175, %dma_start3A_176] : memref<2x8x16x128xf32, #tpu.memory_space<vmem>> -> memref<1x1x16x128xf32, #tpu.memory_space<vmem>>
    %dma_start3A_178 = tpu.memref_squeeze %dma_start3A_177 : memref<1x1x16x128xf32, #tpu.memory_space<vmem>> -> memref<16x128xf32, #tpu.memory_space<vmem>>
    %dma_start3A_179 = arith.constant 0 : i32
    %dma_start3A_180 = tpu.memref_slice %arg3[%dma_start3A_179, %multiple_of3A_158] : memref<16x1000000xf32, #tpu.memory_space<hbm>> -> memref<16x128xf32, #tpu.memory_space<hbm>>
    %dma_start3A_181 = arith.constant 0 : i32
    %dma_start3A_182 = arith.constant 0 : i32
    %dma_start3A_183 = tpu.memref_slice %arg12[%dma_start3A_173, %dma_start3A_174, %dma_start3A_181, %dma_start3A_182] : memref<2x8x16x128xf32, #tpu.memory_space<vmem>> -> memref<1x1x16x128xf32, #tpu.memory_space<vmem>>
    %dma_start3A_184 = tpu.memref_squeeze %dma_start3A_183 : memref<1x1x16x128xf32, #tpu.memory_space<vmem>> -> memref<16x128xf32, #tpu.memory_space<vmem>>
    %dma_start3A_185 = arith.constant 0 : i32
    %dma_start3A_186 = tpu.memref_slice %arg3[%dma_start3A_185, %multiple_of3A_158] : memref<16x1000000xf32, #tpu.memory_space<hbm>> -> memref<16x128xf32, #tpu.memory_space<hbm>>
    tpu.enqueue_dma source(%dma_start3A_186 : memref<16x128xf32, #tpu.memory_space<hbm>>) target(%dma_start3A_184 : memref<16x128xf32, #tpu.memory_space<vmem>>) target_semaphore(%arg17 : memref<!tpu.dma_semaphore, #tpu.memory_space<semaphore_mem>>)
    %slice3A_187 = vector.extract_strided_slice %min3A_11 {offsets = [5], sizes = [1], strides = [1]} : vector<16xi32> to vector<1xi32>
    %squeeze3A_188 = vector.extract %slice3A_187[0] : i32 from vector<1xi32>
    %multiple_of3A_189 = tpu.assume_multiple %squeeze3A_188, 128 : i32
    %slice3A_190 = vector.extract_strided_slice %min3A_20 {offsets = [5], sizes = [1], strides = [1]} : vector<16xi32> to vector<1xi32>
    %squeeze3A_191 = vector.extract %slice3A_190[0] : i32 from vector<1xi32>
    %multiple_of3A_192 = tpu.assume_multiple %squeeze3A_191, 128 : i32
    %dma_start3A_193 = arith.constant 0 : i32
    %dma_start3A_194 = arith.constant 5 : i32
    %dma_start3A_195 = arith.constant 0 : i32
    %dma_start3A_196 = arith.constant 0 : i32
    %dma_start3A_197 = tpu.memref_slice %arg11[%dma_start3A_193, %dma_start3A_194, %dma_start3A_195, %dma_start3A_196] : memref<2x8x16x128xf32, #tpu.memory_space<vmem>> -> memref<1x1x16x128xf32, #tpu.memory_space<vmem>>
    %dma_start3A_198 = tpu.memref_squeeze %dma_start3A_197 : memref<1x1x16x128xf32, #tpu.memory_space<vmem>> -> memref<16x128xf32, #tpu.memory_space<vmem>>
    %dma_start3A_199 = arith.constant 0 : i32
    %dma_start3A_200 = tpu.memref_slice %arg2[%dma_start3A_199, %multiple_of3A_189] : memref<16x1000000xf32, #tpu.memory_space<hbm>> -> memref<16x128xf32, #tpu.memory_space<hbm>>
    %dma_start3A_201 = arith.constant 0 : i32
    %dma_start3A_202 = arith.constant 0 : i32
    %dma_start3A_203 = tpu.memref_slice %arg11[%dma_start3A_193, %dma_start3A_194, %dma_start3A_201, %dma_start3A_202] : memref<2x8x16x128xf32, #tpu.memory_space<vmem>> -> memref<1x1x16x128xf32, #tpu.memory_space<vmem>>
    %dma_start3A_204 = tpu.memref_squeeze %dma_start3A_203 : memref<1x1x16x128xf32, #tpu.memory_space<vmem>> -> memref<16x128xf32, #tpu.memory_space<vmem>>
    %dma_start3A_205 = arith.constant 0 : i32
    %dma_start3A_206 = tpu.memref_slice %arg2[%dma_start3A_205, %multiple_of3A_189] : memref<16x1000000xf32, #tpu.memory_space<hbm>> -> memref<16x128xf32, #tpu.memory_space<hbm>>
    tpu.enqueue_dma source(%dma_start3A_206 : memref<16x128xf32, #tpu.memory_space<hbm>>) target(%dma_start3A_204 : memref<16x128xf32, #tpu.memory_space<vmem>>) target_semaphore(%arg17 : memref<!tpu.dma_semaphore, #tpu.memory_space<semaphore_mem>>)
    %dma_start3A_207 = arith.constant 0 : i32
    %dma_start3A_208 = arith.constant 5 : i32
    %dma_start3A_209 = arith.constant 0 : i32
    %dma_start3A_210 = arith.constant 0 : i32
    %dma_start3A_211 = tpu.memref_slice %arg12[%dma_start3A_207, %dma_start3A_208, %dma_start3A_209, %dma_start3A_210] : memref<2x8x16x128xf32, #tpu.memory_space<vmem>> -> memref<1x1x16x128xf32, #tpu.memory_space<vmem>>
    %dma_start3A_212 = tpu.memref_squeeze %dma_start3A_211 : memref<1x1x16x128xf32, #tpu.memory_space<vmem>> -> memref<16x128xf32, #tpu.memory_space<vmem>>
    %dma_start3A_213 = arith.constant 0 : i32
    %dma_start3A_214 = tpu.memref_slice %arg3[%dma_start3A_213, %multiple_of3A_192] : memref<16x1000000xf32, #tpu.memory_space<hbm>> -> memref<16x128xf32, #tpu.memory_space<hbm>>
    %dma_start3A_215 = arith.constant 0 : i32
    %dma_start3A_216 = arith.constant 0 : i32
    %dma_start3A_217 = tpu.memref_slice %arg12[%dma_start3A_207, %dma_start3A_208, %dma_start3A_215, %dma_start3A_216] : memref<2x8x16x128xf32, #tpu.memory_space<vmem>> -> memref<1x1x16x128xf32, #tpu.memory_space<vmem>>
    %dma_start3A_218 = tpu.memref_squeeze %dma_start3A_217 : memref<1x1x16x128xf32, #tpu.memory_space<vmem>> -> memref<16x128xf32, #tpu.memory_space<vmem>>
    %dma_start3A_219 = arith.constant 0 : i32
    %dma_start3A_220 = tpu.memref_slice %arg3[%dma_start3A_219, %multiple_of3A_192] : memref<16x1000000xf32, #tpu.memory_space<hbm>> -> memref<16x128xf32, #tpu.memory_space<hbm>>
    tpu.enqueue_dma source(%dma_start3A_220 : memref<16x128xf32, #tpu.memory_space<hbm>>) target(%dma_start3A_218 : memref<16x128xf32, #tpu.memory_space<vmem>>) target_semaphore(%arg17 : memref<!tpu.dma_semaphore, #tpu.memory_space<semaphore_mem>>)
    %slice3A_221 = vector.extract_strided_slice %min3A_11 {offsets = [6], sizes = [1], strides = [1]} : vector<16xi32> to vector<1xi32>
    %squeeze3A_222 = vector.extract %slice3A_221[0] : i32 from vector<1xi32>
    %multiple_of3A_223 = tpu.assume_multiple %squeeze3A_222, 128 : i32
    %slice3A_224 = vector.extract_strided_slice %min3A_20 {offsets = [6], sizes = [1], strides = [1]} : vector<16xi32> to vector<1xi32>
    %squeeze3A_225 = vector.extract %slice3A_224[0] : i32 from vector<1xi32>
    %multiple_of3A_226 = tpu.assume_multiple %squeeze3A_225, 128 : i32
    %dma_start3A_227 = arith.constant 0 : i32
    %dma_start3A_228 = arith.constant 6 : i32
    %dma_start3A_229 = arith.constant 0 : i32
    %dma_start3A_230 = arith.constant 0 : i32
    %dma_start3A_231 = tpu.memref_slice %arg11[%dma_start3A_227, %dma_start3A_228, %dma_start3A_229, %dma_start3A_230] : memref<2x8x16x128xf32, #tpu.memory_space<vmem>> -> memref<1x1x16x128xf32, #tpu.memory_space<vmem>>
    %dma_start3A_232 = tpu.memref_squeeze %dma_start3A_231 : memref<1x1x16x128xf32, #tpu.memory_space<vmem>> -> memref<16x128xf32, #tpu.memory_space<vmem>>
    %dma_start3A_233 = arith.constant 0 : i32
    %dma_start3A_234 = tpu.memref_slice %arg2[%dma_start3A_233, %multiple_of3A_223] : memref<16x1000000xf32, #tpu.memory_space<hbm>> -> memref<16x128xf32, #tpu.memory_space<hbm>>
    %dma_start3A_235 = arith.constant 0 : i32
    %dma_start3A_236 = arith.constant 0 : i32
    %dma_start3A_237 = tpu.memref_slice %arg11[%dma_start3A_227, %dma_start3A_228, %dma_start3A_235, %dma_start3A_236] : memref<2x8x16x128xf32, #tpu.memory_space<vmem>> -> memref<1x1x16x128xf32, #tpu.memory_space<vmem>>
    %dma_start3A_238 = tpu.memref_squeeze %dma_start3A_237 : memref<1x1x16x128xf32, #tpu.memory_space<vmem>> -> memref<16x128xf32, #tpu.memory_space<vmem>>
    %dma_start3A_239 = arith.constant 0 : i32
    %dma_start3A_240 = tpu.memref_slice %arg2[%dma_start3A_239, %multiple_of3A_223] : memref<16x1000000xf32, #tpu.memory_space<hbm>> -> memref<16x128xf32, #tpu.memory_space<hbm>>
    tpu.enqueue_dma source(%dma_start3A_240 : memref<16x128xf32, #tpu.memory_space<hbm>>) target(%dma_start3A_238 : memref<16x128xf32, #tpu.memory_space<vmem>>) target_semaphore(%arg17 : memref<!tpu.dma_semaphore, #tpu.memory_space<semaphore_mem>>)
    %dma_start3A_241 = arith.constant 0 : i32
    %dma_start3A_242 = arith.constant 6 : i32
    %dma_start3A_243 = arith.constant 0 : i32
    %dma_start3A_244 = arith.constant 0 : i32
    %dma_start3A_245 = tpu.memref_slice %arg12[%dma_start3A_241, %dma_start3A_242, %dma_start3A_243, %dma_start3A_244] : memref<2x8x16x128xf32, #tpu.memory_space<vmem>> -> memref<1x1x16x128xf32, #tpu.memory_space<vmem>>
    %dma_start3A_246 = tpu.memref_squeeze %dma_start3A_245 : memref<1x1x16x128xf32, #tpu.memory_space<vmem>> -> memref<16x128xf32, #tpu.memory_space<vmem>>
    %dma_start3A_247 = arith.constant 0 : i32
    %dma_start3A_248 = tpu.memref_slice %arg3[%dma_start3A_247, %multiple_of3A_226] : memref<16x1000000xf32, #tpu.memory_space<hbm>> -> memref<16x128xf32, #tpu.memory_space<hbm>>
    %dma_start3A_249 = arith.constant 0 : i32
    %dma_start3A_250 = arith.constant 0 : i32
    %dma_start3A_251 = tpu.memref_slice %arg12[%dma_start3A_241, %dma_start3A_242, %dma_start3A_249, %dma_start3A_250] : memref<2x8x16x128xf32, #tpu.memory_space<vmem>> -> memref<1x1x16x128xf32, #tpu.memory_space<vmem>>
    %dma_start3A_252 = tpu.memref_squeeze %dma_start3A_251 : memref<1x1x16x128xf32, #tpu.memory_space<vmem>> -> memref<16x128xf32, #tpu.memory_space<vmem>>
    %dma_start3A_253 = arith.constant 0 : i32
    %dma_start3A_254 = tpu.memref_slice %arg3[%dma_start3A_253, %multiple_of3A_226] : memref<16x1000000xf32, #tpu.memory_space<hbm>> -> memref<16x128xf32, #tpu.memory_space<hbm>>
    tpu.enqueue_dma source(%dma_start3A_254 : memref<16x128xf32, #tpu.memory_space<hbm>>) target(%dma_start3A_252 : memref<16x128xf32, #tpu.memory_space<vmem>>) target_semaphore(%arg17 : memref<!tpu.dma_semaphore, #tpu.memory_space<semaphore_mem>>)
    %slice3A_255 = vector.extract_strided_slice %min3A_11 {offsets = [7], sizes = [1], strides = [1]} : vector<16xi32> to vector<1xi32>
    %squeeze3A_256 = vector.extract %slice3A_255[0] : i32 from vector<1xi32>
    %multiple_of3A_257 = tpu.assume_multiple %squeeze3A_256, 128 : i32
    %slice3A_258 = vector.extract_strided_slice %min3A_20 {offsets = [7], sizes = [1], strides = [1]} : vector<16xi32> to vector<1xi32>
    %squeeze3A_259 = vector.extract %slice3A_258[0] : i32 from vector<1xi32>
    %multiple_of3A_260 = tpu.assume_multiple %squeeze3A_259, 128 : i32
    %dma_start3A_261 = arith.constant 0 : i32
    %dma_start3A_262 = arith.constant 7 : i32
    %dma_start3A_263 = arith.constant 0 : i32
    %dma_start3A_264 = arith.constant 0 : i32
    %dma_start3A_265 = tpu.memref_slice %arg11[%dma_start3A_261, %dma_start3A_262, %dma_start3A_263, %dma_start3A_264] : memref<2x8x16x128xf32, #tpu.memory_space<vmem>> -> memref<1x1x16x128xf32, #tpu.memory_space<vmem>>
    %dma_start3A_266 = tpu.memref_squeeze %dma_start3A_265 : memref<1x1x16x128xf32, #tpu.memory_space<vmem>> -> memref<16x128xf32, #tpu.memory_space<vmem>>
    %dma_start3A_267 = arith.constant 0 : i32
    %dma_start3A_268 = tpu.memref_slice %arg2[%dma_start3A_267, %multiple_of3A_257] : memref<16x1000000xf32, #tpu.memory_space<hbm>> -> memref<16x128xf32, #tpu.memory_space<hbm>>
    %dma_start3A_269 = arith.constant 0 : i32
    %dma_start3A_270 = arith.constant 0 : i32
    %dma_start3A_271 = tpu.memref_slice %arg11[%dma_start3A_261, %dma_start3A_262, %dma_start3A_269, %dma_start3A_270] : memref<2x8x16x128xf32, #tpu.memory_space<vmem>> -> memref<1x1x16x128xf32, #tpu.memory_space<vmem>>
    %dma_start3A_272 = tpu.memref_squeeze %dma_start3A_271 : memref<1x1x16x128xf32, #tpu.memory_space<vmem>> -> memref<16x128xf32, #tpu.memory_space<vmem>>
    %dma_start3A_273 = arith.constant 0 : i32
    %dma_start3A_274 = tpu.memref_slice %arg2[%dma_start3A_273, %multiple_of3A_257] : memref<16x1000000xf32, #tpu.memory_space<hbm>> -> memref<16x128xf32, #tpu.memory_space<hbm>>
    tpu.enqueue_dma source(%dma_start3A_274 : memref<16x128xf32, #tpu.memory_space<hbm>>) target(%dma_start3A_272 : memref<16x128xf32, #tpu.memory_space<vmem>>) target_semaphore(%arg17 : memref<!tpu.dma_semaphore, #tpu.memory_space<semaphore_mem>>)
    %dma_start3A_275 = arith.constant 0 : i32
    %dma_start3A_276 = arith.constant 7 : i32
    %dma_start3A_277 = arith.constant 0 : i32
    %dma_start3A_278 = arith.constant 0 : i32
    %dma_start3A_279 = tpu.memref_slice %arg12[%dma_start3A_275, %dma_start3A_276, %dma_start3A_277, %dma_start3A_278] : memref<2x8x16x128xf32, #tpu.memory_space<vmem>> -> memref<1x1x16x128xf32, #tpu.memory_space<vmem>>
    %dma_start3A_280 = tpu.memref_squeeze %dma_start3A_279 : memref<1x1x16x128xf32, #tpu.memory_space<vmem>> -> memref<16x128xf32, #tpu.memory_space<vmem>>
    %dma_start3A_281 = arith.constant 0 : i32
    %dma_start3A_282 = tpu.memref_slice %arg3[%dma_start3A_281, %multiple_of3A_260] : memref<16x1000000xf32, #tpu.memory_space<hbm>> -> memref<16x128xf32, #tpu.memory_space<hbm>>
    %dma_start3A_283 = arith.constant 0 : i32
    %dma_start3A_284 = arith.constant 0 : i32
    %dma_start3A_285 = tpu.memref_slice %arg12[%dma_start3A_275, %dma_start3A_276, %dma_start3A_283, %dma_start3A_284] : memref<2x8x16x128xf32, #tpu.memory_space<vmem>> -> memref<1x1x16x128xf32, #tpu.memory_space<vmem>>
    %dma_start3A_286 = tpu.memref_squeeze %dma_start3A_285 : memref<1x1x16x128xf32, #tpu.memory_space<vmem>> -> memref<16x128xf32, #tpu.memory_space<vmem>>
    %dma_start3A_287 = arith.constant 0 : i32
    %dma_start3A_288 = tpu.memref_slice %arg3[%dma_start3A_287, %multiple_of3A_260] : memref<16x1000000xf32, #tpu.memory_space<hbm>> -> memref<16x128xf32, #tpu.memory_space<hbm>>
    tpu.enqueue_dma source(%dma_start3A_288 : memref<16x128xf32, #tpu.memory_space<hbm>>) target(%dma_start3A_286 : memref<16x128xf32, #tpu.memory_space<vmem>>) target_semaphore(%arg17 : memref<!tpu.dma_semaphore, #tpu.memory_space<semaphore_mem>>)
    %scan3A = arith.constant 0 : i32
    %scan3A_289 = arith.constant 0 : i32
    %scan3A_290 = arith.constant 32 : i32
    %scan3A_291 = arith.addi %scan3A_289, %scan3A_290 : i32
    %scan3A_292 = arith.constant 1 : i32
    scf.for %scan3A_294 = %scan3A_289 to %scan3A_291 step %scan3A_292  : i32 {
      %mul3A_295 = arith.constant 16 : i32
      %mul3A_296 = arith.muli %scan3A_294, %mul3A_295 : i32
      %get3A_297 = arith.index_cast %mul3A_296 : i32 to index
      %get3A_298 = tpu.vector_load %arg9[%get3A_297] {strides = array<i32>} : memref<512xi32, #tpu.memory_space<vmem>>, vector<16xi32>,
      %mul3A_299 = arith.constant 16 : i32
      %mul3A_300 = arith.muli %scan3A_294, %mul3A_299 : i32
      %get3A_301 = arith.index_cast %mul3A_300 : i32 to index
      %get3A_302 = tpu.vector_load %arg10[%get3A_301] {strides = array<i32>} : memref<512xi32, #tpu.memory_space<vmem>>, vector<16xi32>,
      %ge3A = arith.constant 999936 : i32
      %ge3A_303 = vector.broadcast %ge3A : i32 to vector<16xi32>
      %ge3A_304 = arith.cmpi sge, %get3A_298, %ge3A_303 : vector<16xi32>
      %ge3A_305 = arith.constant 999936 : i32
      %ge3A_306 = vector.broadcast %ge3A_305 : i32 to vector<16xi32>
      %ge3A_307 = arith.cmpi sge, %get3A_302, %ge3A_306 : vector<16xi32>
      %or3A = arith.ori %ge3A_304, %ge3A_307 : vector<16xi1>
      %jit3A = arith.constant 1 : i32
      %jit3A_308 = arith.constant 0 : i32
      %broadcast_in_dim3A = vector.broadcast %jit3A : i32 to vector<16xi32>
      %broadcast_in_dim3A_309 = vector.broadcast %jit3A_308 : i32 to vector<16xi32>
      %select_n3A = arith.select %or3A, %broadcast_in_dim3A, %broadcast_in_dim3A_309 : vector<16xi1>, vector<16xi32>
      %reduce_max3A = arith.constant true
      %reduce_max3A_310 = vector.broadcast %reduce_max3A : i1 to vector<16xi1>
      %reduce_max3A_311 = arith.constant -2147483648 : i32
      %reduce_max3A_312 = vector.broadcast %reduce_max3A_311 : i32 to vector<16xi32>
      %reduce_max3A_313 = arith.xori %select_n3A, %reduce_max3A_312 : vector<16xi32>
      %reduce_max3A_314 = tpu.scan <max>, %reduce_max3A_313 masked %reduce_max3A_310 : vector<16xi32>, vector<16xi1> -> vector<16xi32>
      %reduce_max3A_315 = arith.xori %reduce_max3A_314, %reduce_max3A_312 : vector<16xi32>
      %reduce_max3A_316 = vector.extract %reduce_max3A_315[15] : i32 from vector<16xi32>
      %shift_right_arithmetic3A_317 = arith.constant 7 : i32
      %shift_right_arithmetic3A_318 = vector.broadcast %shift_right_arithmetic3A_317 : i32 to vector<16xi32>
      %shift_right_arithmetic3A_319 = arith.shrsi %get3A_298, %shift_right_arithmetic3A_318 : vector<16xi32>
      %shift_left3A_320 = arith.constant 7 : i32
      %shift_left3A_321 = vector.broadcast %shift_left3A_320 : i32 to vector<16xi32>
      %shift_left3A_322 = arith.shli %shift_right_arithmetic3A_319, %shift_left3A_321 : vector<16xi32>
      %min3A_323 = arith.constant 999808 : i32
      %min3A_324 = vector.broadcast %min3A_323 : i32 to vector<16xi32>
      %min3A_325 = arith.minsi %shift_left3A_322, %min3A_324 : vector<16xi32>
      %shift_right_arithmetic3A_326 = arith.constant 7 : i32
      %shift_right_arithmetic3A_327 = vector.broadcast %shift_right_arithmetic3A_326 : i32 to vector<16xi32>
      %shift_right_arithmetic3A_328 = arith.shrsi %get3A_302, %shift_right_arithmetic3A_327 : vector<16xi32>
      %shift_left3A_329 = arith.constant 7 : i32
      %shift_left3A_330 = vector.broadcast %shift_left3A_329 : i32 to vector<16xi32>
      %shift_left3A_331 = arith.shli %shift_right_arithmetic3A_328, %shift_left3A_330 : vector<16xi32>
      %min3A_332 = arith.constant 999808 : i32
      %min3A_333 = vector.broadcast %min3A_332 : i32 to vector<16xi32>
      %min3A_334 = arith.minsi %shift_left3A_331, %min3A_333 : vector<16xi32>
      %slice3A_335 = vector.extract_strided_slice %min3A_325 {offsets = [8], sizes = [1], strides = [1]} : vector<16xi32> to vector<1xi32>
      %squeeze3A_336 = vector.extract %slice3A_335[0] : i32 from vector<1xi32>
      %multiple_of3A_337 = tpu.assume_multiple %squeeze3A_336, 128 : i32
      %slice3A_338 = vector.extract_strided_slice %min3A_334 {offsets = [8], sizes = [1], strides = [1]} : vector<16xi32> to vector<1xi32>
      %squeeze3A_339 = vector.extract %slice3A_338[0] : i32 from vector<1xi32>
      %multiple_of3A_340 = tpu.assume_multiple %squeeze3A_339, 128 : i32
      %dma_start3A_341 = arith.constant 1 : i32
      %dma_start3A_342 = arith.constant 0 : i32
      %dma_start3A_343 = arith.constant 0 : i32
      %dma_start3A_344 = arith.constant 0 : i32
      %dma_start3A_345 = tpu.memref_slice %arg11[%dma_start3A_341, %dma_start3A_342, %dma_start3A_343, %dma_start3A_344] : memref<2x8x16x128xf32, #tpu.memory_space<vmem>> -> memref<1x1x16x128xf32, #tpu.memory_space<vmem>>
      %dma_start3A_346 = tpu.memref_squeeze %dma_start3A_345 : memref<1x1x16x128xf32, #tpu.memory_space<vmem>> -> memref<16x128xf32, #tpu.memory_space<vmem>>
      %dma_start3A_347 = arith.constant 0 : i32
      %dma_start3A_348 = tpu.memref_slice %arg2[%dma_start3A_347, %multiple_of3A_337] : memref<16x1000000xf32, #tpu.memory_space<hbm>> -> memref<16x128xf32, #tpu.memory_space<hbm>>
      %dma_start3A_349 = arith.constant 0 : i32
      %dma_start3A_350 = arith.constant 0 : i32
      %dma_start3A_351 = tpu.memref_slice %arg11[%dma_start3A_341, %dma_start3A_342, %dma_start3A_349, %dma_start3A_350] : memref<2x8x16x128xf32, #tpu.memory_space<vmem>> -> memref<1x1x16x128xf32, #tpu.memory_space<vmem>>
      %dma_start3A_352 = tpu.memref_squeeze %dma_start3A_351 : memref<1x1x16x128xf32, #tpu.memory_space<vmem>> -> memref<16x128xf32, #tpu.memory_space<vmem>>
      %dma_start3A_353 = arith.constant 0 : i32
      %dma_start3A_354 = tpu.memref_slice %arg2[%dma_start3A_353, %multiple_of3A_337] : memref<16x1000000xf32, #tpu.memory_space<hbm>> -> memref<16x128xf32, #tpu.memory_space<hbm>>
      tpu.enqueue_dma source(%dma_start3A_354 : memref<16x128xf32, #tpu.memory_space<hbm>>) target(%dma_start3A_352 : memref<16x128xf32, #tpu.memory_space<vmem>>) target_semaphore(%arg18 : memref<!tpu.dma_semaphore, #tpu.memory_space<semaphore_mem>>)
      %dma_start3A_355 = arith.constant 1 : i32
      %dma_start3A_356 = arith.constant 0 : i32
      %dma_start3A_357 = arith.constant 0 : i32
      %dma_start3A_358 = arith.constant 0 : i32
      %dma_start3A_359 = tpu.memref_slice %arg12[%dma_start3A_355, %dma_start3A_356, %dma_start3A_357, %dma_start3A_358] : memref<2x8x16x128xf32, #tpu.memory_space<vmem>> -> memref<1x1x16x128xf32, #tpu.memory_space<vmem>>
      %dma_start3A_360 = tpu.memref_squeeze %dma_start3A_359 : memref<1x1x16x128xf32, #tpu.memory_space<vmem>> -> memref<16x128xf32, #tpu.memory_space<vmem>>
      %dma_start3A_361 = arith.constant 0 : i32
      %dma_start3A_362 = tpu.memref_slice %arg3[%dma_start3A_361, %multiple_of3A_340] : memref<16x1000000xf32, #tpu.memory_space<hbm>> -> memref<16x128xf32, #tpu.memory_space<hbm>>
      %dma_start3A_363 = arith.constant 0 : i32
      %dma_start3A_364 = arith.constant 0 : i32
      %dma_start3A_365 = tpu.memref_slice %arg12[%dma_start3A_355, %dma_start3A_356, %dma_start3A_363, %dma_start3A_364] : memref<2x8x16x128xf32, #tpu.memory_space<vmem>> -> memref<1x1x16x128xf32, #tpu.memory_space<vmem>>
      %dma_start3A_366 = tpu.memref_squeeze %dma_start3A_365 : memref<1x1x16x128xf32, #tpu.memory_space<vmem>> -> memref<16x128xf32, #tpu.memory_space<vmem>>
      %dma_start3A_367 = arith.constant 0 : i32
      %dma_start3A_368 = tpu.memref_slice %arg3[%dma_start3A_367, %multiple_of3A_340] : memref<16x1000000xf32, #tpu.memory_space<hbm>> -> memref<16x128xf32, #tpu.memory_space<hbm>>
      tpu.enqueue_dma source(%dma_start3A_368 : memref<16x128xf32, #tpu.memory_space<hbm>>) target(%dma_start3A_366 : memref<16x128xf32, #tpu.memory_space<vmem>>) target_semaphore(%arg18 : memref<!tpu.dma_semaphore, #tpu.memory_space<semaphore_mem>>)
      %slice3A_369 = vector.extract_strided_slice %min3A_325 {offsets = [9], sizes = [1], strides = [1]} : vector<16xi32> to vector<1xi32>
      %squeeze3A_370 = vector.extract %slice3A_369[0] : i32 from vector<1xi32>
      %multiple_of3A_371 = tpu.assume_multiple %squeeze3A_370, 128 : i32
      %slice3A_372 = vector.extract_strided_slice %min3A_334 {offsets = [9], sizes = [1], strides = [1]} : vector<16xi32> to vector<1xi32>
      %squeeze3A_373 = vector.extract %slice3A_372[0] : i32 from vector<1xi32>
      %multiple_of3A_374 = tpu.assume_multiple %squeeze3A_373, 128 : i32
      %dma_start3A_375 = arith.constant 1 : i32
      %dma_start3A_376 = arith.constant 1 : i32
      %dma_start3A_377 = arith.constant 0 : i32
      %dma_start3A_378 = arith.constant 0 : i32
      %dma_start3A_379 = tpu.memref_slice %arg11[%dma_start3A_375, %dma_start3A_376, %dma_start3A_377, %dma_start3A_378] : memref<2x8x16x128xf32, #tpu.memory_space<vmem>> -> memref<1x1x16x128xf32, #tpu.memory_space<vmem>>
      %dma_start3A_380 = tpu.memref_squeeze %dma_start3A_379 : memref<1x1x16x128xf32, #tpu.memory_space<vmem>> -> memref<16x128xf32, #tpu.memory_space<vmem>>
      %dma_start3A_381 = arith.constant 0 : i32
      %dma_start3A_382 = tpu.memref_slice %arg2[%dma_start3A_381, %multiple_of3A_371] : memref<16x1000000xf32, #tpu.memory_space<hbm>> -> memref<16x128xf32, #tpu.memory_space<hbm>>
      %dma_start3A_383 = arith.constant 0 : i32
      %dma_start3A_384 = arith.constant 0 : i32
      %dma_start3A_385 = tpu.memref_slice %arg11[%dma_start3A_375, %dma_start3A_376, %dma_start3A_383, %dma_start3A_384] : memref<2x8x16x128xf32, #tpu.memory_space<vmem>> -> memref<1x1x16x128xf32, #tpu.memory_space<vmem>>
      %dma_start3A_386 = tpu.memref_squeeze %dma_start3A_385 : memref<1x1x16x128xf32, #tpu.memory_space<vmem>> -> memref<16x128xf32, #tpu.memory_space<vmem>>
      %dma_start3A_387 = arith.constant 0 : i32
      %dma_start3A_388 = tpu.memref_slice %arg2[%dma_start3A_387, %multiple_of3A_371] : memref<16x1000000xf32, #tpu.memory_space<hbm>> -> memref<16x128xf32, #tpu.memory_space<hbm>>
      tpu.enqueue_dma source(%dma_start3A_388 : memref<16x128xf32, #tpu.memory_space<hbm>>) target(%dma_start3A_386 : memref<16x128xf32, #tpu.memory_space<vmem>>) target_semaphore(%arg18 : memref<!tpu.dma_semaphore, #tpu.memory_space<semaphore_mem>>)
      %dma_start3A_389 = arith.constant 1 : i32
      %dma_start3A_390 = arith.constant 1 : i32
      %dma_start3A_391 = arith.constant 0 : i32
      %dma_start3A_392 = arith.constant 0 : i32
      %dma_start3A_393 = tpu.memref_slice %arg12[%dma_start3A_389, %dma_start3A_390, %dma_start3A_391, %dma_start3A_392] : memref<2x8x16x128xf32, #tpu.memory_space<vmem>> -> memref<1x1x16x128xf32, #tpu.memory_space<vmem>>
      %dma_start3A_394 = tpu.memref_squeeze %dma_start3A_393 : memref<1x1x16x128xf32, #tpu.memory_space<vmem>> -> memref<16x128xf32, #tpu.memory_space<vmem>>
      %dma_start3A_395 = arith.constant 0 : i32
      %dma_start3A_396 = tpu.memref_slice %arg3[%dma_start3A_395, %multiple_of3A_374] : memref<16x1000000xf32, #tpu.memory_space<hbm>> -> memref<16x128xf32, #tpu.memory_space<hbm>>
      %dma_start3A_397 = arith.constant 0 : i32
      %dma_start3A_398 = arith.constant 0 : i32
      %dma_start3A_399 = tpu.memref_slice %arg12[%dma_start3A_389, %dma_start3A_390, %dma_start3A_397, %dma_start3A_398] : memref<2x8x16x128xf32, #tpu.memory_space<vmem>> -> memref<1x1x16x128xf32, #tpu.memory_space<vmem>>
      %dma_start3A_400 = tpu.memref_squeeze %dma_start3A_399 : memref<1x1x16x128xf32, #tpu.memory_space<vmem>> -> memref<16x128xf32, #tpu.memory_space<vmem>>
      %dma_start3A_401 = arith.constant 0 : i32
      %dma_start3A_402 = tpu.memref_slice %arg3[%dma_start3A_401, %multiple_of3A_374] : memref<16x1000000xf32, #tpu.memory_space<hbm>> -> memref<16x128xf32, #tpu.memory_space<hbm>>
      tpu.enqueue_dma source(%dma_start3A_402 : memref<16x128xf32, #tpu.memory_space<hbm>>) target(%dma_start3A_400 : memref<16x128xf32, #tpu.memory_space<vmem>>) target_semaphore(%arg18 : memref<!tpu.dma_semaphore, #tpu.memory_space<semaphore_mem>>)
      %slice3A_403 = vector.extract_strided_slice %min3A_325 {offsets = [10], sizes = [1], strides = [1]} : vector<16xi32> to vector<1xi32>
      %squeeze3A_404 = vector.extract %slice3A_403[0] : i32 from vector<1xi32>
      %multiple_of3A_405 = tpu.assume_multiple %squeeze3A_404, 128 : i32
      %slice3A_406 = vector.extract_strided_slice %min3A_334 {offsets = [10], sizes = [1], strides = [1]} : vector<16xi32> to vector<1xi32>
      %squeeze3A_407 = vector.extract %slice3A_406[0] : i32 from vector<1xi32>
      %multiple_of3A_408 = tpu.assume_multiple %squeeze3A_407, 128 : i32
      %dma_start3A_409 = arith.constant 1 : i32
      %dma_start3A_410 = arith.constant 2 : i32
      %dma_start3A_411 = arith.constant 0 : i32
      %dma_start3A_412 = arith.constant 0 : i32
      %dma_start3A_413 = tpu.memref_slice %arg11[%dma_start3A_409, %dma_start3A_410, %dma_start3A_411, %dma_start3A_412] : memref<2x8x16x128xf32, #tpu.memory_space<vmem>> -> memref<1x1x16x128xf32, #tpu.memory_space<vmem>>
      %dma_start3A_414 = tpu.memref_squeeze %dma_start3A_413 : memref<1x1x16x128xf32, #tpu.memory_space<vmem>> -> memref<16x128xf32, #tpu.memory_space<vmem>>
      %dma_start3A_415 = arith.constant 0 : i32
      %dma_start3A_416 = tpu.memref_slice %arg2[%dma_start3A_415, %multiple_of3A_405] : memref<16x1000000xf32, #tpu.memory_space<hbm>> -> memref<16x128xf32, #tpu.memory_space<hbm>>
      %dma_start3A_417 = arith.constant 0 : i32
      %dma_start3A_418 = arith.constant 0 : i32
      %dma_start3A_419 = tpu.memref_slice %arg11[%dma_start3A_409, %dma_start3A_410, %dma_start3A_417, %dma_start3A_418] : memref<2x8x16x128xf32, #tpu.memory_space<vmem>> -> memref<1x1x16x128xf32, #tpu.memory_space<vmem>>
      %dma_start3A_420 = tpu.memref_squeeze %dma_start3A_419 : memref<1x1x16x128xf32, #tpu.memory_space<vmem>> -> memref<16x128xf32, #tpu.memory_space<vmem>>
      %dma_start3A_421 = arith.constant 0 : i32
      %dma_start3A_422 = tpu.memref_slice %arg2[%dma_start3A_421, %multiple_of3A_405] : memref<16x1000000xf32, #tpu.memory_space<hbm>> -> memref<16x128xf32, #tpu.memory_space<hbm>>
      tpu.enqueue_dma source(%dma_start3A_422 : memref<16x128xf32, #tpu.memory_space<hbm>>) target(%dma_start3A_420 : memref<16x128xf32, #tpu.memory_space<vmem>>) target_semaphore(%arg18 : memref<!tpu.dma_semaphore, #tpu.memory_space<semaphore_mem>>)
      %dma_start3A_423 = arith.constant 1 : i32
      %dma_start3A_424 = arith.constant 2 : i32
      %dma_start3A_425 = arith.constant 0 : i32
      %dma_start3A_426 = arith.constant 0 : i32
      %dma_start3A_427 = tpu.memref_slice %arg12[%dma_start3A_423, %dma_start3A_424, %dma_start3A_425, %dma_start3A_426] : memref<2x8x16x128xf32, #tpu.memory_space<vmem>> -> memref<1x1x16x128xf32, #tpu.memory_space<vmem>>
      %dma_start3A_428 = tpu.memref_squeeze %dma_start3A_427 : memref<1x1x16x128xf32, #tpu.memory_space<vmem>> -> memref<16x128xf32, #tpu.memory_space<vmem>>
      %dma_start3A_429 = arith.constant 0 : i32
      %dma_start3A_430 = tpu.memref_slice %arg3[%dma_start3A_429, %multiple_of3A_408] : memref<16x1000000xf32, #tpu.memory_space<hbm>> -> memref<16x128xf32, #tpu.memory_space<hbm>>
      %dma_start3A_431 = arith.constant 0 : i32
      %dma_start3A_432 = arith.constant 0 : i32
      %dma_start3A_433 = tpu.memref_slice %arg12[%dma_start3A_423, %dma_start3A_424, %dma_start3A_431, %dma_start3A_432] : memref<2x8x16x128xf32, #tpu.memory_space<vmem>> -> memref<1x1x16x128xf32, #tpu.memory_space<vmem>>
      %dma_start3A_434 = tpu.memref_squeeze %dma_start3A_433 : memref<1x1x16x128xf32, #tpu.memory_space<vmem>> -> memref<16x128xf32, #tpu.memory_space<vmem>>
      %dma_start3A_435 = arith.constant 0 : i32
      %dma_start3A_436 = tpu.memref_slice %arg3[%dma_start3A_435, %multiple_of3A_408] : memref<16x1000000xf32, #tpu.memory_space<hbm>> -> memref<16x128xf32, #tpu.memory_space<hbm>>
      tpu.enqueue_dma source(%dma_start3A_436 : memref<16x128xf32, #tpu.memory_space<hbm>>) target(%dma_start3A_434 : memref<16x128xf32, #tpu.memory_space<vmem>>) target_semaphore(%arg18 : memref<!tpu.dma_semaphore, #tpu.memory_space<semaphore_mem>>)
      %slice3A_437 = vector.extract_strided_slice %min3A_325 {offsets = [11], sizes = [1], strides = [1]} : vector<16xi32> to vector<1xi32>
      %squeeze3A_438 = vector.extract %slice3A_437[0] : i32 from vector<1xi32>
      %multiple_of3A_439 = tpu.assume_multiple %squeeze3A_438, 128 : i32
      %slice3A_440 = vector.extract_strided_slice %min3A_334 {offsets = [11], sizes = [1], strides = [1]} : vector<16xi32> to vector<1xi32>
      %squeeze3A_441 = vector.extract %slice3A_440[0] : i32 from vector<1xi32>
      %multiple_of3A_442 = tpu.assume_multiple %squeeze3A_441, 128 : i32
      %dma_start3A_443 = arith.constant 1 : i32
      %dma_start3A_444 = arith.constant 3 : i32
      %dma_start3A_445 = arith.constant 0 : i32
      %dma_start3A_446 = arith.constant 0 : i32
      %dma_start3A_447 = tpu.memref_slice %arg11[%dma_start3A_443, %dma_start3A_444, %dma_start3A_445, %dma_start3A_446] : memref<2x8x16x128xf32, #tpu.memory_space<vmem>> -> memref<1x1x16x128xf32, #tpu.memory_space<vmem>>
      %dma_start3A_448 = tpu.memref_squeeze %dma_start3A_447 : memref<1x1x16x128xf32, #tpu.memory_space<vmem>> -> memref<16x128xf32, #tpu.memory_space<vmem>>
      %dma_start3A_449 = arith.constant 0 : i32
      %dma_start3A_450 = tpu.memref_slice %arg2[%dma_start3A_449, %multiple_of3A_439] : memref<16x1000000xf32, #tpu.memory_space<hbm>> -> memref<16x128xf32, #tpu.memory_space<hbm>>
      %dma_start3A_451 = arith.constant 0 : i32
      %dma_start3A_452 = arith.constant 0 : i32
      %dma_start3A_453 = tpu.memref_slice %arg11[%dma_start3A_443, %dma_start3A_444, %dma_start3A_451, %dma_start3A_452] : memref<2x8x16x128xf32, #tpu.memory_space<vmem>> -> memref<1x1x16x128xf32, #tpu.memory_space<vmem>>
      %dma_start3A_454 = tpu.memref_squeeze %dma_start3A_453 : memref<1x1x16x128xf32, #tpu.memory_space<vmem>> -> memref<16x128xf32, #tpu.memory_space<vmem>>
      %dma_start3A_455 = arith.constant 0 : i32
      %dma_start3A_456 = tpu.memref_slice %arg2[%dma_start3A_455, %multiple_of3A_439] : memref<16x1000000xf32, #tpu.memory_space<hbm>> -> memref<16x128xf32, #tpu.memory_space<hbm>>
      tpu.enqueue_dma source(%dma_start3A_456 : memref<16x128xf32, #tpu.memory_space<hbm>>) target(%dma_start3A_454 : memref<16x128xf32, #tpu.memory_space<vmem>>) target_semaphore(%arg18 : memref<!tpu.dma_semaphore, #tpu.memory_space<semaphore_mem>>)
      %dma_start3A_457 = arith.constant 1 : i32
      %dma_start3A_458 = arith.constant 3 : i32
      %dma_start3A_459 = arith.constant 0 : i32
      %dma_start3A_460 = arith.constant 0 : i32
      %dma_start3A_461 = tpu.memref_slice %arg12[%dma_start3A_457, %dma_start3A_458, %dma_start3A_459, %dma_start3A_460] : memref<2x8x16x128xf32, #tpu.memory_space<vmem>> -> memref<1x1x16x128xf32, #tpu.memory_space<vmem>>
      %dma_start3A_462 = tpu.memref_squeeze %dma_start3A_461 : memref<1x1x16x128xf32, #tpu.memory_space<vmem>> -> memref<16x128xf32, #tpu.memory_space<vmem>>
      %dma_start3A_463 = arith.constant 0 : i32
      %dma_start3A_464 = tpu.memref_slice %arg3[%dma_start3A_463, %multiple_of3A_442] : memref<16x1000000xf32, #tpu.memory_space<hbm>> -> memref<16x128xf32, #tpu.memory_space<hbm>>
      %dma_start3A_465 = arith.constant 0 : i32
      %dma_start3A_466 = arith.constant 0 : i32
      %dma_start3A_467 = tpu.memref_slice %arg12[%dma_start3A_457, %dma_start3A_458, %dma_start3A_465, %dma_start3A_466] : memref<2x8x16x128xf32, #tpu.memory_space<vmem>> -> memref<1x1x16x128xf32, #tpu.memory_space<vmem>>
      %dma_start3A_468 = tpu.memref_squeeze %dma_start3A_467 : memref<1x1x16x128xf32, #tpu.memory_space<vmem>> -> memref<16x128xf32, #tpu.memory_space<vmem>>
      %dma_start3A_469 = arith.constant 0 : i32
      %dma_start3A_470 = tpu.memref_slice %arg3[%dma_start3A_469, %multiple_of3A_442] : memref<16x1000000xf32, #tpu.memory_space<hbm>> -> memref<16x128xf32, #tpu.memory_space<hbm>>
      tpu.enqueue_dma source(%dma_start3A_470 : memref<16x128xf32, #tpu.memory_space<hbm>>) target(%dma_start3A_468 : memref<16x128xf32, #tpu.memory_space<vmem>>) target_semaphore(%arg18 : memref<!tpu.dma_semaphore, #tpu.memory_space<semaphore_mem>>)
      %slice3A_471 = vector.extract_strided_slice %min3A_325 {offsets = [12], sizes = [1], strides = [1]} : vector<16xi32> to vector<1xi32>
      %squeeze3A_472 = vector.extract %slice3A_471[0] : i32 from vector<1xi32>
      %multiple_of3A_473 = tpu.assume_multiple %squeeze3A_472, 128 : i32
      %slice3A_474 = vector.extract_strided_slice %min3A_334 {offsets = [12], sizes = [1], strides = [1]} : vector<16xi32> to vector<1xi32>
      %squeeze3A_475 = vector.extract %slice3A_474[0] : i32 from vector<1xi32>
      %multiple_of3A_476 = tpu.assume_multiple %squeeze3A_475, 128 : i32
      %dma_start3A_477 = arith.constant 1 : i32
      %dma_start3A_478 = arith.constant 4 : i32
      %dma_start3A_479 = arith.constant 0 : i32
      %dma_start3A_480 = arith.constant 0 : i32
      %dma_start3A_481 = tpu.memref_slice %arg11[%dma_start3A_477, %dma_start3A_478, %dma_start3A_479, %dma_start3A_480] : memref<2x8x16x128xf32, #tpu.memory_space<vmem>> -> memref<1x1x16x128xf32, #tpu.memory_space<vmem>>
      %dma_start3A_482 = tpu.memref_squeeze %dma_start3A_481 : memref<1x1x16x128xf32, #tpu.memory_space<vmem>> -> memref<16x128xf32, #tpu.memory_space<vmem>>
      %dma_start3A_483 = arith.constant 0 : i32
      %dma_start3A_484 = tpu.memref_slice %arg2[%dma_start3A_483, %multiple_of3A_473] : memref<16x1000000xf32, #tpu.memory_space<hbm>> -> memref<16x128xf32, #tpu.memory_space<hbm>>
      %dma_start3A_485 = arith.constant 0 : i32
      %dma_start3A_486 = arith.constant 0 : i32
      %dma_start3A_487 = tpu.memref_slice %arg11[%dma_start3A_477, %dma_start3A_478, %dma_start3A_485, %dma_start3A_486] : memref<2x8x16x128xf32, #tpu.memory_space<vmem>> -> memref<1x1x16x128xf32, #tpu.memory_space<vmem>>
      %dma_start3A_488 = tpu.memref_squeeze %dma_start3A_487 : memref<1x1x16x128xf32, #tpu.memory_space<vmem>> -> memref<16x128xf32, #tpu.memory_space<vmem>>
      %dma_start3A_489 = arith.constant 0 : i32
      %dma_start3A_490 = tpu.memref_slice %arg2[%dma_start3A_489, %multiple_of3A_473] : memref<16x1000000xf32, #tpu.memory_space<hbm>> -> memref<16x128xf32, #tpu.memory_space<hbm>>
      tpu.enqueue_dma source(%dma_start3A_490 : memref<16x128xf32, #tpu.memory_space<hbm>>) target(%dma_start3A_488 : memref<16x128xf32, #tpu.memory_space<vmem>>) target_semaphore(%arg18 : memref<!tpu.dma_semaphore, #tpu.memory_space<semaphore_mem>>)
      %dma_start3A_491 = arith.constant 1 : i32
      %dma_start3A_492 = arith.constant 4 : i32
      %dma_start3A_493 = arith.constant 0 : i32
      %dma_start3A_494 = arith.constant 0 : i32
      %dma_start3A_495 = tpu.memref_slice %arg12[%dma_start3A_491, %dma_start3A_492, %dma_start3A_493, %dma_start3A_494] : memref<2x8x16x128xf32, #tpu.memory_space<vmem>> -> memref<1x1x16x128xf32, #tpu.memory_space<vmem>>
      %dma_start3A_496 = tpu.memref_squeeze %dma_start3A_495 : memref<1x1x16x128xf32, #tpu.memory_space<vmem>> -> memref<16x128xf32, #tpu.memory_space<vmem>>
      %dma_start3A_497 = arith.constant 0 : i32
      %dma_start3A_498 = tpu.memref_slice %arg3[%dma_start3A_497, %multiple_of3A_476] : memref<16x1000000xf32, #tpu.memory_space<hbm>> -> memref<16x128xf32, #tpu.memory_space<hbm>>
      %dma_start3A_499 = arith.constant 0 : i32
      %dma_start3A_500 = arith.constant 0 : i32
      %dma_start3A_501 = tpu.memref_slice %arg12[%dma_start3A_491, %dma_start3A_492, %dma_start3A_499, %dma_start3A_500] : memref<2x8x16x128xf32, #tpu.memory_space<vmem>> -> memref<1x1x16x128xf32, #tpu.memory_space<vmem>>
      %dma_start3A_502 = tpu.memref_squeeze %dma_start3A_501 : memref<1x1x16x128xf32, #tpu.memory_space<vmem>> -> memref<16x128xf32, #tpu.memory_space<vmem>>
      %dma_start3A_503 = arith.constant 0 : i32
      %dma_start3A_504 = tpu.memref_slice %arg3[%dma_start3A_503, %multiple_of3A_476] : memref<16x1000000xf32, #tpu.memory_space<hbm>> -> memref<16x128xf32, #tpu.memory_space<hbm>>
      tpu.enqueue_dma source(%dma_start3A_504 : memref<16x128xf32, #tpu.memory_space<hbm>>) target(%dma_start3A_502 : memref<16x128xf32, #tpu.memory_space<vmem>>) target_semaphore(%arg18 : memref<!tpu.dma_semaphore, #tpu.memory_space<semaphore_mem>>)
      %slice3A_505 = vector.extract_strided_slice %min3A_325 {offsets = [13], sizes = [1], strides = [1]} : vector<16xi32> to vector<1xi32>
      %squeeze3A_506 = vector.extract %slice3A_505[0] : i32 from vector<1xi32>
      %multiple_of3A_507 = tpu.assume_multiple %squeeze3A_506, 128 : i32
      %slice3A_508 = vector.extract_strided_slice %min3A_334 {offsets = [13], sizes = [1], strides = [1]} : vector<16xi32> to vector<1xi32>
      %squeeze3A_509 = vector.extract %slice3A_508[0] : i32 from vector<1xi32>
      %multiple_of3A_510 = tpu.assume_multiple %squeeze3A_509, 128 : i32
      %dma_start3A_511 = arith.constant 1 : i32
      %dma_start3A_512 = arith.constant 5 : i32
      %dma_start3A_513 = arith.constant 0 : i32
      %dma_start3A_514 = arith.constant 0 : i32
      %dma_start3A_515 = tpu.memref_slice %arg11[%dma_start3A_511, %dma_start3A_512, %dma_start3A_513, %dma_start3A_514] : memref<2x8x16x128xf32, #tpu.memory_space<vmem>> -> memref<1x1x16x128xf32, #tpu.memory_space<vmem>>
      %dma_start3A_516 = tpu.memref_squeeze %dma_start3A_515 : memref<1x1x16x128xf32, #tpu.memory_space<vmem>> -> memref<16x128xf32, #tpu.memory_space<vmem>>
      %dma_start3A_517 = arith.constant 0 : i32
      %dma_start3A_518 = tpu.memref_slice %arg2[%dma_start3A_517, %multiple_of3A_507] : memref<16x1000000xf32, #tpu.memory_space<hbm>> -> memref<16x128xf32, #tpu.memory_space<hbm>>
      %dma_start3A_519 = arith.constant 0 : i32
      %dma_start3A_520 = arith.constant 0 : i32
      %dma_start3A_521 = tpu.memref_slice %arg11[%dma_start3A_511, %dma_start3A_512, %dma_start3A_519, %dma_start3A_520] : memref<2x8x16x128xf32, #tpu.memory_space<vmem>> -> memref<1x1x16x128xf32, #tpu.memory_space<vmem>>
      %dma_start3A_522 = tpu.memref_squeeze %dma_start3A_521 : memref<1x1x16x128xf32, #tpu.memory_space<vmem>> -> memref<16x128xf32, #tpu.memory_space<vmem>>
      %dma_start3A_523 = arith.constant 0 : i32
      %dma_start3A_524 = tpu.memref_slice %arg2[%dma_start3A_523, %multiple_of3A_507] : memref<16x1000000xf32, #tpu.memory_space<hbm>> -> memref<16x128xf32, #tpu.memory_space<hbm>>
      tpu.enqueue_dma source(%dma_start3A_524 : memref<16x128xf32, #tpu.memory_space<hbm>>) target(%dma_start3A_522 : memref<16x128xf32, #tpu.memory_space<vmem>>) target_semaphore(%arg18 : memref<!tpu.dma_semaphore, #tpu.memory_space<semaphore_mem>>)
      %dma_start3A_525 = arith.constant 1 : i32
      %dma_start3A_526 = arith.constant 5 : i32
      %dma_start3A_527 = arith.constant 0 : i32
      %dma_start3A_528 = arith.constant 0 : i32
      %dma_start3A_529 = tpu.memref_slice %arg12[%dma_start3A_525, %dma_start3A_526, %dma_start3A_527, %dma_start3A_528] : memref<2x8x16x128xf32, #tpu.memory_space<vmem>> -> memref<1x1x16x128xf32, #tpu.memory_space<vmem>>
      %dma_start3A_530 = tpu.memref_squeeze %dma_start3A_529 : memref<1x1x16x128xf32, #tpu.memory_space<vmem>> -> memref<16x128xf32, #tpu.memory_space<vmem>>
      %dma_start3A_531 = arith.constant 0 : i32
      %dma_start3A_532 = tpu.memref_slice %arg3[%dma_start3A_531, %multiple_of3A_510] : memref<16x1000000xf32, #tpu.memory_space<hbm>> -> memref<16x128xf32, #tpu.memory_space<hbm>>
      %dma_start3A_533 = arith.constant 0 : i32
      %dma_start3A_534 = arith.constant 0 : i32
      %dma_start3A_535 = tpu.memref_slice %arg12[%dma_start3A_525, %dma_start3A_526, %dma_start3A_533, %dma_start3A_534] : memref<2x8x16x128xf32, #tpu.memory_space<vmem>> -> memref<1x1x16x128xf32, #tpu.memory_space<vmem>>
      %dma_start3A_536 = tpu.memref_squeeze %dma_start3A_535 : memref<1x1x16x128xf32, #tpu.memory_space<vmem>> -> memref<16x128xf32, #tpu.memory_space<vmem>>
      %dma_start3A_537 = arith.constant 0 : i32
      %dma_start3A_538 = tpu.memref_slice %arg3[%dma_start3A_537, %multiple_of3A_510] : memref<16x1000000xf32, #tpu.memory_space<hbm>> -> memref<16x128xf32, #tpu.memory_space<hbm>>
      tpu.enqueue_dma source(%dma_start3A_538 : memref<16x128xf32, #tpu.memory_space<hbm>>) target(%dma_start3A_536 : memref<16x128xf32, #tpu.memory_space<vmem>>) target_semaphore(%arg18 : memref<!tpu.dma_semaphore, #tpu.memory_space<semaphore_mem>>)
      %slice3A_539 = vector.extract_strided_slice %min3A_325 {offsets = [14], sizes = [1], strides = [1]} : vector<16xi32> to vector<1xi32>
      %squeeze3A_540 = vector.extract %slice3A_539[0] : i32 from vector<1xi32>
      %multiple_of3A_541 = tpu.assume_multiple %squeeze3A_540, 128 : i32
      %slice3A_542 = vector.extract_strided_slice %min3A_334 {offsets = [14], sizes = [1], strides = [1]} : vector<16xi32> to vector<1xi32>
      %squeeze3A_543 = vector.extract %slice3A_542[0] : i32 from vector<1xi32>
      %multiple_of3A_544 = tpu.assume_multiple %squeeze3A_543, 128 : i32
      %dma_start3A_545 = arith.constant 1 : i32
      %dma_start3A_546 = arith.constant 6 : i32
      %dma_start3A_547 = arith.constant 0 : i32
      %dma_start3A_548 = arith.constant 0 : i32
      %dma_start3A_549 = tpu.memref_slice %arg11[%dma_start3A_545, %dma_start3A_546, %dma_start3A_547, %dma_start3A_548] : memref<2x8x16x128xf32, #tpu.memory_space<vmem>> -> memref<1x1x16x128xf32, #tpu.memory_space<vmem>>
      %dma_start3A_550 = tpu.memref_squeeze %dma_start3A_549 : memref<1x1x16x128xf32, #tpu.memory_space<vmem>> -> memref<16x128xf32, #tpu.memory_space<vmem>>
      %dma_start3A_551 = arith.constant 0 : i32
      %dma_start3A_552 = tpu.memref_slice %arg2[%dma_start3A_551, %multiple_of3A_541] : memref<16x1000000xf32, #tpu.memory_space<hbm>> -> memref<16x128xf32, #tpu.memory_space<hbm>>
      %dma_start3A_553 = arith.constant 0 : i32
      %dma_start3A_554 = arith.constant 0 : i32
      %dma_start3A_555 = tpu.memref_slice %arg11[%dma_start3A_545, %dma_start3A_546, %dma_start3A_553, %dma_start3A_554] : memref<2x8x16x128xf32, #tpu.memory_space<vmem>> -> memref<1x1x16x128xf32, #tpu.memory_space<vmem>>
      %dma_start3A_556 = tpu.memref_squeeze %dma_start3A_555 : memref<1x1x16x128xf32, #tpu.memory_space<vmem>> -> memref<16x128xf32, #tpu.memory_space<vmem>>
      %dma_start3A_557 = arith.constant 0 : i32
      %dma_start3A_558 = tpu.memref_slice %arg2[%dma_start3A_557, %multiple_of3A_541] : memref<16x1000000xf32, #tpu.memory_space<hbm>> -> memref<16x128xf32, #tpu.memory_space<hbm>>
      tpu.enqueue_dma source(%dma_start3A_558 : memref<16x128xf32, #tpu.memory_space<hbm>>) target(%dma_start3A_556 : memref<16x128xf32, #tpu.memory_space<vmem>>) target_semaphore(%arg18 : memref<!tpu.dma_semaphore, #tpu.memory_space<semaphore_mem>>)
      %dma_start3A_559 = arith.constant 1 : i32
      %dma_start3A_560 = arith.constant 6 : i32
      %dma_start3A_561 = arith.constant 0 : i32
      %dma_start3A_562 = arith.constant 0 : i32
      %dma_start3A_563 = tpu.memref_slice %arg12[%dma_start3A_559, %dma_start3A_560, %dma_start3A_561, %dma_start3A_562] : memref<2x8x16x128xf32, #tpu.memory_space<vmem>> -> memref<1x1x16x128xf32, #tpu.memory_space<vmem>>
      %dma_start3A_564 = tpu.memref_squeeze %dma_start3A_563 : memref<1x1x16x128xf32, #tpu.memory_space<vmem>> -> memref<16x128xf32, #tpu.memory_space<vmem>>
      %dma_start3A_565 = arith.constant 0 : i32
      %dma_start3A_566 = tpu.memref_slice %arg3[%dma_start3A_565, %multiple_of3A_544] : memref<16x1000000xf32, #tpu.memory_space<hbm>> -> memref<16x128xf32, #tpu.memory_space<hbm>>
      %dma_start3A_567 = arith.constant 0 : i32
      %dma_start3A_568 = arith.constant 0 : i32
      %dma_start3A_569 = tpu.memref_slice %arg12[%dma_start3A_559, %dma_start3A_560, %dma_start3A_567, %dma_start3A_568] : memref<2x8x16x128xf32, #tpu.memory_space<vmem>> -> memref<1x1x16x128xf32, #tpu.memory_space<vmem>>
      %dma_start3A_570 = tpu.memref_squeeze %dma_start3A_569 : memref<1x1x16x128xf32, #tpu.memory_space<vmem>> -> memref<16x128xf32, #tpu.memory_space<vmem>>
      %dma_start3A_571 = arith.constant 0 : i32
      %dma_start3A_572 = tpu.memref_slice %arg3[%dma_start3A_571, %multiple_of3A_544] : memref<16x1000000xf32, #tpu.memory_space<hbm>> -> memref<16x128xf32, #tpu.memory_space<hbm>>
      tpu.enqueue_dma source(%dma_start3A_572 : memref<16x128xf32, #tpu.memory_space<hbm>>) target(%dma_start3A_570 : memref<16x128xf32, #tpu.memory_space<vmem>>) target_semaphore(%arg18 : memref<!tpu.dma_semaphore, #tpu.memory_space<semaphore_mem>>)
      %slice3A_573 = vector.extract_strided_slice %min3A_325 {offsets = [15], sizes = [1], strides = [1]} : vector<16xi32> to vector<1xi32>
      %squeeze3A_574 = vector.extract %slice3A_573[0] : i32 from vector<1xi32>
      %multiple_of3A_575 = tpu.assume_multiple %squeeze3A_574, 128 : i32
      %slice3A_576 = vector.extract_strided_slice %min3A_334 {offsets = [15], sizes = [1], strides = [1]} : vector<16xi32> to vector<1xi32>
      %squeeze3A_577 = vector.extract %slice3A_576[0] : i32 from vector<1xi32>
      %multiple_of3A_578 = tpu.assume_multiple %squeeze3A_577, 128 : i32
      %dma_start3A_579 = arith.constant 1 : i32
      %dma_start3A_580 = arith.constant 7 : i32
      %dma_start3A_581 = arith.constant 0 : i32
      %dma_start3A_582 = arith.constant 0 : i32
      %dma_start3A_583 = tpu.memref_slice %arg11[%dma_start3A_579, %dma_start3A_580, %dma_start3A_581, %dma_start3A_582] : memref<2x8x16x128xf32, #tpu.memory_space<vmem>> -> memref<1x1x16x128xf32, #tpu.memory_space<vmem>>
      %dma_start3A_584 = tpu.memref_squeeze %dma_start3A_583 : memref<1x1x16x128xf32, #tpu.memory_space<vmem>> -> memref<16x128xf32, #tpu.memory_space<vmem>>
      %dma_start3A_585 = arith.constant 0 : i32
      %dma_start3A_586 = tpu.memref_slice %arg2[%dma_start3A_585, %multiple_of3A_575] : memref<16x1000000xf32, #tpu.memory_space<hbm>> -> memref<16x128xf32, #tpu.memory_space<hbm>>
      %dma_start3A_587 = arith.constant 0 : i32
      %dma_start3A_588 = arith.constant 0 : i32
      %dma_start3A_589 = tpu.memref_slice %arg11[%dma_start3A_579, %dma_start3A_580, %dma_start3A_587, %dma_start3A_588] : memref<2x8x16x128xf32, #tpu.memory_space<vmem>> -> memref<1x1x16x128xf32, #tpu.memory_space<vmem>>
      %dma_start3A_590 = tpu.memref_squeeze %dma_start3A_589 : memref<1x1x16x128xf32, #tpu.memory_space<vmem>> -> memref<16x128xf32, #tpu.memory_space<vmem>>
      %dma_start3A_591 = arith.constant 0 : i32
      %dma_start3A_592 = tpu.memref_slice %arg2[%dma_start3A_591, %multiple_of3A_575] : memref<16x1000000xf32, #tpu.memory_space<hbm>> -> memref<16x128xf32, #tpu.memory_space<hbm>>
      tpu.enqueue_dma source(%dma_start3A_592 : memref<16x128xf32, #tpu.memory_space<hbm>>) target(%dma_start3A_590 : memref<16x128xf32, #tpu.memory_space<vmem>>) target_semaphore(%arg18 : memref<!tpu.dma_semaphore, #tpu.memory_space<semaphore_mem>>)
      %dma_start3A_593 = arith.constant 1 : i32
      %dma_start3A_594 = arith.constant 7 : i32
      %dma_start3A_595 = arith.constant 0 : i32
      %dma_start3A_596 = arith.constant 0 : i32
      %dma_start3A_597 = tpu.memref_slice %arg12[%dma_start3A_593, %dma_start3A_594, %dma_start3A_595, %dma_start3A_596] : memref<2x8x16x128xf32, #tpu.memory_space<vmem>> -> memref<1x1x16x128xf32, #tpu.memory_space<vmem>>
      %dma_start3A_598 = tpu.memref_squeeze %dma_start3A_597 : memref<1x1x16x128xf32, #tpu.memory_space<vmem>> -> memref<16x128xf32, #tpu.memory_space<vmem>>
      %dma_start3A_599 = arith.constant 0 : i32
      %dma_start3A_600 = tpu.memref_slice %arg3[%dma_start3A_599, %multiple_of3A_578] : memref<16x1000000xf32, #tpu.memory_space<hbm>> -> memref<16x128xf32, #tpu.memory_space<hbm>>
      %dma_start3A_601 = arith.constant 0 : i32
      %dma_start3A_602 = arith.constant 0 : i32
      %dma_start3A_603 = tpu.memref_slice %arg12[%dma_start3A_593, %dma_start3A_594, %dma_start3A_601, %dma_start3A_602] : memref<2x8x16x128xf32, #tpu.memory_space<vmem>> -> memref<1x1x16x128xf32, #tpu.memory_space<vmem>>
      %dma_start3A_604 = tpu.memref_squeeze %dma_start3A_603 : memref<1x1x16x128xf32, #tpu.memory_space<vmem>> -> memref<16x128xf32, #tpu.memory_space<vmem>>
      %dma_start3A_605 = arith.constant 0 : i32
      %dma_start3A_606 = tpu.memref_slice %arg3[%dma_start3A_605, %multiple_of3A_578] : memref<16x1000000xf32, #tpu.memory_space<hbm>> -> memref<16x128xf32, #tpu.memory_space<hbm>>
      tpu.enqueue_dma source(%dma_start3A_606 : memref<16x128xf32, #tpu.memory_space<hbm>>) target(%dma_start3A_604 : memref<16x128xf32, #tpu.memory_space<vmem>>) target_semaphore(%arg18 : memref<!tpu.dma_semaphore, #tpu.memory_space<semaphore_mem>>)
      %dma_wait3A = arith.constant 0 : i32
      %dma_wait3A_607 = arith.constant 0 : i32
      %dma_wait3A_608 = arith.constant 0 : i32
      %dma_wait3A_609 = arith.constant 0 : i32
      %dma_wait3A_610 = tpu.memref_slice %arg11[%dma_wait3A, %dma_wait3A_607, %dma_wait3A_608, %dma_wait3A_609] : memref<2x8x16x128xf32, #tpu.memory_space<vmem>> -> memref<1x8x16x128xf32, #tpu.memory_space<vmem>>
      %dma_wait3A_611 = tpu.memref_squeeze %dma_wait3A_610 : memref<1x8x16x128xf32, #tpu.memory_space<vmem>> -> memref<8x16x128xf32, #tpu.memory_space<vmem>>
      %dma_wait3A_612 = arith.constant 0 : i32
      %dma_wait3A_613 = arith.constant 0 : i32
      %dma_wait3A_614 = arith.constant 0 : i32
      %dma_wait3A_615 = tpu.memref_slice %arg11[%dma_wait3A, %dma_wait3A_612, %dma_wait3A_613, %dma_wait3A_614] : memref<2x8x16x128xf32, #tpu.memory_space<vmem>> -> memref<1x8x16x128xf32, #tpu.memory_space<vmem>>
      %dma_wait3A_616 = tpu.memref_squeeze %dma_wait3A_615 : memref<1x8x16x128xf32, #tpu.memory_space<vmem>> -> memref<8x16x128xf32, #tpu.memory_space<vmem>>
      tpu.wait_dma2 semaphore(%arg17 : memref<!tpu.dma_semaphore, #tpu.memory_space<semaphore_mem>>) src(%arg16 : memref<8x16x128xf32, #tpu.memory_space<hbm>>) dst(%dma_wait3A_616 : memref<8x16x128xf32, #tpu.memory_space<vmem>>)
      %dma_wait3A_617 = arith.constant 0 : i32
      %dma_wait3A_618 = arith.constant 0 : i32
      %dma_wait3A_619 = arith.constant 0 : i32
      %dma_wait3A_620 = arith.constant 0 : i32
      %dma_wait3A_621 = tpu.memref_slice %arg12[%dma_wait3A_617, %dma_wait3A_618, %dma_wait3A_619, %dma_wait3A_620] : memref<2x8x16x128xf32, #tpu.memory_space<vmem>> -> memref<1x8x16x128xf32, #tpu.memory_space<vmem>>
      %dma_wait3A_622 = tpu.memref_squeeze %dma_wait3A_621 : memref<1x8x16x128xf32, #tpu.memory_space<vmem>> -> memref<8x16x128xf32, #tpu.memory_space<vmem>>
      %dma_wait3A_623 = arith.constant 0 : i32
      %dma_wait3A_624 = arith.constant 0 : i32
      %dma_wait3A_625 = arith.constant 0 : i32
      %dma_wait3A_626 = tpu.memref_slice %arg12[%dma_wait3A_617, %dma_wait3A_623, %dma_wait3A_624, %dma_wait3A_625] : memref<2x8x16x128xf32, #tpu.memory_space<vmem>> -> memref<1x8x16x128xf32, #tpu.memory_space<vmem>>
      %dma_wait3A_627 = tpu.memref_squeeze %dma_wait3A_626 : memref<1x8x16x128xf32, #tpu.memory_space<vmem>> -> memref<8x16x128xf32, #tpu.memory_space<vmem>>
      tpu.wait_dma2 semaphore(%arg17 : memref<!tpu.dma_semaphore, #tpu.memory_space<semaphore_mem>>) src(%arg16 : memref<8x16x128xf32, #tpu.memory_space<hbm>>) dst(%dma_wait3A_627 : memref<8x16x128xf32, #tpu.memory_space<vmem>>)
      %sub3A = arith.constant 0 : i32
      %sub3A_628 = vector.broadcast %sub3A : i32 to vector<16xi32>
      %sub3A_629 = arith.subi %iota3A, %sub3A_628 : vector<16xi32>
      %jit3A_630 = arith.constant 0 : i32
      %jit3A_631 = arith.constant 7 : i32
      %max3A = vector.broadcast %jit3A_630 : i32 to vector<16xi32>
      %max3A_632 = arith.maxsi %max3A, %sub3A_629 : vector<16xi32>
      %min3A_633 = vector.broadcast %jit3A_631 : i32 to vector<16xi32>
      %min3A_634 = arith.minsi %min3A_633, %max3A_632 : vector<16xi32>
      %broadcast_in_dim3A_635 = arith.constant 0 : i32
      %broadcast_in_dim3A_636 = vector.broadcast %broadcast_in_dim3A_635 : i32 to vector<16xi32>
      %and3A = arith.constant 127 : i32
      %and3A_637 = vector.broadcast %and3A : i32 to vector<16xi32>
      %and3A_638 = arith.andi %get3A_298, %and3A_637 : vector<16xi32>
      %and3A_639 = arith.constant 127 : i32
      %and3A_640 = vector.broadcast %and3A_639 : i32 to vector<16xi32>
      %and3A_641 = arith.andi %get3A_302, %and3A_640 : vector<16xi32>
      %ge3A_642 = arith.constant 999936 : i32
      %ge3A_643 = vector.broadcast %ge3A_642 : i32 to vector<16xi32>
      %ge3A_644 = arith.cmpi sge, %get3A_298, %ge3A_643 : vector<16xi32>
      %ge3A_645 = arith.constant 999936 : i32
      %ge3A_646 = vector.broadcast %ge3A_645 : i32 to vector<16xi32>
      %ge3A_647 = arith.cmpi sge, %get3A_302, %ge3A_646 : vector<16xi32>
      %broadcast_in_dim3A_648 = arith.constant 0.000000e+00 : f32
      %broadcast_in_dim3A_649 = vector.broadcast %broadcast_in_dim3A_648 : f32 to vector<16xf32>
      %broadcast_in_dim3A_650 = arith.constant 0 : i32
      %broadcast_in_dim3A_651 = vector.broadcast %broadcast_in_dim3A_650 : i32 to vector<16xi32>
      %gather3A = tpu.vector_load_idx %arg11[%broadcast_in_dim3A_636, %min3A_634, %broadcast_in_dim3A_651, %and3A_638] : memref<2x8x16x128xf32, #tpu.memory_space<vmem>>[vector<16xi32>, vector<16xi32>, vector<16xi32>, vector<16xi32>], vector<16xf32>,
      %gather3A_652 = tpu.vector_load_idx %arg12[%broadcast_in_dim3A_636, %min3A_634, %broadcast_in_dim3A_651, %and3A_641] : memref<2x8x16x128xf32, #tpu.memory_space<vmem>>[vector<16xi32>, vector<16xi32>, vector<16xi32>, vector<16xi32>], vector<16xf32>,
      %mul3A_653 = arith.mulf %gather3A, %gather3A_652 : vector<16xf32>
      %add3A_654 = arith.addf %broadcast_in_dim3A_649, %mul3A_653 : vector<16xf32>
      %broadcast_in_dim3A_655 = arith.constant 1 : i32
      %broadcast_in_dim3A_656 = vector.broadcast %broadcast_in_dim3A_655 : i32 to vector<16xi32>
      %gather3A_657 = tpu.vector_load_idx %arg11[%broadcast_in_dim3A_636, %min3A_634, %broadcast_in_dim3A_656, %and3A_638] : memref<2x8x16x128xf32, #tpu.memory_space<vmem>>[vector<16xi32>, vector<16xi32>, vector<16xi32>, vector<16xi32>], vector<16xf32>,
      %gather3A_658 = tpu.vector_load_idx %arg12[%broadcast_in_dim3A_636, %min3A_634, %broadcast_in_dim3A_656, %and3A_641] : memref<2x8x16x128xf32, #tpu.memory_space<vmem>>[vector<16xi32>, vector<16xi32>, vector<16xi32>, vector<16xi32>], vector<16xf32>,
      %mul3A_659 = arith.mulf %gather3A_657, %gather3A_658 : vector<16xf32>
      %add3A_660 = arith.addf %add3A_654, %mul3A_659 : vector<16xf32>
      %broadcast_in_dim3A_661 = arith.constant 2 : i32
      %broadcast_in_dim3A_662 = vector.broadcast %broadcast_in_dim3A_661 : i32 to vector<16xi32>
      %gather3A_663 = tpu.vector_load_idx %arg11[%broadcast_in_dim3A_636, %min3A_634, %broadcast_in_dim3A_662, %and3A_638] : memref<2x8x16x128xf32, #tpu.memory_space<vmem>>[vector<16xi32>, vector<16xi32>, vector<16xi32>, vector<16xi32>], vector<16xf32>,
      %gather3A_664 = tpu.vector_load_idx %arg12[%broadcast_in_dim3A_636, %min3A_634, %broadcast_in_dim3A_662, %and3A_641] : memref<2x8x16x128xf32, #tpu.memory_space<vmem>>[vector<16xi32>, vector<16xi32>, vector<16xi32>, vector<16xi32>], vector<16xf32>,
      %mul3A_665 = arith.mulf %gather3A_663, %gather3A_664 : vector<16xf32>
      %add3A_666 = arith.addf %add3A_660, %mul3A_665 : vector<16xf32>
      %broadcast_in_dim3A_667 = arith.constant 3 : i32
      %broadcast_in_dim3A_668 = vector.broadcast %broadcast_in_dim3A_667 : i32 to vector<16xi32>
      %gather3A_669 = tpu.vector_load_idx %arg11[%broadcast_in_dim3A_636, %min3A_634, %broadcast_in_dim3A_668, %and3A_638] : memref<2x8x16x128xf32, #tpu.memory_space<vmem>>[vector<16xi32>, vector<16xi32>, vector<16xi32>, vector<16xi32>], vector<16xf32>,
      %gather3A_670 = tpu.vector_load_idx %arg12[%broadcast_in_dim3A_636, %min3A_634, %broadcast_in_dim3A_668, %and3A_641] : memref<2x8x16x128xf32, #tpu.memory_space<vmem>>[vector<16xi32>, vector<16xi32>, vector<16xi32>, vector<16xi32>], vector<16xf32>,
      %mul3A_671 = arith.mulf %gather3A_669, %gather3A_670 : vector<16xf32>
      %add3A_672 = arith.addf %add3A_666, %mul3A_671 : vector<16xf32>
      %broadcast_in_dim3A_673 = arith.constant 4 : i32
      %broadcast_in_dim3A_674 = vector.broadcast %broadcast_in_dim3A_673 : i32 to vector<16xi32>
      %gather3A_675 = tpu.vector_load_idx %arg11[%broadcast_in_dim3A_636, %min3A_634, %broadcast_in_dim3A_674, %and3A_638] : memref<2x8x16x128xf32, #tpu.memory_space<vmem>>[vector<16xi32>, vector<16xi32>, vector<16xi32>, vector<16xi32>], vector<16xf32>,
      %gather3A_676 = tpu.vector_load_idx %arg12[%broadcast_in_dim3A_636, %min3A_634, %broadcast_in_dim3A_674, %and3A_641] : memref<2x8x16x128xf32, #tpu.memory_space<vmem>>[vector<16xi32>, vector<16xi32>, vector<16xi32>, vector<16xi32>], vector<16xf32>,
      %mul3A_677 = arith.mulf %gather3A_675, %gather3A_676 : vector<16xf32>
      %add3A_678 = arith.addf %add3A_672, %mul3A_677 : vector<16xf32>
      %broadcast_in_dim3A_679 = arith.constant 5 : i32
      %broadcast_in_dim3A_680 = vector.broadcast %broadcast_in_dim3A_679 : i32 to vector<16xi32>
      %gather3A_681 = tpu.vector_load_idx %arg11[%broadcast_in_dim3A_636, %min3A_634, %broadcast_in_dim3A_680, %and3A_638] : memref<2x8x16x128xf32, #tpu.memory_space<vmem>>[vector<16xi32>, vector<16xi32>, vector<16xi32>, vector<16xi32>], vector<16xf32>,
      %gather3A_682 = tpu.vector_load_idx %arg12[%broadcast_in_dim3A_636, %min3A_634, %broadcast_in_dim3A_680, %and3A_641] : memref<2x8x16x128xf32, #tpu.memory_space<vmem>>[vector<16xi32>, vector<16xi32>, vector<16xi32>, vector<16xi32>], vector<16xf32>,
      %mul3A_683 = arith.mulf %gather3A_681, %gather3A_682 : vector<16xf32>
      %add3A_684 = arith.addf %add3A_678, %mul3A_683 : vector<16xf32>
      %broadcast_in_dim3A_685 = arith.constant 6 : i32
      %broadcast_in_dim3A_686 = vector.broadcast %broadcast_in_dim3A_685 : i32 to vector<16xi32>
      %gather3A_687 = tpu.vector_load_idx %arg11[%broadcast_in_dim3A_636, %min3A_634, %broadcast_in_dim3A_686, %and3A_638] : memref<2x8x16x128xf32, #tpu.memory_space<vmem>>[vector<16xi32>, vector<16xi32>, vector<16xi32>, vector<16xi32>], vector<16xf32>,
      %gather3A_688 = tpu.vector_load_idx %arg12[%broadcast_in_dim3A_636, %min3A_634, %broadcast_in_dim3A_686, %and3A_641] : memref<2x8x16x128xf32, #tpu.memory_space<vmem>>[vector<16xi32>, vector<16xi32>, vector<16xi32>, vector<16xi32>], vector<16xf32>,
      %mul3A_689 = arith.mulf %gather3A_687, %gather3A_688 : vector<16xf32>
      %add3A_690 = arith.addf %add3A_684, %mul3A_689 : vector<16xf32>
      %broadcast_in_dim3A_691 = arith.constant 7 : i32
      %broadcast_in_dim3A_692 = vector.broadcast %broadcast_in_dim3A_691 : i32 to vector<16xi32>
      %gather3A_693 = tpu.vector_load_idx %arg11[%broadcast_in_dim3A_636, %min3A_634, %broadcast_in_dim3A_692, %and3A_638] : memref<2x8x16x128xf32, #tpu.memory_space<vmem>>[vector<16xi32>, vector<16xi32>, vector<16xi32>, vector<16xi32>], vector<16xf32>,
      %gather3A_694 = tpu.vector_load_idx %arg12[%broadcast_in_dim3A_636, %min3A_634, %broadcast_in_dim3A_692, %and3A_641] : memref<2x8x16x128xf32, #tpu.memory_space<vmem>>[vector<16xi32>, vector<16xi32>, vector<16xi32>, vector<16xi32>], vector<16xf32>,
      %mul3A_695 = arith.mulf %gather3A_693, %gather3A_694 : vector<16xf32>
      %add3A_696 = arith.addf %add3A_690, %mul3A_695 : vector<16xf32>
      %broadcast_in_dim3A_697 = arith.constant 8 : i32
      %broadcast_in_dim3A_698 = vector.broadcast %broadcast_in_dim3A_697 : i32 to vector<16xi32>
      %gather3A_699 = tpu.vector_load_idx %arg11[%broadcast_in_dim3A_636, %min3A_634, %broadcast_in_dim3A_698, %and3A_638] : memref<2x8x16x128xf32, #tpu.memory_space<vmem>>[vector<16xi32>, vector<16xi32>, vector<16xi32>, vector<16xi32>], vector<16xf32>,
      %gather3A_700 = tpu.vector_load_idx %arg12[%broadcast_in_dim3A_636, %min3A_634, %broadcast_in_dim3A_698, %and3A_641] : memref<2x8x16x128xf32, #tpu.memory_space<vmem>>[vector<16xi32>, vector<16xi32>, vector<16xi32>, vector<16xi32>], vector<16xf32>,
      %mul3A_701 = arith.mulf %gather3A_699, %gather3A_700 : vector<16xf32>
      %add3A_702 = arith.addf %add3A_696, %mul3A_701 : vector<16xf32>
      %broadcast_in_dim3A_703 = arith.constant 9 : i32
      %broadcast_in_dim3A_704 = vector.broadcast %broadcast_in_dim3A_703 : i32 to vector<16xi32>
      %gather3A_705 = tpu.vector_load_idx %arg11[%broadcast_in_dim3A_636, %min3A_634, %broadcast_in_dim3A_704, %and3A_638] : memref<2x8x16x128xf32, #tpu.memory_space<vmem>>[vector<16xi32>, vector<16xi32>, vector<16xi32>, vector<16xi32>], vector<16xf32>,
      %gather3A_706 = tpu.vector_load_idx %arg12[%broadcast_in_dim3A_636, %min3A_634, %broadcast_in_dim3A_704, %and3A_641] : memref<2x8x16x128xf32, #tpu.memory_space<vmem>>[vector<16xi32>, vector<16xi32>, vector<16xi32>, vector<16xi32>], vector<16xf32>,
      %mul3A_707 = arith.mulf %gather3A_705, %gather3A_706 : vector<16xf32>
      %add3A_708 = arith.addf %add3A_702, %mul3A_707 : vector<16xf32>
      %broadcast_in_dim3A_709 = arith.constant 10 : i32
      %broadcast_in_dim3A_710 = vector.broadcast %broadcast_in_dim3A_709 : i32 to vector<16xi32>
      %gather3A_711 = tpu.vector_load_idx %arg11[%broadcast_in_dim3A_636, %min3A_634, %broadcast_in_dim3A_710, %and3A_638] : memref<2x8x16x128xf32, #tpu.memory_space<vmem>>[vector<16xi32>, vector<16xi32>, vector<16xi32>, vector<16xi32>], vector<16xf32>,
      %gather3A_712 = tpu.vector_load_idx %arg12[%broadcast_in_dim3A_636, %min3A_634, %broadcast_in_dim3A_710, %and3A_641] : memref<2x8x16x128xf32, #tpu.memory_space<vmem>>[vector<16xi32>, vector<16xi32>, vector<16xi32>, vector<16xi32>], vector<16xf32>,
      %mul3A_713 = arith.mulf %gather3A_711, %gather3A_712 : vector<16xf32>
      %add3A_714 = arith.addf %add3A_708, %mul3A_713 : vector<16xf32>
      %broadcast_in_dim3A_715 = arith.constant 11 : i32
      %broadcast_in_dim3A_716 = vector.broadcast %broadcast_in_dim3A_715 : i32 to vector<16xi32>
      %gather3A_717 = tpu.vector_load_idx %arg11[%broadcast_in_dim3A_636, %min3A_634, %broadcast_in_dim3A_716, %and3A_638] : memref<2x8x16x128xf32, #tpu.memory_space<vmem>>[vector<16xi32>, vector<16xi32>, vector<16xi32>, vector<16xi32>], vector<16xf32>,
      %gather3A_718 = tpu.vector_load_idx %arg12[%broadcast_in_dim3A_636, %min3A_634, %broadcast_in_dim3A_716, %and3A_641] : memref<2x8x16x128xf32, #tpu.memory_space<vmem>>[vector<16xi32>, vector<16xi32>, vector<16xi32>, vector<16xi32>], vector<16xf32>,
      %mul3A_719 = arith.mulf %gather3A_717, %gather3A_718 : vector<16xf32>
      %add3A_720 = arith.addf %add3A_714, %mul3A_719 : vector<16xf32>
      %broadcast_in_dim3A_721 = arith.constant 12 : i32
      %broadcast_in_dim3A_722 = vector.broadcast %broadcast_in_dim3A_721 : i32 to vector<16xi32>
      %gather3A_723 = tpu.vector_load_idx %arg11[%broadcast_in_dim3A_636, %min3A_634, %broadcast_in_dim3A_722, %and3A_638] : memref<2x8x16x128xf32, #tpu.memory_space<vmem>>[vector<16xi32>, vector<16xi32>, vector<16xi32>, vector<16xi32>], vector<16xf32>,
      %gather3A_724 = tpu.vector_load_idx %arg12[%broadcast_in_dim3A_636, %min3A_634, %broadcast_in_dim3A_722, %and3A_641] : memref<2x8x16x128xf32, #tpu.memory_space<vmem>>[vector<16xi32>, vector<16xi32>, vector<16xi32>, vector<16xi32>], vector<16xf32>,
      %mul3A_725 = arith.mulf %gather3A_723, %gather3A_724 : vector<16xf32>
      %add3A_726 = arith.addf %add3A_720, %mul3A_725 : vector<16xf32>
      %broadcast_in_dim3A_727 = arith.constant 13 : i32
      %broadcast_in_dim3A_728 = vector.broadcast %broadcast_in_dim3A_727 : i32 to vector<16xi32>
      %gather3A_729 = tpu.vector_load_idx %arg11[%broadcast_in_dim3A_636, %min3A_634, %broadcast_in_dim3A_728, %and3A_638] : memref<2x8x16x128xf32, #tpu.memory_space<vmem>>[vector<16xi32>, vector<16xi32>, vector<16xi32>, vector<16xi32>], vector<16xf32>,
      %gather3A_730 = tpu.vector_load_idx %arg12[%broadcast_in_dim3A_636, %min3A_634, %broadcast_in_dim3A_728, %and3A_641] : memref<2x8x16x128xf32, #tpu.memory_space<vmem>>[vector<16xi32>, vector<16xi32>, vector<16xi32>, vector<16xi32>], vector<16xf32>,
      %mul3A_731 = arith.mulf %gather3A_729, %gather3A_730 : vector<16xf32>
      %add3A_732 = arith.addf %add3A_726, %mul3A_731 : vector<16xf32>
      %broadcast_in_dim3A_733 = arith.constant 14 : i32
      %broadcast_in_dim3A_734 = vector.broadcast %broadcast_in_dim3A_733 : i32 to vector<16xi32>
      %gather3A_735 = tpu.vector_load_idx %arg11[%broadcast_in_dim3A_636, %min3A_634, %broadcast_in_dim3A_734, %and3A_638] : memref<2x8x16x128xf32, #tpu.memory_space<vmem>>[vector<16xi32>, vector<16xi32>, vector<16xi32>, vector<16xi32>], vector<16xf32>,
      %gather3A_736 = tpu.vector_load_idx %arg12[%broadcast_in_dim3A_636, %min3A_634, %broadcast_in_dim3A_734, %and3A_641] : memref<2x8x16x128xf32, #tpu.memory_space<vmem>>[vector<16xi32>, vector<16xi32>, vector<16xi32>, vector<16xi32>], vector<16xf32>,
      %mul3A_737 = arith.mulf %gather3A_735, %gather3A_736 : vector<16xf32>
      %add3A_738 = arith.addf %add3A_732, %mul3A_737 : vector<16xf32>
      %broadcast_in_dim3A_739 = arith.constant 15 : i32
      %broadcast_in_dim3A_740 = vector.broadcast %broadcast_in_dim3A_739 : i32 to vector<16xi32>
      %gather3A_741 = tpu.vector_load_idx %arg11[%broadcast_in_dim3A_636, %min3A_634, %broadcast_in_dim3A_740, %and3A_638] : memref<2x8x16x128xf32, #tpu.memory_space<vmem>>[vector<16xi32>, vector<16xi32>, vector<16xi32>, vector<16xi32>], vector<16xf32>,
      %gather3A_742 = tpu.vector_load_idx %arg12[%broadcast_in_dim3A_636, %min3A_634, %broadcast_in_dim3A_740, %and3A_641] : memref<2x8x16x128xf32, #tpu.memory_space<vmem>>[vector<16xi32>, vector<16xi32>, vector<16xi32>, vector<16xi32>], vector<16xf32>,
      %mul3A_743 = arith.mulf %gather3A_741, %gather3A_742 : vector<16xf32>
      %add3A_744 = arith.addf %add3A_738, %mul3A_743 : vector<16xf32>
      %add3A_745 = arith.constant 1 : i32
      %add3A_746 = arith.addi %scan3A_294, %add3A_745 : i32
      %lt3A = arith.constant 32 : i32
      %lt3A_747 = arith.cmpi slt, %add3A_746, %lt3A : i32
      %eq3A = arith.constant 0 : i32
      %eq3A_748 = arith.cmpi eq, %reduce_max3A_316, %eq3A : i32
      %and3A_749 = arith.andi %lt3A_747, %eq3A_748 : i1
      %convert_element_type3A = arith.extui %and3A_749 : i1 to i32
      %cond3A = arith.constant 0 : i32
      %cond3A_750 = arith.cmpi ne, %convert_element_type3A, %cond3A : i32
      scf.if %cond3A_750 {
        %add3A_912 = arith.constant 1 : i32
        %add3A_913 = arith.addi %scan3A_294, %add3A_912 : i32
        %mul3A_914 = arith.constant 16 : i32
        %mul3A_915 = arith.muli %add3A_913, %mul3A_914 : i32
        %get3A_916 = arith.index_cast %mul3A_915 : i32 to index
        %get3A_917 = tpu.vector_load %arg9[%get3A_916] {strides = array<i32>} : memref<512xi32, #tpu.memory_space<vmem>>, vector<16xi32>,
        %add3A_918 = arith.constant 1 : i32
        %add3A_919 = arith.addi %scan3A_294, %add3A_918 : i32
        %mul3A_920 = arith.constant 16 : i32
        %mul3A_921 = arith.muli %add3A_919, %mul3A_920 : i32
        %get3A_922 = arith.index_cast %mul3A_921 : i32 to index
        %get3A_923 = tpu.vector_load %arg10[%get3A_922] {strides = array<i32>} : memref<512xi32, #tpu.memory_space<vmem>>, vector<16xi32>,
        %shift_right_arithmetic3A_924 = arith.constant 7 : i32
        %shift_right_arithmetic3A_925 = vector.broadcast %shift_right_arithmetic3A_924 : i32 to vector<16xi32>
        %shift_right_arithmetic3A_926 = arith.shrsi %get3A_917, %shift_right_arithmetic3A_925 : vector<16xi32>
        %shift_left3A_927 = arith.constant 7 : i32
        %shift_left3A_928 = vector.broadcast %shift_left3A_927 : i32 to vector<16xi32>
        %shift_left3A_929 = arith.shli %shift_right_arithmetic3A_926, %shift_left3A_928 : vector<16xi32>
        %min3A_930 = arith.constant 999808 : i32
        %min3A_931 = vector.broadcast %min3A_930 : i32 to vector<16xi32>
        %min3A_932 = arith.minsi %shift_left3A_929, %min3A_931 : vector<16xi32>
        %shift_right_arithmetic3A_933 = arith.constant 7 : i32
        %shift_right_arithmetic3A_934 = vector.broadcast %shift_right_arithmetic3A_933 : i32 to vector<16xi32>
        %shift_right_arithmetic3A_935 = arith.shrsi %get3A_923, %shift_right_arithmetic3A_934 : vector<16xi32>
        %shift_left3A_936 = arith.constant 7 : i32
        %shift_left3A_937 = vector.broadcast %shift_left3A_936 : i32 to vector<16xi32>
        %shift_left3A_938 = arith.shli %shift_right_arithmetic3A_935, %shift_left3A_937 : vector<16xi32>
        %min3A_939 = arith.constant 999808 : i32
        %min3A_940 = vector.broadcast %min3A_939 : i32 to vector<16xi32>
        %min3A_941 = arith.minsi %shift_left3A_938, %min3A_940 : vector<16xi32>
        %slice3A_942 = vector.extract_strided_slice %min3A_932 {offsets = [0], sizes = [1], strides = [1]} : vector<16xi32> to vector<1xi32>
        %squeeze3A_943 = vector.extract %slice3A_942[0] : i32 from vector<1xi32>
        %multiple_of3A_944 = tpu.assume_multiple %squeeze3A_943, 128 : i32
        %slice3A_945 = vector.extract_strided_slice %min3A_941 {offsets = [0], sizes = [1], strides = [1]} : vector<16xi32> to vector<1xi32>
        %squeeze3A_946 = vector.extract %slice3A_945[0] : i32 from vector<1xi32>
        %multiple_of3A_947 = tpu.assume_multiple %squeeze3A_946, 128 : i32
        %dma_start3A_948 = arith.constant 0 : i32
        %dma_start3A_949 = arith.constant 0 : i32
        %dma_start3A_950 = arith.constant 0 : i32
        %dma_start3A_951 = arith.constant 0 : i32
        %dma_start3A_952 = tpu.memref_slice %arg11[%dma_start3A_948, %dma_start3A_949, %dma_start3A_950, %dma_start3A_951] : memref<2x8x16x128xf32, #tpu.memory_space<vmem>> -> memref<1x1x16x128xf32, #tpu.memory_space<vmem>>
        %dma_start3A_953 = tpu.memref_squeeze %dma_start3A_952 : memref<1x1x16x128xf32, #tpu.memory_space<vmem>> -> memref<16x128xf32, #tpu.memory_space<vmem>>
        %dma_start3A_954 = arith.constant 0 : i32
        %dma_start3A_955 = tpu.memref_slice %arg2[%dma_start3A_954, %multiple_of3A_944] : memref<16x1000000xf32, #tpu.memory_space<hbm>> -> memref<16x128xf32, #tpu.memory_space<hbm>>
        %dma_start3A_956 = arith.constant 0 : i32
        %dma_start3A_957 = arith.constant 0 : i32
        %dma_start3A_958 = tpu.memref_slice %arg11[%dma_start3A_948, %dma_start3A_949, %dma_start3A_956, %dma_start3A_957] : memref<2x8x16x128xf32, #tpu.memory_space<vmem>> -> memref<1x1x16x128xf32, #tpu.memory_space<vmem>>
        %dma_start3A_959 = tpu.memref_squeeze %dma_start3A_958 : memref<1x1x16x128xf32, #tpu.memory_space<vmem>> -> memref<16x128xf32, #tpu.memory_space<vmem>>
        %dma_start3A_960 = arith.constant 0 : i32
        %dma_start3A_961 = tpu.memref_slice %arg2[%dma_start3A_960, %multiple_of3A_944] : memref<16x1000000xf32, #tpu.memory_space<hbm>> -> memref<16x128xf32, #tpu.memory_space<hbm>>
        tpu.enqueue_dma source(%dma_start3A_961 : memref<16x128xf32, #tpu.memory_space<hbm>>) target(%dma_start3A_959 : memref<16x128xf32, #tpu.memory_space<vmem>>) target_semaphore(%arg17 : memref<!tpu.dma_semaphore, #tpu.memory_space<semaphore_mem>>)
        %dma_start3A_962 = arith.constant 0 : i32
        %dma_start3A_963 = arith.constant 0 : i32
        %dma_start3A_964 = arith.constant 0 : i32
        %dma_start3A_965 = arith.constant 0 : i32
        %dma_start3A_966 = tpu.memref_slice %arg12[%dma_start3A_962, %dma_start3A_963, %dma_start3A_964, %dma_start3A_965] : memref<2x8x16x128xf32, #tpu.memory_space<vmem>> -> memref<1x1x16x128xf32, #tpu.memory_space<vmem>>
        %dma_start3A_967 = tpu.memref_squeeze %dma_start3A_966 : memref<1x1x16x128xf32, #tpu.memory_space<vmem>> -> memref<16x128xf32, #tpu.memory_space<vmem>>
        %dma_start3A_968 = arith.constant 0 : i32
        %dma_start3A_969 = tpu.memref_slice %arg3[%dma_start3A_968, %multiple_of3A_947] : memref<16x1000000xf32, #tpu.memory_space<hbm>> -> memref<16x128xf32, #tpu.memory_space<hbm>>
        %dma_start3A_970 = arith.constant 0 : i32
        %dma_start3A_971 = arith.constant 0 : i32
        %dma_start3A_972 = tpu.memref_slice %arg12[%dma_start3A_962, %dma_start3A_963, %dma_start3A_970, %dma_start3A_971] : memref<2x8x16x128xf32, #tpu.memory_space<vmem>> -> memref<1x1x16x128xf32, #tpu.memory_space<vmem>>
        %dma_start3A_973 = tpu.memref_squeeze %dma_start3A_972 : memref<1x1x16x128xf32, #tpu.memory_space<vmem>> -> memref<16x128xf32, #tpu.memory_space<vmem>>
        %dma_start3A_974 = arith.constant 0 : i32
        %dma_start3A_975 = tpu.memref_slice %arg3[%dma_start3A_974, %multiple_of3A_947] : memref<16x1000000xf32, #tpu.memory_space<hbm>> -> memref<16x128xf32, #tpu.memory_space<hbm>>
        tpu.enqueue_dma source(%dma_start3A_975 : memref<16x128xf32, #tpu.memory_space<hbm>>) target(%dma_start3A_973 : memref<16x128xf32, #tpu.memory_space<vmem>>) target_semaphore(%arg17 : memref<!tpu.dma_semaphore, #tpu.memory_space<semaphore_mem>>)
        %slice3A_976 = vector.extract_strided_slice %min3A_932 {offsets = [1], sizes = [1], strides = [1]} : vector<16xi32> to vector<1xi32>
        %squeeze3A_977 = vector.extract %slice3A_976[0] : i32 from vector<1xi32>
        %multiple_of3A_978 = tpu.assume_multiple %squeeze3A_977, 128 : i32
        %slice3A_979 = vector.extract_strided_slice %min3A_941 {offsets = [1], sizes = [1], strides = [1]} : vector<16xi32> to vector<1xi32>
        %squeeze3A_980 = vector.extract %slice3A_979[0] : i32 from vector<1xi32>
        %multiple_of3A_981 = tpu.assume_multiple %squeeze3A_980, 128 : i32
        %dma_start3A_982 = arith.constant 0 : i32
        %dma_start3A_983 = arith.constant 1 : i32
        %dma_start3A_984 = arith.constant 0 : i32
        %dma_start3A_985 = arith.constant 0 : i32
        %dma_start3A_986 = tpu.memref_slice %arg11[%dma_start3A_982, %dma_start3A_983, %dma_start3A_984, %dma_start3A_985] : memref<2x8x16x128xf32, #tpu.memory_space<vmem>> -> memref<1x1x16x128xf32, #tpu.memory_space<vmem>>
        %dma_start3A_987 = tpu.memref_squeeze %dma_start3A_986 : memref<1x1x16x128xf32, #tpu.memory_space<vmem>> -> memref<16x128xf32, #tpu.memory_space<vmem>>
        %dma_start3A_988 = arith.constant 0 : i32
        %dma_start3A_989 = tpu.memref_slice %arg2[%dma_start3A_988, %multiple_of3A_978] : memref<16x1000000xf32, #tpu.memory_space<hbm>> -> memref<16x128xf32, #tpu.memory_space<hbm>>
        %dma_start3A_990 = arith.constant 0 : i32
        %dma_start3A_991 = arith.constant 0 : i32
        %dma_start3A_992 = tpu.memref_slice %arg11[%dma_start3A_982, %dma_start3A_983, %dma_start3A_990, %dma_start3A_991] : memref<2x8x16x128xf32, #tpu.memory_space<vmem>> -> memref<1x1x16x128xf32, #tpu.memory_space<vmem>>
        %dma_start3A_993 = tpu.memref_squeeze %dma_start3A_992 : memref<1x1x16x128xf32, #tpu.memory_space<vmem>> -> memref<16x128xf32, #tpu.memory_space<vmem>>
        %dma_start3A_994 = arith.constant 0 : i32
        %dma_start3A_995 = tpu.memref_slice %arg2[%dma_start3A_994, %multiple_of3A_978] : memref<16x1000000xf32, #tpu.memory_space<hbm>> -> memref<16x128xf32, #tpu.memory_space<hbm>>
        tpu.enqueue_dma source(%dma_start3A_995 : memref<16x128xf32, #tpu.memory_space<hbm>>) target(%dma_start3A_993 : memref<16x128xf32, #tpu.memory_space<vmem>>) target_semaphore(%arg17 : memref<!tpu.dma_semaphore, #tpu.memory_space<semaphore_mem>>)
        %dma_start3A_996 = arith.constant 0 : i32
        %dma_start3A_997 = arith.constant 1 : i32
        %dma_start3A_998 = arith.constant 0 : i32
        %dma_start3A_999 = arith.constant 0 : i32
        %dma_start3A_1000 = tpu.memref_slice %arg12[%dma_start3A_996, %dma_start3A_997, %dma_start3A_998, %dma_start3A_999] : memref<2x8x16x128xf32, #tpu.memory_space<vmem>> -> memref<1x1x16x128xf32, #tpu.memory_space<vmem>>
        %dma_start3A_1001 = tpu.memref_squeeze %dma_start3A_1000 : memref<1x1x16x128xf32, #tpu.memory_space<vmem>> -> memref<16x128xf32, #tpu.memory_space<vmem>>
        %dma_start3A_1002 = arith.constant 0 : i32
        %dma_start3A_1003 = tpu.memref_slice %arg3[%dma_start3A_1002, %multiple_of3A_981] : memref<16x1000000xf32, #tpu.memory_space<hbm>> -> memref<16x128xf32, #tpu.memory_space<hbm>>
        %dma_start3A_1004 = arith.constant 0 : i32
        %dma_start3A_1005 = arith.constant 0 : i32
        %dma_start3A_1006 = tpu.memref_slice %arg12[%dma_start3A_996, %dma_start3A_997, %dma_start3A_1004, %dma_start3A_1005] : memref<2x8x16x128xf32, #tpu.memory_space<vmem>> -> memref<1x1x16x128xf32, #tpu.memory_space<vmem>>
        %dma_start3A_1007 = tpu.memref_squeeze %dma_start3A_1006 : memref<1x1x16x128xf32, #tpu.memory_space<vmem>> -> memref<16x128xf32, #tpu.memory_space<vmem>>
        %dma_start3A_1008 = arith.constant 0 : i32
        %dma_start3A_1009 = tpu.memref_slice %arg3[%dma_start3A_1008, %multiple_of3A_981] : memref<16x1000000xf32, #tpu.memory_space<hbm>> -> memref<16x128xf32, #tpu.memory_space<hbm>>
        tpu.enqueue_dma source(%dma_start3A_1009 : memref<16x128xf32, #tpu.memory_space<hbm>>) target(%dma_start3A_1007 : memref<16x128xf32, #tpu.memory_space<vmem>>) target_semaphore(%arg17 : memref<!tpu.dma_semaphore, #tpu.memory_space<semaphore_mem>>)
        %slice3A_1010 = vector.extract_strided_slice %min3A_932 {offsets = [2], sizes = [1], strides = [1]} : vector<16xi32> to vector<1xi32>
        %squeeze3A_1011 = vector.extract %slice3A_1010[0] : i32 from vector<1xi32>
        %multiple_of3A_1012 = tpu.assume_multiple %squeeze3A_1011, 128 : i32
        %slice3A_1013 = vector.extract_strided_slice %min3A_941 {offsets = [2], sizes = [1], strides = [1]} : vector<16xi32> to vector<1xi32>
        %squeeze3A_1014 = vector.extract %slice3A_1013[0] : i32 from vector<1xi32>
        %multiple_of3A_1015 = tpu.assume_multiple %squeeze3A_1014, 128 : i32
        %dma_start3A_1016 = arith.constant 0 : i32
        %dma_start3A_1017 = arith.constant 2 : i32
        %dma_start3A_1018 = arith.constant 0 : i32
        %dma_start3A_1019 = arith.constant 0 : i32
        %dma_start3A_1020 = tpu.memref_slice %arg11[%dma_start3A_1016, %dma_start3A_1017, %dma_start3A_1018, %dma_start3A_1019] : memref<2x8x16x128xf32, #tpu.memory_space<vmem>> -> memref<1x1x16x128xf32, #tpu.memory_space<vmem>>
        %dma_start3A_1021 = tpu.memref_squeeze %dma_start3A_1020 : memref<1x1x16x128xf32, #tpu.memory_space<vmem>> -> memref<16x128xf32, #tpu.memory_space<vmem>>
        %dma_start3A_1022 = arith.constant 0 : i32
        %dma_start3A_1023 = tpu.memref_slice %arg2[%dma_start3A_1022, %multiple_of3A_1012] : memref<16x1000000xf32, #tpu.memory_space<hbm>> -> memref<16x128xf32, #tpu.memory_space<hbm>>
        %dma_start3A_1024 = arith.constant 0 : i32
        %dma_start3A_1025 = arith.constant 0 : i32
        %dma_start3A_1026 = tpu.memref_slice %arg11[%dma_start3A_1016, %dma_start3A_1017, %dma_start3A_1024, %dma_start3A_1025] : memref<2x8x16x128xf32, #tpu.memory_space<vmem>> -> memref<1x1x16x128xf32, #tpu.memory_space<vmem>>
        %dma_start3A_1027 = tpu.memref_squeeze %dma_start3A_1026 : memref<1x1x16x128xf32, #tpu.memory_space<vmem>> -> memref<16x128xf32, #tpu.memory_space<vmem>>
        %dma_start3A_1028 = arith.constant 0 : i32
        %dma_start3A_1029 = tpu.memref_slice %arg2[%dma_start3A_1028, %multiple_of3A_1012] : memref<16x1000000xf32, #tpu.memory_space<hbm>> -> memref<16x128xf32, #tpu.memory_space<hbm>>
        tpu.enqueue_dma source(%dma_start3A_1029 : memref<16x128xf32, #tpu.memory_space<hbm>>) target(%dma_start3A_1027 : memref<16x128xf32, #tpu.memory_space<vmem>>) target_semaphore(%arg17 : memref<!tpu.dma_semaphore, #tpu.memory_space<semaphore_mem>>)
        %dma_start3A_1030 = arith.constant 0 : i32
        %dma_start3A_1031 = arith.constant 2 : i32
        %dma_start3A_1032 = arith.constant 0 : i32
        %dma_start3A_1033 = arith.constant 0 : i32
        %dma_start3A_1034 = tpu.memref_slice %arg12[%dma_start3A_1030, %dma_start3A_1031, %dma_start3A_1032, %dma_start3A_1033] : memref<2x8x16x128xf32, #tpu.memory_space<vmem>> -> memref<1x1x16x128xf32, #tpu.memory_space<vmem>>
        %dma_start3A_1035 = tpu.memref_squeeze %dma_start3A_1034 : memref<1x1x16x128xf32, #tpu.memory_space<vmem>> -> memref<16x128xf32, #tpu.memory_space<vmem>>
        %dma_start3A_1036 = arith.constant 0 : i32
        %dma_start3A_1037 = tpu.memref_slice %arg3[%dma_start3A_1036, %multiple_of3A_1015] : memref<16x1000000xf32, #tpu.memory_space<hbm>> -> memref<16x128xf32, #tpu.memory_space<hbm>>
        %dma_start3A_1038 = arith.constant 0 : i32
        %dma_start3A_1039 = arith.constant 0 : i32
        %dma_start3A_1040 = tpu.memref_slice %arg12[%dma_start3A_1030, %dma_start3A_1031, %dma_start3A_1038, %dma_start3A_1039] : memref<2x8x16x128xf32, #tpu.memory_space<vmem>> -> memref<1x1x16x128xf32, #tpu.memory_space<vmem>>
        %dma_start3A_1041 = tpu.memref_squeeze %dma_start3A_1040 : memref<1x1x16x128xf32, #tpu.memory_space<vmem>> -> memref<16x128xf32, #tpu.memory_space<vmem>>
        %dma_start3A_1042 = arith.constant 0 : i32
        %dma_start3A_1043 = tpu.memref_slice %arg3[%dma_start3A_1042, %multiple_of3A_1015] : memref<16x1000000xf32, #tpu.memory_space<hbm>> -> memref<16x128xf32, #tpu.memory_space<hbm>>
        tpu.enqueue_dma source(%dma_start3A_1043 : memref<16x128xf32, #tpu.memory_space<hbm>>) target(%dma_start3A_1041 : memref<16x128xf32, #tpu.memory_space<vmem>>) target_semaphore(%arg17 : memref<!tpu.dma_semaphore, #tpu.memory_space<semaphore_mem>>)
        %slice3A_1044 = vector.extract_strided_slice %min3A_932 {offsets = [3], sizes = [1], strides = [1]} : vector<16xi32> to vector<1xi32>
        %squeeze3A_1045 = vector.extract %slice3A_1044[0] : i32 from vector<1xi32>
        %multiple_of3A_1046 = tpu.assume_multiple %squeeze3A_1045, 128 : i32
        %slice3A_1047 = vector.extract_strided_slice %min3A_941 {offsets = [3], sizes = [1], strides = [1]} : vector<16xi32> to vector<1xi32>
        %squeeze3A_1048 = vector.extract %slice3A_1047[0] : i32 from vector<1xi32>
        %multiple_of3A_1049 = tpu.assume_multiple %squeeze3A_1048, 128 : i32
        %dma_start3A_1050 = arith.constant 0 : i32
        %dma_start3A_1051 = arith.constant 3 : i32
        %dma_start3A_1052 = arith.constant 0 : i32
        %dma_start3A_1053 = arith.constant 0 : i32
        %dma_start3A_1054 = tpu.memref_slice %arg11[%dma_start3A_1050, %dma_start3A_1051, %dma_start3A_1052, %dma_start3A_1053] : memref<2x8x16x128xf32, #tpu.memory_space<vmem>> -> memref<1x1x16x128xf32, #tpu.memory_space<vmem>>
        %dma_start3A_1055 = tpu.memref_squeeze %dma_start3A_1054 : memref<1x1x16x128xf32, #tpu.memory_space<vmem>> -> memref<16x128xf32, #tpu.memory_space<vmem>>
        %dma_start3A_1056 = arith.constant 0 : i32
        %dma_start3A_1057 = tpu.memref_slice %arg2[%dma_start3A_1056, %multiple_of3A_1046] : memref<16x1000000xf32, #tpu.memory_space<hbm>> -> memref<16x128xf32, #tpu.memory_space<hbm>>
        %dma_start3A_1058 = arith.constant 0 : i32
        %dma_start3A_1059 = arith.constant 0 : i32
        %dma_start3A_1060 = tpu.memref_slice %arg11[%dma_start3A_1050, %dma_start3A_1051, %dma_start3A_1058, %dma_start3A_1059] : memref<2x8x16x128xf32, #tpu.memory_space<vmem>> -> memref<1x1x16x128xf32, #tpu.memory_space<vmem>>
        %dma_start3A_1061 = tpu.memref_squeeze %dma_start3A_1060 : memref<1x1x16x128xf32, #tpu.memory_space<vmem>> -> memref<16x128xf32, #tpu.memory_space<vmem>>
        %dma_start3A_1062 = arith.constant 0 : i32
        %dma_start3A_1063 = tpu.memref_slice %arg2[%dma_start3A_1062, %multiple_of3A_1046] : memref<16x1000000xf32, #tpu.memory_space<hbm>> -> memref<16x128xf32, #tpu.memory_space<hbm>>
        tpu.enqueue_dma source(%dma_start3A_1063 : memref<16x128xf32, #tpu.memory_space<hbm>>) target(%dma_start3A_1061 : memref<16x128xf32, #tpu.memory_space<vmem>>) target_semaphore(%arg17 : memref<!tpu.dma_semaphore, #tpu.memory_space<semaphore_mem>>)
        %dma_start3A_1064 = arith.constant 0 : i32
        %dma_start3A_1065 = arith.constant 3 : i32
        %dma_start3A_1066 = arith.constant 0 : i32
        %dma_start3A_1067 = arith.constant 0 : i32
        %dma_start3A_1068 = tpu.memref_slice %arg12[%dma_start3A_1064, %dma_start3A_1065, %dma_start3A_1066, %dma_start3A_1067] : memref<2x8x16x128xf32, #tpu.memory_space<vmem>> -> memref<1x1x16x128xf32, #tpu.memory_space<vmem>>
        %dma_start3A_1069 = tpu.memref_squeeze %dma_start3A_1068 : memref<1x1x16x128xf32, #tpu.memory_space<vmem>> -> memref<16x128xf32, #tpu.memory_space<vmem>>
        %dma_start3A_1070 = arith.constant 0 : i32
        %dma_start3A_1071 = tpu.memref_slice %arg3[%dma_start3A_1070, %multiple_of3A_1049] : memref<16x1000000xf32, #tpu.memory_space<hbm>> -> memref<16x128xf32, #tpu.memory_space<hbm>>
        %dma_start3A_1072 = arith.constant 0 : i32
        %dma_start3A_1073 = arith.constant 0 : i32
        %dma_start3A_1074 = tpu.memref_slice %arg12[%dma_start3A_1064, %dma_start3A_1065, %dma_start3A_1072, %dma_start3A_1073] : memref<2x8x16x128xf32, #tpu.memory_space<vmem>> -> memref<1x1x16x128xf32, #tpu.memory_space<vmem>>
        %dma_start3A_1075 = tpu.memref_squeeze %dma_start3A_1074 : memref<1x1x16x128xf32, #tpu.memory_space<vmem>> -> memref<16x128xf32, #tpu.memory_space<vmem>>
        %dma_start3A_1076 = arith.constant 0 : i32
        %dma_start3A_1077 = tpu.memref_slice %arg3[%dma_start3A_1076, %multiple_of3A_1049] : memref<16x1000000xf32, #tpu.memory_space<hbm>> -> memref<16x128xf32, #tpu.memory_space<hbm>>
        tpu.enqueue_dma source(%dma_start3A_1077 : memref<16x128xf32, #tpu.memory_space<hbm>>) target(%dma_start3A_1075 : memref<16x128xf32, #tpu.memory_space<vmem>>) target_semaphore(%arg17 : memref<!tpu.dma_semaphore, #tpu.memory_space<semaphore_mem>>)
        %slice3A_1078 = vector.extract_strided_slice %min3A_932 {offsets = [4], sizes = [1], strides = [1]} : vector<16xi32> to vector<1xi32>
        %squeeze3A_1079 = vector.extract %slice3A_1078[0] : i32 from vector<1xi32>
        %multiple_of3A_1080 = tpu.assume_multiple %squeeze3A_1079, 128 : i32
        %slice3A_1081 = vector.extract_strided_slice %min3A_941 {offsets = [4], sizes = [1], strides = [1]} : vector<16xi32> to vector<1xi32>
        %squeeze3A_1082 = vector.extract %slice3A_1081[0] : i32 from vector<1xi32>
        %multiple_of3A_1083 = tpu.assume_multiple %squeeze3A_1082, 128 : i32
        %dma_start3A_1084 = arith.constant 0 : i32
        %dma_start3A_1085 = arith.constant 4 : i32
        %dma_start3A_1086 = arith.constant 0 : i32
        %dma_start3A_1087 = arith.constant 0 : i32
        %dma_start3A_1088 = tpu.memref_slice %arg11[%dma_start3A_1084, %dma_start3A_1085, %dma_start3A_1086, %dma_start3A_1087] : memref<2x8x16x128xf32, #tpu.memory_space<vmem>> -> memref<1x1x16x128xf32, #tpu.memory_space<vmem>>
        %dma_start3A_1089 = tpu.memref_squeeze %dma_start3A_1088 : memref<1x1x16x128xf32, #tpu.memory_space<vmem>> -> memref<16x128xf32, #tpu.memory_space<vmem>>
        %dma_start3A_1090 = arith.constant 0 : i32
        %dma_start3A_1091 = tpu.memref_slice %arg2[%dma_start3A_1090, %multiple_of3A_1080] : memref<16x1000000xf32, #tpu.memory_space<hbm>> -> memref<16x128xf32, #tpu.memory_space<hbm>>
        %dma_start3A_1092 = arith.constant 0 : i32
        %dma_start3A_1093 = arith.constant 0 : i32
        %dma_start3A_1094 = tpu.memref_slice %arg11[%dma_start3A_1084, %dma_start3A_1085, %dma_start3A_1092, %dma_start3A_1093] : memref<2x8x16x128xf32, #tpu.memory_space<vmem>> -> memref<1x1x16x128xf32, #tpu.memory_space<vmem>>
        %dma_start3A_1095 = tpu.memref_squeeze %dma_start3A_1094 : memref<1x1x16x128xf32, #tpu.memory_space<vmem>> -> memref<16x128xf32, #tpu.memory_space<vmem>>
        %dma_start3A_1096 = arith.constant 0 : i32
        %dma_start3A_1097 = tpu.memref_slice %arg2[%dma_start3A_1096, %multiple_of3A_1080] : memref<16x1000000xf32, #tpu.memory_space<hbm>> -> memref<16x128xf32, #tpu.memory_space<hbm>>
        tpu.enqueue_dma source(%dma_start3A_1097 : memref<16x128xf32, #tpu.memory_space<hbm>>) target(%dma_start3A_1095 : memref<16x128xf32, #tpu.memory_space<vmem>>) target_semaphore(%arg17 : memref<!tpu.dma_semaphore, #tpu.memory_space<semaphore_mem>>)
        %dma_start3A_1098 = arith.constant 0 : i32
        %dma_start3A_1099 = arith.constant 4 : i32
        %dma_start3A_1100 = arith.constant 0 : i32
        %dma_start3A_1101 = arith.constant 0 : i32
        %dma_start3A_1102 = tpu.memref_slice %arg12[%dma_start3A_1098, %dma_start3A_1099, %dma_start3A_1100, %dma_start3A_1101] : memref<2x8x16x128xf32, #tpu.memory_space<vmem>> -> memref<1x1x16x128xf32, #tpu.memory_space<vmem>>
        %dma_start3A_1103 = tpu.memref_squeeze %dma_start3A_1102 : memref<1x1x16x128xf32, #tpu.memory_space<vmem>> -> memref<16x128xf32, #tpu.memory_space<vmem>>
        %dma_start3A_1104 = arith.constant 0 : i32
        %dma_start3A_1105 = tpu.memref_slice %arg3[%dma_start3A_1104, %multiple_of3A_1083] : memref<16x1000000xf32, #tpu.memory_space<hbm>> -> memref<16x128xf32, #tpu.memory_space<hbm>>
        %dma_start3A_1106 = arith.constant 0 : i32
        %dma_start3A_1107 = arith.constant 0 : i32
        %dma_start3A_1108 = tpu.memref_slice %arg12[%dma_start3A_1098, %dma_start3A_1099, %dma_start3A_1106, %dma_start3A_1107] : memref<2x8x16x128xf32, #tpu.memory_space<vmem>> -> memref<1x1x16x128xf32, #tpu.memory_space<vmem>>
        %dma_start3A_1109 = tpu.memref_squeeze %dma_start3A_1108 : memref<1x1x16x128xf32, #tpu.memory_space<vmem>> -> memref<16x128xf32, #tpu.memory_space<vmem>>
        %dma_start3A_1110 = arith.constant 0 : i32
        %dma_start3A_1111 = tpu.memref_slice %arg3[%dma_start3A_1110, %multiple_of3A_1083] : memref<16x1000000xf32, #tpu.memory_space<hbm>> -> memref<16x128xf32, #tpu.memory_space<hbm>>
        tpu.enqueue_dma source(%dma_start3A_1111 : memref<16x128xf32, #tpu.memory_space<hbm>>) target(%dma_start3A_1109 : memref<16x128xf32, #tpu.memory_space<vmem>>) target_semaphore(%arg17 : memref<!tpu.dma_semaphore, #tpu.memory_space<semaphore_mem>>)
        %slice3A_1112 = vector.extract_strided_slice %min3A_932 {offsets = [5], sizes = [1], strides = [1]} : vector<16xi32> to vector<1xi32>
        %squeeze3A_1113 = vector.extract %slice3A_1112[0] : i32 from vector<1xi32>
        %multiple_of3A_1114 = tpu.assume_multiple %squeeze3A_1113, 128 : i32
        %slice3A_1115 = vector.extract_strided_slice %min3A_941 {offsets = [5], sizes = [1], strides = [1]} : vector<16xi32> to vector<1xi32>
        %squeeze3A_1116 = vector.extract %slice3A_1115[0] : i32 from vector<1xi32>
        %multiple_of3A_1117 = tpu.assume_multiple %squeeze3A_1116, 128 : i32
        %dma_start3A_1118 = arith.constant 0 : i32
        %dma_start3A_1119 = arith.constant 5 : i32
        %dma_start3A_1120 = arith.constant 0 : i32
        %dma_start3A_1121 = arith.constant 0 : i32
        %dma_start3A_1122 = tpu.memref_slice %arg11[%dma_start3A_1118, %dma_start3A_1119, %dma_start3A_1120, %dma_start3A_1121] : memref<2x8x16x128xf32, #tpu.memory_space<vmem>> -> memref<1x1x16x128xf32, #tpu.memory_space<vmem>>
        %dma_start3A_1123 = tpu.memref_squeeze %dma_start3A_1122 : memref<1x1x16x128xf32, #tpu.memory_space<vmem>> -> memref<16x128xf32, #tpu.memory_space<vmem>>
        %dma_start3A_1124 = arith.constant 0 : i32
        %dma_start3A_1125 = tpu.memref_slice %arg2[%dma_start3A_1124, %multiple_of3A_1114] : memref<16x1000000xf32, #tpu.memory_space<hbm>> -> memref<16x128xf32, #tpu.memory_space<hbm>>
        %dma_start3A_1126 = arith.constant 0 : i32
        %dma_start3A_1127 = arith.constant 0 : i32
        %dma_start3A_1128 = tpu.memref_slice %arg11[%dma_start3A_1118, %dma_start3A_1119, %dma_start3A_1126, %dma_start3A_1127] : memref<2x8x16x128xf32, #tpu.memory_space<vmem>> -> memref<1x1x16x128xf32, #tpu.memory_space<vmem>>
        %dma_start3A_1129 = tpu.memref_squeeze %dma_start3A_1128 : memref<1x1x16x128xf32, #tpu.memory_space<vmem>> -> memref<16x128xf32, #tpu.memory_space<vmem>>
        %dma_start3A_1130 = arith.constant 0 : i32
        %dma_start3A_1131 = tpu.memref_slice %arg2[%dma_start3A_1130, %multiple_of3A_1114] : memref<16x1000000xf32, #tpu.memory_space<hbm>> -> memref<16x128xf32, #tpu.memory_space<hbm>>
        tpu.enqueue_dma source(%dma_start3A_1131 : memref<16x128xf32, #tpu.memory_space<hbm>>) target(%dma_start3A_1129 : memref<16x128xf32, #tpu.memory_space<vmem>>) target_semaphore(%arg17 : memref<!tpu.dma_semaphore, #tpu.memory_space<semaphore_mem>>)
        %dma_start3A_1132 = arith.constant 0 : i32
        %dma_start3A_1133 = arith.constant 5 : i32
        %dma_start3A_1134 = arith.constant 0 : i32
        %dma_start3A_1135 = arith.constant 0 : i32
        %dma_start3A_1136 = tpu.memref_slice %arg12[%dma_start3A_1132, %dma_start3A_1133, %dma_start3A_1134, %dma_start3A_1135] : memref<2x8x16x128xf32, #tpu.memory_space<vmem>> -> memref<1x1x16x128xf32, #tpu.memory_space<vmem>>
        %dma_start3A_1137 = tpu.memref_squeeze %dma_start3A_1136 : memref<1x1x16x128xf32, #tpu.memory_space<vmem>> -> memref<16x128xf32, #tpu.memory_space<vmem>>
        %dma_start3A_1138 = arith.constant 0 : i32
        %dma_start3A_1139 = tpu.memref_slice %arg3[%dma_start3A_1138, %multiple_of3A_1117] : memref<16x1000000xf32, #tpu.memory_space<hbm>> -> memref<16x128xf32, #tpu.memory_space<hbm>>
        %dma_start3A_1140 = arith.constant 0 : i32
        %dma_start3A_1141 = arith.constant 0 : i32
        %dma_start3A_1142 = tpu.memref_slice %arg12[%dma_start3A_1132, %dma_start3A_1133, %dma_start3A_1140, %dma_start3A_1141] : memref<2x8x16x128xf32, #tpu.memory_space<vmem>> -> memref<1x1x16x128xf32, #tpu.memory_space<vmem>>
        %dma_start3A_1143 = tpu.memref_squeeze %dma_start3A_1142 : memref<1x1x16x128xf32, #tpu.memory_space<vmem>> -> memref<16x128xf32, #tpu.memory_space<vmem>>
        %dma_start3A_1144 = arith.constant 0 : i32
        %dma_start3A_1145 = tpu.memref_slice %arg3[%dma_start3A_1144, %multiple_of3A_1117] : memref<16x1000000xf32, #tpu.memory_space<hbm>> -> memref<16x128xf32, #tpu.memory_space<hbm>>
        tpu.enqueue_dma source(%dma_start3A_1145 : memref<16x128xf32, #tpu.memory_space<hbm>>) target(%dma_start3A_1143 : memref<16x128xf32, #tpu.memory_space<vmem>>) target_semaphore(%arg17 : memref<!tpu.dma_semaphore, #tpu.memory_space<semaphore_mem>>)
        %slice3A_1146 = vector.extract_strided_slice %min3A_932 {offsets = [6], sizes = [1], strides = [1]} : vector<16xi32> to vector<1xi32>
        %squeeze3A_1147 = vector.extract %slice3A_1146[0] : i32 from vector<1xi32>
        %multiple_of3A_1148 = tpu.assume_multiple %squeeze3A_1147, 128 : i32
        %slice3A_1149 = vector.extract_strided_slice %min3A_941 {offsets = [6], sizes = [1], strides = [1]} : vector<16xi32> to vector<1xi32>
        %squeeze3A_1150 = vector.extract %slice3A_1149[0] : i32 from vector<1xi32>
        %multiple_of3A_1151 = tpu.assume_multiple %squeeze3A_1150, 128 : i32
        %dma_start3A_1152 = arith.constant 0 : i32
        %dma_start3A_1153 = arith.constant 6 : i32
        %dma_start3A_1154 = arith.constant 0 : i32
        %dma_start3A_1155 = arith.constant 0 : i32
        %dma_start3A_1156 = tpu.memref_slice %arg11[%dma_start3A_1152, %dma_start3A_1153, %dma_start3A_1154, %dma_start3A_1155] : memref<2x8x16x128xf32, #tpu.memory_space<vmem>> -> memref<1x1x16x128xf32, #tpu.memory_space<vmem>>
        %dma_start3A_1157 = tpu.memref_squeeze %dma_start3A_1156 : memref<1x1x16x128xf32, #tpu.memory_space<vmem>> -> memref<16x128xf32, #tpu.memory_space<vmem>>
        %dma_start3A_1158 = arith.constant 0 : i32
        %dma_start3A_1159 = tpu.memref_slice %arg2[%dma_start3A_1158, %multiple_of3A_1148] : memref<16x1000000xf32, #tpu.memory_space<hbm>> -> memref<16x128xf32, #tpu.memory_space<hbm>>
        %dma_start3A_1160 = arith.constant 0 : i32
        %dma_start3A_1161 = arith.constant 0 : i32
        %dma_start3A_1162 = tpu.memref_slice %arg11[%dma_start3A_1152, %dma_start3A_1153, %dma_start3A_1160, %dma_start3A_1161] : memref<2x8x16x128xf32, #tpu.memory_space<vmem>> -> memref<1x1x16x128xf32, #tpu.memory_space<vmem>>
        %dma_start3A_1163 = tpu.memref_squeeze %dma_start3A_1162 : memref<1x1x16x128xf32, #tpu.memory_space<vmem>> -> memref<16x128xf32, #tpu.memory_space<vmem>>
        %dma_start3A_1164 = arith.constant 0 : i32
        %dma_start3A_1165 = tpu.memref_slice %arg2[%dma_start3A_1164, %multiple_of3A_1148] : memref<16x1000000xf32, #tpu.memory_space<hbm>> -> memref<16x128xf32, #tpu.memory_space<hbm>>
        tpu.enqueue_dma source(%dma_start3A_1165 : memref<16x128xf32, #tpu.memory_space<hbm>>) target(%dma_start3A_1163 : memref<16x128xf32, #tpu.memory_space<vmem>>) target_semaphore(%arg17 : memref<!tpu.dma_semaphore, #tpu.memory_space<semaphore_mem>>)
        %dma_start3A_1166 = arith.constant 0 : i32
        %dma_start3A_1167 = arith.constant 6 : i32
        %dma_start3A_1168 = arith.constant 0 : i32
        %dma_start3A_1169 = arith.constant 0 : i32
        %dma_start3A_1170 = tpu.memref_slice %arg12[%dma_start3A_1166, %dma_start3A_1167, %dma_start3A_1168, %dma_start3A_1169] : memref<2x8x16x128xf32, #tpu.memory_space<vmem>> -> memref<1x1x16x128xf32, #tpu.memory_space<vmem>>
        %dma_start3A_1171 = tpu.memref_squeeze %dma_start3A_1170 : memref<1x1x16x128xf32, #tpu.memory_space<vmem>> -> memref<16x128xf32, #tpu.memory_space<vmem>>
        %dma_start3A_1172 = arith.constant 0 : i32
        %dma_start3A_1173 = tpu.memref_slice %arg3[%dma_start3A_1172, %multiple_of3A_1151] : memref<16x1000000xf32, #tpu.memory_space<hbm>> -> memref<16x128xf32, #tpu.memory_space<hbm>>
        %dma_start3A_1174 = arith.constant 0 : i32
        %dma_start3A_1175 = arith.constant 0 : i32
        %dma_start3A_1176 = tpu.memref_slice %arg12[%dma_start3A_1166, %dma_start3A_1167, %dma_start3A_1174, %dma_start3A_1175] : memref<2x8x16x128xf32, #tpu.memory_space<vmem>> -> memref<1x1x16x128xf32, #tpu.memory_space<vmem>>
        %dma_start3A_1177 = tpu.memref_squeeze %dma_start3A_1176 : memref<1x1x16x128xf32, #tpu.memory_space<vmem>> -> memref<16x128xf32, #tpu.memory_space<vmem>>
        %dma_start3A_1178 = arith.constant 0 : i32
        %dma_start3A_1179 = tpu.memref_slice %arg3[%dma_start3A_1178, %multiple_of3A_1151] : memref<16x1000000xf32, #tpu.memory_space<hbm>> -> memref<16x128xf32, #tpu.memory_space<hbm>>
        tpu.enqueue_dma source(%dma_start3A_1179 : memref<16x128xf32, #tpu.memory_space<hbm>>) target(%dma_start3A_1177 : memref<16x128xf32, #tpu.memory_space<vmem>>) target_semaphore(%arg17 : memref<!tpu.dma_semaphore, #tpu.memory_space<semaphore_mem>>)
        %slice3A_1180 = vector.extract_strided_slice %min3A_932 {offsets = [7], sizes = [1], strides = [1]} : vector<16xi32> to vector<1xi32>
        %squeeze3A_1181 = vector.extract %slice3A_1180[0] : i32 from vector<1xi32>
        %multiple_of3A_1182 = tpu.assume_multiple %squeeze3A_1181, 128 : i32
        %slice3A_1183 = vector.extract_strided_slice %min3A_941 {offsets = [7], sizes = [1], strides = [1]} : vector<16xi32> to vector<1xi32>
        %squeeze3A_1184 = vector.extract %slice3A_1183[0] : i32 from vector<1xi32>
        %multiple_of3A_1185 = tpu.assume_multiple %squeeze3A_1184, 128 : i32
        %dma_start3A_1186 = arith.constant 0 : i32
        %dma_start3A_1187 = arith.constant 7 : i32
        %dma_start3A_1188 = arith.constant 0 : i32
        %dma_start3A_1189 = arith.constant 0 : i32
        %dma_start3A_1190 = tpu.memref_slice %arg11[%dma_start3A_1186, %dma_start3A_1187, %dma_start3A_1188, %dma_start3A_1189] : memref<2x8x16x128xf32, #tpu.memory_space<vmem>> -> memref<1x1x16x128xf32, #tpu.memory_space<vmem>>
        %dma_start3A_1191 = tpu.memref_squeeze %dma_start3A_1190 : memref<1x1x16x128xf32, #tpu.memory_space<vmem>> -> memref<16x128xf32, #tpu.memory_space<vmem>>
        %dma_start3A_1192 = arith.constant 0 : i32
        %dma_start3A_1193 = tpu.memref_slice %arg2[%dma_start3A_1192, %multiple_of3A_1182] : memref<16x1000000xf32, #tpu.memory_space<hbm>> -> memref<16x128xf32, #tpu.memory_space<hbm>>
        %dma_start3A_1194 = arith.constant 0 : i32
        %dma_start3A_1195 = arith.constant 0 : i32
        %dma_start3A_1196 = tpu.memref_slice %arg11[%dma_start3A_1186, %dma_start3A_1187, %dma_start3A_1194, %dma_start3A_1195] : memref<2x8x16x128xf32, #tpu.memory_space<vmem>> -> memref<1x1x16x128xf32, #tpu.memory_space<vmem>>
        %dma_start3A_1197 = tpu.memref_squeeze %dma_start3A_1196 : memref<1x1x16x128xf32, #tpu.memory_space<vmem>> -> memref<16x128xf32, #tpu.memory_space<vmem>>
        %dma_start3A_1198 = arith.constant 0 : i32
        %dma_start3A_1199 = tpu.memref_slice %arg2[%dma_start3A_1198, %multiple_of3A_1182] : memref<16x1000000xf32, #tpu.memory_space<hbm>> -> memref<16x128xf32, #tpu.memory_space<hbm>>
        tpu.enqueue_dma source(%dma_start3A_1199 : memref<16x128xf32, #tpu.memory_space<hbm>>) target(%dma_start3A_1197 : memref<16x128xf32, #tpu.memory_space<vmem>>) target_semaphore(%arg17 : memref<!tpu.dma_semaphore, #tpu.memory_space<semaphore_mem>>)
        %dma_start3A_1200 = arith.constant 0 : i32
        %dma_start3A_1201 = arith.constant 7 : i32
        %dma_start3A_1202 = arith.constant 0 : i32
        %dma_start3A_1203 = arith.constant 0 : i32
        %dma_start3A_1204 = tpu.memref_slice %arg12[%dma_start3A_1200, %dma_start3A_1201, %dma_start3A_1202, %dma_start3A_1203] : memref<2x8x16x128xf32, #tpu.memory_space<vmem>> -> memref<1x1x16x128xf32, #tpu.memory_space<vmem>>
        %dma_start3A_1205 = tpu.memref_squeeze %dma_start3A_1204 : memref<1x1x16x128xf32, #tpu.memory_space<vmem>> -> memref<16x128xf32, #tpu.memory_space<vmem>>
        %dma_start3A_1206 = arith.constant 0 : i32
        %dma_start3A_1207 = tpu.memref_slice %arg3[%dma_start3A_1206, %multiple_of3A_1185] : memref<16x1000000xf32, #tpu.memory_space<hbm>> -> memref<16x128xf32, #tpu.memory_space<hbm>>
        %dma_start3A_1208 = arith.constant 0 : i32
        %dma_start3A_1209 = arith.constant 0 : i32
        %dma_start3A_1210 = tpu.memref_slice %arg12[%dma_start3A_1200, %dma_start3A_1201, %dma_start3A_1208, %dma_start3A_1209] : memref<2x8x16x128xf32, #tpu.memory_space<vmem>> -> memref<1x1x16x128xf32, #tpu.memory_space<vmem>>
        %dma_start3A_1211 = tpu.memref_squeeze %dma_start3A_1210 : memref<1x1x16x128xf32, #tpu.memory_space<vmem>> -> memref<16x128xf32, #tpu.memory_space<vmem>>
        %dma_start3A_1212 = arith.constant 0 : i32
        %dma_start3A_1213 = tpu.memref_slice %arg3[%dma_start3A_1212, %multiple_of3A_1185] : memref<16x1000000xf32, #tpu.memory_space<hbm>> -> memref<16x128xf32, #tpu.memory_space<hbm>>
        tpu.enqueue_dma source(%dma_start3A_1213 : memref<16x128xf32, #tpu.memory_space<hbm>>) target(%dma_start3A_1211 : memref<16x128xf32, #tpu.memory_space<vmem>>) target_semaphore(%arg17 : memref<!tpu.dma_semaphore, #tpu.memory_space<semaphore_mem>>)
      } else {
      }
      %dma_wait3A_751 = arith.constant 1 : i32
      %dma_wait3A_752 = arith.constant 0 : i32
      %dma_wait3A_753 = arith.constant 0 : i32
      %dma_wait3A_754 = arith.constant 0 : i32
      %dma_wait3A_755 = tpu.memref_slice %arg11[%dma_wait3A_751, %dma_wait3A_752, %dma_wait3A_753, %dma_wait3A_754] : memref<2x8x16x128xf32, #tpu.memory_space<vmem>> -> memref<1x8x16x128xf32, #tpu.memory_space<vmem>>
      %dma_wait3A_756 = tpu.memref_squeeze %dma_wait3A_755 : memref<1x8x16x128xf32, #tpu.memory_space<vmem>> -> memref<8x16x128xf32, #tpu.memory_space<vmem>>
      %dma_wait3A_757 = arith.constant 0 : i32
      %dma_wait3A_758 = arith.constant 0 : i32
      %dma_wait3A_759 = arith.constant 0 : i32
      %dma_wait3A_760 = tpu.memref_slice %arg11[%dma_wait3A_751, %dma_wait3A_757, %dma_wait3A_758, %dma_wait3A_759] : memref<2x8x16x128xf32, #tpu.memory_space<vmem>> -> memref<1x8x16x128xf32, #tpu.memory_space<vmem>>
      %dma_wait3A_761 = tpu.memref_squeeze %dma_wait3A_760 : memref<1x8x16x128xf32, #tpu.memory_space<vmem>> -> memref<8x16x128xf32, #tpu.memory_space<vmem>>
      tpu.wait_dma2 semaphore(%arg18 : memref<!tpu.dma_semaphore, #tpu.memory_space<semaphore_mem>>) src(%arg16 : memref<8x16x128xf32, #tpu.memory_space<hbm>>) dst(%dma_wait3A_761 : memref<8x16x128xf32, #tpu.memory_space<vmem>>)
      %dma_wait3A_762 = arith.constant 1 : i32
      %dma_wait3A_763 = arith.constant 0 : i32
      %dma_wait3A_764 = arith.constant 0 : i32
      %dma_wait3A_765 = arith.constant 0 : i32
      %dma_wait3A_766 = tpu.memref_slice %arg12[%dma_wait3A_762, %dma_wait3A_763, %dma_wait3A_764, %dma_wait3A_765] : memref<2x8x16x128xf32, #tpu.memory_space<vmem>> -> memref<1x8x16x128xf32, #tpu.memory_space<vmem>>
      %dma_wait3A_767 = tpu.memref_squeeze %dma_wait3A_766 : memref<1x8x16x128xf32, #tpu.memory_space<vmem>> -> memref<8x16x128xf32, #tpu.memory_space<vmem>>
      %dma_wait3A_768 = arith.constant 0 : i32
      %dma_wait3A_769 = arith.constant 0 : i32
      %dma_wait3A_770 = arith.constant 0 : i32
      %dma_wait3A_771 = tpu.memref_slice %arg12[%dma_wait3A_762, %dma_wait3A_768, %dma_wait3A_769, %dma_wait3A_770] : memref<2x8x16x128xf32, #tpu.memory_space<vmem>> -> memref<1x8x16x128xf32, #tpu.memory_space<vmem>>
      %dma_wait3A_772 = tpu.memref_squeeze %dma_wait3A_771 : memref<1x8x16x128xf32, #tpu.memory_space<vmem>> -> memref<8x16x128xf32, #tpu.memory_space<vmem>>
      tpu.wait_dma2 semaphore(%arg18 : memref<!tpu.dma_semaphore, #tpu.memory_space<semaphore_mem>>) src(%arg16 : memref<8x16x128xf32, #tpu.memory_space<hbm>>) dst(%dma_wait3A_772 : memref<8x16x128xf32, #tpu.memory_space<vmem>>)
      %sub3A_773 = arith.constant 8 : i32
      %sub3A_774 = vector.broadcast %sub3A_773 : i32 to vector<16xi32>
      %sub3A_775 = arith.subi %iota3A, %sub3A_774 : vector<16xi32>
      %jit3A_776 = arith.constant 0 : i32
      %jit3A_777 = arith.constant 7 : i32
      %max3A_778 = vector.broadcast %jit3A_776 : i32 to vector<16xi32>
      %max3A_779 = arith.maxsi %max3A_778, %sub3A_775 : vector<16xi32>
      %min3A_780 = vector.broadcast %jit3A_777 : i32 to vector<16xi32>
      %min3A_781 = arith.minsi %min3A_780, %max3A_779 : vector<16xi32>
      %broadcast_in_dim3A_782 = arith.constant 1 : i32
      %broadcast_in_dim3A_783 = vector.broadcast %broadcast_in_dim3A_782 : i32 to vector<16xi32>
      %and3A_784 = arith.constant 127 : i32
      %and3A_785 = vector.broadcast %and3A_784 : i32 to vector<16xi32>
      %and3A_786 = arith.andi %get3A_298, %and3A_785 : vector<16xi32>
      %and3A_787 = arith.constant 127 : i32
      %and3A_788 = vector.broadcast %and3A_787 : i32 to vector<16xi32>
      %and3A_789 = arith.andi %get3A_302, %and3A_788 : vector<16xi32>
      %ge3A_790 = arith.constant 999936 : i32
      %ge3A_791 = vector.broadcast %ge3A_790 : i32 to vector<16xi32>
      %ge3A_792 = arith.cmpi sge, %get3A_298, %ge3A_791 : vector<16xi32>
      %ge3A_793 = arith.constant 999936 : i32
      %ge3A_794 = vector.broadcast %ge3A_793 : i32 to vector<16xi32>
      %ge3A_795 = arith.cmpi sge, %get3A_302, %ge3A_794 : vector<16xi32>
      %broadcast_in_dim3A_796 = arith.constant 0.000000e+00 : f32
      %broadcast_in_dim3A_797 = vector.broadcast %broadcast_in_dim3A_796 : f32 to vector<16xf32>
      %broadcast_in_dim3A_798 = arith.constant 0 : i32
      %broadcast_in_dim3A_799 = vector.broadcast %broadcast_in_dim3A_798 : i32 to vector<16xi32>
      %gather3A_800 = tpu.vector_load_idx %arg11[%broadcast_in_dim3A_783, %min3A_781, %broadcast_in_dim3A_799, %and3A_786] : memref<2x8x16x128xf32, #tpu.memory_space<vmem>>[vector<16xi32>, vector<16xi32>, vector<16xi32>, vector<16xi32>], vector<16xf32>,
      %gather3A_801 = tpu.vector_load_idx %arg12[%broadcast_in_dim3A_783, %min3A_781, %broadcast_in_dim3A_799, %and3A_789] : memref<2x8x16x128xf32, #tpu.memory_space<vmem>>[vector<16xi32>, vector<16xi32>, vector<16xi32>, vector<16xi32>], vector<16xf32>,
      %mul3A_802 = arith.mulf %gather3A_800, %gather3A_801 : vector<16xf32>
      %add3A_803 = arith.addf %broadcast_in_dim3A_797, %mul3A_802 : vector<16xf32>
      %broadcast_in_dim3A_804 = arith.constant 1 : i32
      %broadcast_in_dim3A_805 = vector.broadcast %broadcast_in_dim3A_804 : i32 to vector<16xi32>
      %gather3A_806 = tpu.vector_load_idx %arg11[%broadcast_in_dim3A_783, %min3A_781, %broadcast_in_dim3A_805, %and3A_786] : memref<2x8x16x128xf32, #tpu.memory_space<vmem>>[vector<16xi32>, vector<16xi32>, vector<16xi32>, vector<16xi32>], vector<16xf32>,
      %gather3A_807 = tpu.vector_load_idx %arg12[%broadcast_in_dim3A_783, %min3A_781, %broadcast_in_dim3A_805, %and3A_789] : memref<2x8x16x128xf32, #tpu.memory_space<vmem>>[vector<16xi32>, vector<16xi32>, vector<16xi32>, vector<16xi32>], vector<16xf32>,
      %mul3A_808 = arith.mulf %gather3A_806, %gather3A_807 : vector<16xf32>
      %add3A_809 = arith.addf %add3A_803, %mul3A_808 : vector<16xf32>
      %broadcast_in_dim3A_810 = arith.constant 2 : i32
      %broadcast_in_dim3A_811 = vector.broadcast %broadcast_in_dim3A_810 : i32 to vector<16xi32>
      %gather3A_812 = tpu.vector_load_idx %arg11[%broadcast_in_dim3A_783, %min3A_781, %broadcast_in_dim3A_811, %and3A_786] : memref<2x8x16x128xf32, #tpu.memory_space<vmem>>[vector<16xi32>, vector<16xi32>, vector<16xi32>, vector<16xi32>], vector<16xf32>,
      %gather3A_813 = tpu.vector_load_idx %arg12[%broadcast_in_dim3A_783, %min3A_781, %broadcast_in_dim3A_811, %and3A_789] : memref<2x8x16x128xf32, #tpu.memory_space<vmem>>[vector<16xi32>, vector<16xi32>, vector<16xi32>, vector<16xi32>], vector<16xf32>,
      %mul3A_814 = arith.mulf %gather3A_812, %gather3A_813 : vector<16xf32>
      %add3A_815 = arith.addf %add3A_809, %mul3A_814 : vector<16xf32>
      %broadcast_in_dim3A_816 = arith.constant 3 : i32
      %broadcast_in_dim3A_817 = vector.broadcast %broadcast_in_dim3A_816 : i32 to vector<16xi32>
      %gather3A_818 = tpu.vector_load_idx %arg11[%broadcast_in_dim3A_783, %min3A_781, %broadcast_in_dim3A_817, %and3A_786] : memref<2x8x16x128xf32, #tpu.memory_space<vmem>>[vector<16xi32>, vector<16xi32>, vector<16xi32>, vector<16xi32>], vector<16xf32>,
      %gather3A_819 = tpu.vector_load_idx %arg12[%broadcast_in_dim3A_783, %min3A_781, %broadcast_in_dim3A_817, %and3A_789] : memref<2x8x16x128xf32, #tpu.memory_space<vmem>>[vector<16xi32>, vector<16xi32>, vector<16xi32>, vector<16xi32>], vector<16xf32>,
      %mul3A_820 = arith.mulf %gather3A_818, %gather3A_819 : vector<16xf32>
      %add3A_821 = arith.addf %add3A_815, %mul3A_820 : vector<16xf32>
      %broadcast_in_dim3A_822 = arith.constant 4 : i32
      %broadcast_in_dim3A_823 = vector.broadcast %broadcast_in_dim3A_822 : i32 to vector<16xi32>
      %gather3A_824 = tpu.vector_load_idx %arg11[%broadcast_in_dim3A_783, %min3A_781, %broadcast_in_dim3A_823, %and3A_786] : memref<2x8x16x128xf32, #tpu.memory_space<vmem>>[vector<16xi32>, vector<16xi32>, vector<16xi32>, vector<16xi32>], vector<16xf32>,
      %gather3A_825 = tpu.vector_load_idx %arg12[%broadcast_in_dim3A_783, %min3A_781, %broadcast_in_dim3A_823, %and3A_789] : memref<2x8x16x128xf32, #tpu.memory_space<vmem>>[vector<16xi32>, vector<16xi32>, vector<16xi32>, vector<16xi32>], vector<16xf32>,
      %mul3A_826 = arith.mulf %gather3A_824, %gather3A_825 : vector<16xf32>
      %add3A_827 = arith.addf %add3A_821, %mul3A_826 : vector<16xf32>
      %broadcast_in_dim3A_828 = arith.constant 5 : i32
      %broadcast_in_dim3A_829 = vector.broadcast %broadcast_in_dim3A_828 : i32 to vector<16xi32>
      %gather3A_830 = tpu.vector_load_idx %arg11[%broadcast_in_dim3A_783, %min3A_781, %broadcast_in_dim3A_829, %and3A_786] : memref<2x8x16x128xf32, #tpu.memory_space<vmem>>[vector<16xi32>, vector<16xi32>, vector<16xi32>, vector<16xi32>], vector<16xf32>,
      %gather3A_831 = tpu.vector_load_idx %arg12[%broadcast_in_dim3A_783, %min3A_781, %broadcast_in_dim3A_829, %and3A_789] : memref<2x8x16x128xf32, #tpu.memory_space<vmem>>[vector<16xi32>, vector<16xi32>, vector<16xi32>, vector<16xi32>], vector<16xf32>,
      %mul3A_832 = arith.mulf %gather3A_830, %gather3A_831 : vector<16xf32>
      %add3A_833 = arith.addf %add3A_827, %mul3A_832 : vector<16xf32>
      %broadcast_in_dim3A_834 = arith.constant 6 : i32
      %broadcast_in_dim3A_835 = vector.broadcast %broadcast_in_dim3A_834 : i32 to vector<16xi32>
      %gather3A_836 = tpu.vector_load_idx %arg11[%broadcast_in_dim3A_783, %min3A_781, %broadcast_in_dim3A_835, %and3A_786] : memref<2x8x16x128xf32, #tpu.memory_space<vmem>>[vector<16xi32>, vector<16xi32>, vector<16xi32>, vector<16xi32>], vector<16xf32>,
      %gather3A_837 = tpu.vector_load_idx %arg12[%broadcast_in_dim3A_783, %min3A_781, %broadcast_in_dim3A_835, %and3A_789] : memref<2x8x16x128xf32, #tpu.memory_space<vmem>>[vector<16xi32>, vector<16xi32>, vector<16xi32>, vector<16xi32>], vector<16xf32>,
      %mul3A_838 = arith.mulf %gather3A_836, %gather3A_837 : vector<16xf32>
      %add3A_839 = arith.addf %add3A_833, %mul3A_838 : vector<16xf32>
      %broadcast_in_dim3A_840 = arith.constant 7 : i32
      %broadcast_in_dim3A_841 = vector.broadcast %broadcast_in_dim3A_840 : i32 to vector<16xi32>
      %gather3A_842 = tpu.vector_load_idx %arg11[%broadcast_in_dim3A_783, %min3A_781, %broadcast_in_dim3A_841, %and3A_786] : memref<2x8x16x128xf32, #tpu.memory_space<vmem>>[vector<16xi32>, vector<16xi32>, vector<16xi32>, vector<16xi32>], vector<16xf32>,
      %gather3A_843 = tpu.vector_load_idx %arg12[%broadcast_in_dim3A_783, %min3A_781, %broadcast_in_dim3A_841, %and3A_789] : memref<2x8x16x128xf32, #tpu.memory_space<vmem>>[vector<16xi32>, vector<16xi32>, vector<16xi32>, vector<16xi32>], vector<16xf32>,
      %mul3A_844 = arith.mulf %gather3A_842, %gather3A_843 : vector<16xf32>
      %add3A_845 = arith.addf %add3A_839, %mul3A_844 : vector<16xf32>
      %broadcast_in_dim3A_846 = arith.constant 8 : i32
      %broadcast_in_dim3A_847 = vector.broadcast %broadcast_in_dim3A_846 : i32 to vector<16xi32>
      %gather3A_848 = tpu.vector_load_idx %arg11[%broadcast_in_dim3A_783, %min3A_781, %broadcast_in_dim3A_847, %and3A_786] : memref<2x8x16x128xf32, #tpu.memory_space<vmem>>[vector<16xi32>, vector<16xi32>, vector<16xi32>, vector<16xi32>], vector<16xf32>,
      %gather3A_849 = tpu.vector_load_idx %arg12[%broadcast_in_dim3A_783, %min3A_781, %broadcast_in_dim3A_847, %and3A_789] : memref<2x8x16x128xf32, #tpu.memory_space<vmem>>[vector<16xi32>, vector<16xi32>, vector<16xi32>, vector<16xi32>], vector<16xf32>,
      %mul3A_850 = arith.mulf %gather3A_848, %gather3A_849 : vector<16xf32>
      %add3A_851 = arith.addf %add3A_845, %mul3A_850 : vector<16xf32>
      %broadcast_in_dim3A_852 = arith.constant 9 : i32
      %broadcast_in_dim3A_853 = vector.broadcast %broadcast_in_dim3A_852 : i32 to vector<16xi32>
      %gather3A_854 = tpu.vector_load_idx %arg11[%broadcast_in_dim3A_783, %min3A_781, %broadcast_in_dim3A_853, %and3A_786] : memref<2x8x16x128xf32, #tpu.memory_space<vmem>>[vector<16xi32>, vector<16xi32>, vector<16xi32>, vector<16xi32>], vector<16xf32>,
      %gather3A_855 = tpu.vector_load_idx %arg12[%broadcast_in_dim3A_783, %min3A_781, %broadcast_in_dim3A_853, %and3A_789] : memref<2x8x16x128xf32, #tpu.memory_space<vmem>>[vector<16xi32>, vector<16xi32>, vector<16xi32>, vector<16xi32>], vector<16xf32>,
      %mul3A_856 = arith.mulf %gather3A_854, %gather3A_855 : vector<16xf32>
      %add3A_857 = arith.addf %add3A_851, %mul3A_856 : vector<16xf32>
      %broadcast_in_dim3A_858 = arith.constant 10 : i32
      %broadcast_in_dim3A_859 = vector.broadcast %broadcast_in_dim3A_858 : i32 to vector<16xi32>
      %gather3A_860 = tpu.vector_load_idx %arg11[%broadcast_in_dim3A_783, %min3A_781, %broadcast_in_dim3A_859, %and3A_786] : memref<2x8x16x128xf32, #tpu.memory_space<vmem>>[vector<16xi32>, vector<16xi32>, vector<16xi32>, vector<16xi32>], vector<16xf32>,
      %gather3A_861 = tpu.vector_load_idx %arg12[%broadcast_in_dim3A_783, %min3A_781, %broadcast_in_dim3A_859, %and3A_789] : memref<2x8x16x128xf32, #tpu.memory_space<vmem>>[vector<16xi32>, vector<16xi32>, vector<16xi32>, vector<16xi32>], vector<16xf32>,
      %mul3A_862 = arith.mulf %gather3A_860, %gather3A_861 : vector<16xf32>
      %add3A_863 = arith.addf %add3A_857, %mul3A_862 : vector<16xf32>
      %broadcast_in_dim3A_864 = arith.constant 11 : i32
      %broadcast_in_dim3A_865 = vector.broadcast %broadcast_in_dim3A_864 : i32 to vector<16xi32>
      %gather3A_866 = tpu.vector_load_idx %arg11[%broadcast_in_dim3A_783, %min3A_781, %broadcast_in_dim3A_865, %and3A_786] : memref<2x8x16x128xf32, #tpu.memory_space<vmem>>[vector<16xi32>, vector<16xi32>, vector<16xi32>, vector<16xi32>], vector<16xf32>,
      %gather3A_867 = tpu.vector_load_idx %arg12[%broadcast_in_dim3A_783, %min3A_781, %broadcast_in_dim3A_865, %and3A_789] : memref<2x8x16x128xf32, #tpu.memory_space<vmem>>[vector<16xi32>, vector<16xi32>, vector<16xi32>, vector<16xi32>], vector<16xf32>,
      %mul3A_868 = arith.mulf %gather3A_866, %gather3A_867 : vector<16xf32>
      %add3A_869 = arith.addf %add3A_863, %mul3A_868 : vector<16xf32>
      %broadcast_in_dim3A_870 = arith.constant 12 : i32
      %broadcast_in_dim3A_871 = vector.broadcast %broadcast_in_dim3A_870 : i32 to vector<16xi32>
      %gather3A_872 = tpu.vector_load_idx %arg11[%broadcast_in_dim3A_783, %min3A_781, %broadcast_in_dim3A_871, %and3A_786] : memref<2x8x16x128xf32, #tpu.memory_space<vmem>>[vector<16xi32>, vector<16xi32>, vector<16xi32>, vector<16xi32>], vector<16xf32>,
      %gather3A_873 = tpu.vector_load_idx %arg12[%broadcast_in_dim3A_783, %min3A_781, %broadcast_in_dim3A_871, %and3A_789] : memref<2x8x16x128xf32, #tpu.memory_space<vmem>>[vector<16xi32>, vector<16xi32>, vector<16xi32>, vector<16xi32>], vector<16xf32>,
      %mul3A_874 = arith.mulf %gather3A_872, %gather3A_873 : vector<16xf32>
      %add3A_875 = arith.addf %add3A_869, %mul3A_874 : vector<16xf32>
      %broadcast_in_dim3A_876 = arith.constant 13 : i32
      %broadcast_in_dim3A_877 = vector.broadcast %broadcast_in_dim3A_876 : i32 to vector<16xi32>
      %gather3A_878 = tpu.vector_load_idx %arg11[%broadcast_in_dim3A_783, %min3A_781, %broadcast_in_dim3A_877, %and3A_786] : memref<2x8x16x128xf32, #tpu.memory_space<vmem>>[vector<16xi32>, vector<16xi32>, vector<16xi32>, vector<16xi32>], vector<16xf32>,
      %gather3A_879 = tpu.vector_load_idx %arg12[%broadcast_in_dim3A_783, %min3A_781, %broadcast_in_dim3A_877, %and3A_789] : memref<2x8x16x128xf32, #tpu.memory_space<vmem>>[vector<16xi32>, vector<16xi32>, vector<16xi32>, vector<16xi32>], vector<16xf32>,
      %mul3A_880 = arith.mulf %gather3A_878, %gather3A_879 : vector<16xf32>
      %add3A_881 = arith.addf %add3A_875, %mul3A_880 : vector<16xf32>
      %broadcast_in_dim3A_882 = arith.constant 14 : i32
      %broadcast_in_dim3A_883 = vector.broadcast %broadcast_in_dim3A_882 : i32 to vector<16xi32>
      %gather3A_884 = tpu.vector_load_idx %arg11[%broadcast_in_dim3A_783, %min3A_781, %broadcast_in_dim3A_883, %and3A_786] : memref<2x8x16x128xf32, #tpu.memory_space<vmem>>[vector<16xi32>, vector<16xi32>, vector<16xi32>, vector<16xi32>], vector<16xf32>,
      %gather3A_885 = tpu.vector_load_idx %arg12[%broadcast_in_dim3A_783, %min3A_781, %broadcast_in_dim3A_883, %and3A_789] : memref<2x8x16x128xf32, #tpu.memory_space<vmem>>[vector<16xi32>, vector<16xi32>, vector<16xi32>, vector<16xi32>], vector<16xf32>,
      %mul3A_886 = arith.mulf %gather3A_884, %gather3A_885 : vector<16xf32>
      %add3A_887 = arith.addf %add3A_881, %mul3A_886 : vector<16xf32>
      %broadcast_in_dim3A_888 = arith.constant 15 : i32
      %broadcast_in_dim3A_889 = vector.broadcast %broadcast_in_dim3A_888 : i32 to vector<16xi32>
      %gather3A_890 = tpu.vector_load_idx %arg11[%broadcast_in_dim3A_783, %min3A_781, %broadcast_in_dim3A_889, %and3A_786] : memref<2x8x16x128xf32, #tpu.memory_space<vmem>>[vector<16xi32>, vector<16xi32>, vector<16xi32>, vector<16xi32>], vector<16xf32>,
      %gather3A_891 = tpu.vector_load_idx %arg12[%broadcast_in_dim3A_783, %min3A_781, %broadcast_in_dim3A_889, %and3A_789] : memref<2x8x16x128xf32, #tpu.memory_space<vmem>>[vector<16xi32>, vector<16xi32>, vector<16xi32>, vector<16xi32>], vector<16xf32>,
      %mul3A_892 = arith.mulf %gather3A_890, %gather3A_891 : vector<16xf32>
      %add3A_893 = arith.addf %add3A_887, %mul3A_892 : vector<16xf32>
      %lt3A_894 = arith.constant 8 : i32
      %lt3A_895 = vector.broadcast %lt3A_894 : i32 to vector<16xi32>
      %lt3A_896 = arith.cmpi slt, %iota3A, %lt3A_895 : vector<16xi32>
      %select_n3A_897 = arith.select %lt3A_896, %add3A_744, %add3A_893 : vector<16xi1>, vector<16xf32>
      %neg3A = arith.constant 0.000000e+00 : f32
      %neg3A_898 = vector.broadcast %neg3A : f32 to vector<16xf32>
      %neg3A_899 = arith.subf %neg3A_898, %select_n3A_897 : vector<16xf32>
      %exp3A = math.exp %neg3A_899 : vector<16xf32>
      %add3A_900 = arith.constant 1.000000e+00 : f32
      %add3A_901 = vector.broadcast %add3A_900 : f32 to vector<16xf32>
      %add3A_902 = arith.addf %add3A_901, %exp3A : vector<16xf32>
      %div3A = arith.constant 1.000000e+00 : f32
      %div3A_903 = vector.broadcast %div3A : f32 to vector<16xf32>
      %div3A_904 = arith.divf %div3A_903, %add3A_902 : vector<16xf32>
      %mul3A_905 = arith.constant 16 : i32
      %mul3A_906 = arith.muli %scan3A_294, %mul3A_905 : i32
      %swap3A = arith.index_cast %mul3A_906 : i32 to index
      %swap3A_907 = tpu.vector_load %arg15[%swap3A] {strides = array<i32>} : memref<512xf32, #tpu.memory_space<vmem>>, vector<16xf32>,
      tpu.vector_store %arg15[%swap3A], %div3A_904 {strides = array<i32>} : memref<512xf32, #tpu.memory_space<vmem>>, vector<16xf32>,
      %gt3A = arith.constant 0 : i32
      %gt3A_908 = arith.cmpi sgt, %reduce_max3A_316, %gt3A : i32
      %convert_element_type3A_909 = arith.extui %gt3A_908 : i1 to i32
      %cond3A_910 = arith.constant 0 : i32
      %cond3A_911 = arith.cmpi ne, %convert_element_type3A_909, %cond3A_910 : i32
      scf.if %cond3A_911 {
        %sub3A_912 = arith.constant 0 : i32
        %sub3A_913 = vector.broadcast %sub3A_912 : i32 to vector<16xi32>
        %sub3A_914 = arith.subi %iota3A, %sub3A_913 : vector<16xi32>
        %jit3A_915 = arith.constant 0 : i32
        %jit3A_916 = arith.constant 7 : i32
        %max3A_917 = vector.broadcast %jit3A_915 : i32 to vector<16xi32>
        %max3A_918 = arith.maxsi %max3A_917, %sub3A_914 : vector<16xi32>
        %min3A_919 = vector.broadcast %jit3A_916 : i32 to vector<16xi32>
        %min3A_920 = arith.minsi %min3A_919, %max3A_918 : vector<16xi32>
        %broadcast_in_dim3A_921 = arith.constant 0 : i32
        %broadcast_in_dim3A_922 = vector.broadcast %broadcast_in_dim3A_921 : i32 to vector<16xi32>
        %and3A_923 = arith.constant 127 : i32
        %and3A_924 = vector.broadcast %and3A_923 : i32 to vector<16xi32>
        %and3A_925 = arith.andi %get3A_298, %and3A_924 : vector<16xi32>
        %and3A_926 = arith.constant 127 : i32
        %and3A_927 = vector.broadcast %and3A_926 : i32 to vector<16xi32>
        %and3A_928 = arith.andi %get3A_302, %and3A_927 : vector<16xi32>
        %ge3A_929 = arith.constant 999936 : i32
        %ge3A_930 = vector.broadcast %ge3A_929 : i32 to vector<16xi32>
        %ge3A_931 = arith.cmpi sge, %get3A_298, %ge3A_930 : vector<16xi32>
        %ge3A_932 = arith.constant 999936 : i32
        %ge3A_933 = vector.broadcast %ge3A_932 : i32 to vector<16xi32>
        %ge3A_934 = arith.cmpi sge, %get3A_302, %ge3A_933 : vector<16xi32>
        %broadcast_in_dim3A_935 = arith.constant 0.000000e+00 : f32
        %broadcast_in_dim3A_936 = vector.broadcast %broadcast_in_dim3A_935 : f32 to vector<16xf32>
        %broadcast_in_dim3A_937 = arith.constant 0 : i32
        %broadcast_in_dim3A_938 = vector.broadcast %broadcast_in_dim3A_937 : i32 to vector<16xi32>
        %gather3A_939 = tpu.vector_load_idx %arg11[%broadcast_in_dim3A_922, %min3A_920, %broadcast_in_dim3A_938, %and3A_925] : memref<2x8x16x128xf32, #tpu.memory_space<vmem>>[vector<16xi32>, vector<16xi32>, vector<16xi32>, vector<16xi32>], vector<16xf32>,
        %gather3A_940 = tpu.vector_load_idx %arg12[%broadcast_in_dim3A_922, %min3A_920, %broadcast_in_dim3A_938, %and3A_928] : memref<2x8x16x128xf32, #tpu.memory_space<vmem>>[vector<16xi32>, vector<16xi32>, vector<16xi32>, vector<16xi32>], vector<16xf32>,
        %gather3A_941 = tpu.vector_load_idx %arg13[%broadcast_in_dim3A_938, %and3A_925] : memref<16x128xf32, #tpu.memory_space<vmem>>[vector<16xi32>, vector<16xi32>], vector<16xf32>,
        %gather3A_942 = tpu.vector_load_idx %arg14[%broadcast_in_dim3A_938, %and3A_928] : memref<16x128xf32, #tpu.memory_space<vmem>>[vector<16xi32>, vector<16xi32>], vector<16xf32>,
        %select_n3A_943 = arith.select %ge3A_931, %gather3A_941, %gather3A_939 : vector<16xi1>, vector<16xf32>
        %select_n3A_944 = arith.select %ge3A_934, %gather3A_942, %gather3A_940 : vector<16xi1>, vector<16xf32>
        %mul3A_945 = arith.mulf %select_n3A_943, %select_n3A_944 : vector<16xf32>
        %add3A_946 = arith.addf %broadcast_in_dim3A_936, %mul3A_945 : vector<16xf32>
        %broadcast_in_dim3A_947 = arith.constant 1 : i32
        %broadcast_in_dim3A_948 = vector.broadcast %broadcast_in_dim3A_947 : i32 to vector<16xi32>
        %gather3A_949 = tpu.vector_load_idx %arg11[%broadcast_in_dim3A_922, %min3A_920, %broadcast_in_dim3A_948, %and3A_925] : memref<2x8x16x128xf32, #tpu.memory_space<vmem>>[vector<16xi32>, vector<16xi32>, vector<16xi32>, vector<16xi32>], vector<16xf32>,
        %gather3A_950 = tpu.vector_load_idx %arg12[%broadcast_in_dim3A_922, %min3A_920, %broadcast_in_dim3A_948, %and3A_928] : memref<2x8x16x128xf32, #tpu.memory_space<vmem>>[vector<16xi32>, vector<16xi32>, vector<16xi32>, vector<16xi32>], vector<16xf32>,
        %gather3A_951 = tpu.vector_load_idx %arg13[%broadcast_in_dim3A_948, %and3A_925] : memref<16x128xf32, #tpu.memory_space<vmem>>[vector<16xi32>, vector<16xi32>], vector<16xf32>,
        %gather3A_952 = tpu.vector_load_idx %arg14[%broadcast_in_dim3A_948, %and3A_928] : memref<16x128xf32, #tpu.memory_space<vmem>>[vector<16xi32>, vector<16xi32>], vector<16xf32>,
        %select_n3A_953 = arith.select %ge3A_931, %gather3A_951, %gather3A_949 : vector<16xi1>, vector<16xf32>
        %select_n3A_954 = arith.select %ge3A_934, %gather3A_952, %gather3A_950 : vector<16xi1>, vector<16xf32>
        %mul3A_955 = arith.mulf %select_n3A_953, %select_n3A_954 : vector<16xf32>
        %add3A_956 = arith.addf %add3A_946, %mul3A_955 : vector<16xf32>
        %broadcast_in_dim3A_957 = arith.constant 2 : i32
        %broadcast_in_dim3A_958 = vector.broadcast %broadcast_in_dim3A_957 : i32 to vector<16xi32>
        %gather3A_959 = tpu.vector_load_idx %arg11[%broadcast_in_dim3A_922, %min3A_920, %broadcast_in_dim3A_958, %and3A_925] : memref<2x8x16x128xf32, #tpu.memory_space<vmem>>[vector<16xi32>, vector<16xi32>, vector<16xi32>, vector<16xi32>], vector<16xf32>,
        %gather3A_960 = tpu.vector_load_idx %arg12[%broadcast_in_dim3A_922, %min3A_920, %broadcast_in_dim3A_958, %and3A_928] : memref<2x8x16x128xf32, #tpu.memory_space<vmem>>[vector<16xi32>, vector<16xi32>, vector<16xi32>, vector<16xi32>], vector<16xf32>,
        %gather3A_961 = tpu.vector_load_idx %arg13[%broadcast_in_dim3A_958, %and3A_925] : memref<16x128xf32, #tpu.memory_space<vmem>>[vector<16xi32>, vector<16xi32>], vector<16xf32>,
        %gather3A_962 = tpu.vector_load_idx %arg14[%broadcast_in_dim3A_958, %and3A_928] : memref<16x128xf32, #tpu.memory_space<vmem>>[vector<16xi32>, vector<16xi32>], vector<16xf32>,
        %select_n3A_963 = arith.select %ge3A_931, %gather3A_961, %gather3A_959 : vector<16xi1>, vector<16xf32>
        %select_n3A_964 = arith.select %ge3A_934, %gather3A_962, %gather3A_960 : vector<16xi1>, vector<16xf32>
        %mul3A_965 = arith.mulf %select_n3A_963, %select_n3A_964 : vector<16xf32>
        %add3A_966 = arith.addf %add3A_956, %mul3A_965 : vector<16xf32>
        %broadcast_in_dim3A_967 = arith.constant 3 : i32
        %broadcast_in_dim3A_968 = vector.broadcast %broadcast_in_dim3A_967 : i32 to vector<16xi32>
        %gather3A_969 = tpu.vector_load_idx %arg11[%broadcast_in_dim3A_922, %min3A_920, %broadcast_in_dim3A_968, %and3A_925] : memref<2x8x16x128xf32, #tpu.memory_space<vmem>>[vector<16xi32>, vector<16xi32>, vector<16xi32>, vector<16xi32>], vector<16xf32>,
        %gather3A_970 = tpu.vector_load_idx %arg12[%broadcast_in_dim3A_922, %min3A_920, %broadcast_in_dim3A_968, %and3A_928] : memref<2x8x16x128xf32, #tpu.memory_space<vmem>>[vector<16xi32>, vector<16xi32>, vector<16xi32>, vector<16xi32>], vector<16xf32>,
        %gather3A_971 = tpu.vector_load_idx %arg13[%broadcast_in_dim3A_968, %and3A_925] : memref<16x128xf32, #tpu.memory_space<vmem>>[vector<16xi32>, vector<16xi32>], vector<16xf32>,
        %gather3A_972 = tpu.vector_load_idx %arg14[%broadcast_in_dim3A_968, %and3A_928] : memref<16x128xf32, #tpu.memory_space<vmem>>[vector<16xi32>, vector<16xi32>], vector<16xf32>,
        %select_n3A_973 = arith.select %ge3A_931, %gather3A_971, %gather3A_969 : vector<16xi1>, vector<16xf32>
        %select_n3A_974 = arith.select %ge3A_934, %gather3A_972, %gather3A_970 : vector<16xi1>, vector<16xf32>
        %mul3A_975 = arith.mulf %select_n3A_973, %select_n3A_974 : vector<16xf32>
        %add3A_976 = arith.addf %add3A_966, %mul3A_975 : vector<16xf32>
        %broadcast_in_dim3A_977 = arith.constant 4 : i32
        %broadcast_in_dim3A_978 = vector.broadcast %broadcast_in_dim3A_977 : i32 to vector<16xi32>
        %gather3A_979 = tpu.vector_load_idx %arg11[%broadcast_in_dim3A_922, %min3A_920, %broadcast_in_dim3A_978, %and3A_925] : memref<2x8x16x128xf32, #tpu.memory_space<vmem>>[vector<16xi32>, vector<16xi32>, vector<16xi32>, vector<16xi32>], vector<16xf32>,
        %gather3A_980 = tpu.vector_load_idx %arg12[%broadcast_in_dim3A_922, %min3A_920, %broadcast_in_dim3A_978, %and3A_928] : memref<2x8x16x128xf32, #tpu.memory_space<vmem>>[vector<16xi32>, vector<16xi32>, vector<16xi32>, vector<16xi32>], vector<16xf32>,
        %gather3A_981 = tpu.vector_load_idx %arg13[%broadcast_in_dim3A_978, %and3A_925] : memref<16x128xf32, #tpu.memory_space<vmem>>[vector<16xi32>, vector<16xi32>], vector<16xf32>,
        %gather3A_982 = tpu.vector_load_idx %arg14[%broadcast_in_dim3A_978, %and3A_928] : memref<16x128xf32, #tpu.memory_space<vmem>>[vector<16xi32>, vector<16xi32>], vector<16xf32>,
        %select_n3A_983 = arith.select %ge3A_931, %gather3A_981, %gather3A_979 : vector<16xi1>, vector<16xf32>
        %select_n3A_984 = arith.select %ge3A_934, %gather3A_982, %gather3A_980 : vector<16xi1>, vector<16xf32>
        %mul3A_985 = arith.mulf %select_n3A_983, %select_n3A_984 : vector<16xf32>
        %add3A_986 = arith.addf %add3A_976, %mul3A_985 : vector<16xf32>
        %broadcast_in_dim3A_987 = arith.constant 5 : i32
        %broadcast_in_dim3A_988 = vector.broadcast %broadcast_in_dim3A_987 : i32 to vector<16xi32>
        %gather3A_989 = tpu.vector_load_idx %arg11[%broadcast_in_dim3A_922, %min3A_920, %broadcast_in_dim3A_988, %and3A_925] : memref<2x8x16x128xf32, #tpu.memory_space<vmem>>[vector<16xi32>, vector<16xi32>, vector<16xi32>, vector<16xi32>], vector<16xf32>,
        %gather3A_990 = tpu.vector_load_idx %arg12[%broadcast_in_dim3A_922, %min3A_920, %broadcast_in_dim3A_988, %and3A_928] : memref<2x8x16x128xf32, #tpu.memory_space<vmem>>[vector<16xi32>, vector<16xi32>, vector<16xi32>, vector<16xi32>], vector<16xf32>,
        %gather3A_991 = tpu.vector_load_idx %arg13[%broadcast_in_dim3A_988, %and3A_925] : memref<16x128xf32, #tpu.memory_space<vmem>>[vector<16xi32>, vector<16xi32>], vector<16xf32>,
        %gather3A_992 = tpu.vector_load_idx %arg14[%broadcast_in_dim3A_988, %and3A_928] : memref<16x128xf32, #tpu.memory_space<vmem>>[vector<16xi32>, vector<16xi32>], vector<16xf32>,
        %select_n3A_993 = arith.select %ge3A_931, %gather3A_991, %gather3A_989 : vector<16xi1>, vector<16xf32>
        %select_n3A_994 = arith.select %ge3A_934, %gather3A_992, %gather3A_990 : vector<16xi1>, vector<16xf32>
        %mul3A_995 = arith.mulf %select_n3A_993, %select_n3A_994 : vector<16xf32>
        %add3A_996 = arith.addf %add3A_986, %mul3A_995 : vector<16xf32>
        %broadcast_in_dim3A_997 = arith.constant 6 : i32
        %broadcast_in_dim3A_998 = vector.broadcast %broadcast_in_dim3A_997 : i32 to vector<16xi32>
        %gather3A_999 = tpu.vector_load_idx %arg11[%broadcast_in_dim3A_922, %min3A_920, %broadcast_in_dim3A_998, %and3A_925] : memref<2x8x16x128xf32, #tpu.memory_space<vmem>>[vector<16xi32>, vector<16xi32>, vector<16xi32>, vector<16xi32>], vector<16xf32>,
        %gather3A_1000 = tpu.vector_load_idx %arg12[%broadcast_in_dim3A_922, %min3A_920, %broadcast_in_dim3A_998, %and3A_928] : memref<2x8x16x128xf32, #tpu.memory_space<vmem>>[vector<16xi32>, vector<16xi32>, vector<16xi32>, vector<16xi32>], vector<16xf32>,
        %gather3A_1001 = tpu.vector_load_idx %arg13[%broadcast_in_dim3A_998, %and3A_925] : memref<16x128xf32, #tpu.memory_space<vmem>>[vector<16xi32>, vector<16xi32>], vector<16xf32>,
        %gather3A_1002 = tpu.vector_load_idx %arg14[%broadcast_in_dim3A_998, %and3A_928] : memref<16x128xf32, #tpu.memory_space<vmem>>[vector<16xi32>, vector<16xi32>], vector<16xf32>,
        %select_n3A_1003 = arith.select %ge3A_931, %gather3A_1001, %gather3A_999 : vector<16xi1>, vector<16xf32>
        %select_n3A_1004 = arith.select %ge3A_934, %gather3A_1002, %gather3A_1000 : vector<16xi1>, vector<16xf32>
        %mul3A_1005 = arith.mulf %select_n3A_1003, %select_n3A_1004 : vector<16xf32>
        %add3A_1006 = arith.addf %add3A_996, %mul3A_1005 : vector<16xf32>
        %broadcast_in_dim3A_1007 = arith.constant 7 : i32
        %broadcast_in_dim3A_1008 = vector.broadcast %broadcast_in_dim3A_1007 : i32 to vector<16xi32>
        %gather3A_1009 = tpu.vector_load_idx %arg11[%broadcast_in_dim3A_922, %min3A_920, %broadcast_in_dim3A_1008, %and3A_925] : memref<2x8x16x128xf32, #tpu.memory_space<vmem>>[vector<16xi32>, vector<16xi32>, vector<16xi32>, vector<16xi32>], vector<16xf32>,
        %gather3A_1010 = tpu.vector_load_idx %arg12[%broadcast_in_dim3A_922, %min3A_920, %broadcast_in_dim3A_1008, %and3A_928] : memref<2x8x16x128xf32, #tpu.memory_space<vmem>>[vector<16xi32>, vector<16xi32>, vector<16xi32>, vector<16xi32>], vector<16xf32>,
        %gather3A_1011 = tpu.vector_load_idx %arg13[%broadcast_in_dim3A_1008, %and3A_925] : memref<16x128xf32, #tpu.memory_space<vmem>>[vector<16xi32>, vector<16xi32>], vector<16xf32>,
        %gather3A_1012 = tpu.vector_load_idx %arg14[%broadcast_in_dim3A_1008, %and3A_928] : memref<16x128xf32, #tpu.memory_space<vmem>>[vector<16xi32>, vector<16xi32>], vector<16xf32>,
        %select_n3A_1013 = arith.select %ge3A_931, %gather3A_1011, %gather3A_1009 : vector<16xi1>, vector<16xf32>
        %select_n3A_1014 = arith.select %ge3A_934, %gather3A_1012, %gather3A_1010 : vector<16xi1>, vector<16xf32>
        %mul3A_1015 = arith.mulf %select_n3A_1013, %select_n3A_1014 : vector<16xf32>
        %add3A_1016 = arith.addf %add3A_1006, %mul3A_1015 : vector<16xf32>
        %broadcast_in_dim3A_1017 = arith.constant 8 : i32
        %broadcast_in_dim3A_1018 = vector.broadcast %broadcast_in_dim3A_1017 : i32 to vector<16xi32>
        %gather3A_1019 = tpu.vector_load_idx %arg11[%broadcast_in_dim3A_922, %min3A_920, %broadcast_in_dim3A_1018, %and3A_925] : memref<2x8x16x128xf32, #tpu.memory_space<vmem>>[vector<16xi32>, vector<16xi32>, vector<16xi32>, vector<16xi32>], vector<16xf32>,
        %gather3A_1020 = tpu.vector_load_idx %arg12[%broadcast_in_dim3A_922, %min3A_920, %broadcast_in_dim3A_1018, %and3A_928] : memref<2x8x16x128xf32, #tpu.memory_space<vmem>>[vector<16xi32>, vector<16xi32>, vector<16xi32>, vector<16xi32>], vector<16xf32>,
        %gather3A_1021 = tpu.vector_load_idx %arg13[%broadcast_in_dim3A_1018, %and3A_925] : memref<16x128xf32, #tpu.memory_space<vmem>>[vector<16xi32>, vector<16xi32>], vector<16xf32>,
        %gather3A_1022 = tpu.vector_load_idx %arg14[%broadcast_in_dim3A_1018, %and3A_928] : memref<16x128xf32, #tpu.memory_space<vmem>>[vector<16xi32>, vector<16xi32>], vector<16xf32>,
        %select_n3A_1023 = arith.select %ge3A_931, %gather3A_1021, %gather3A_1019 : vector<16xi1>, vector<16xf32>
        %select_n3A_1024 = arith.select %ge3A_934, %gather3A_1022, %gather3A_1020 : vector<16xi1>, vector<16xf32>
        %mul3A_1025 = arith.mulf %select_n3A_1023, %select_n3A_1024 : vector<16xf32>
        %add3A_1026 = arith.addf %add3A_1016, %mul3A_1025 : vector<16xf32>
        %broadcast_in_dim3A_1027 = arith.constant 9 : i32
        %broadcast_in_dim3A_1028 = vector.broadcast %broadcast_in_dim3A_1027 : i32 to vector<16xi32>
        %gather3A_1029 = tpu.vector_load_idx %arg11[%broadcast_in_dim3A_922, %min3A_920, %broadcast_in_dim3A_1028, %and3A_925] : memref<2x8x16x128xf32, #tpu.memory_space<vmem>>[vector<16xi32>, vector<16xi32>, vector<16xi32>, vector<16xi32>], vector<16xf32>,
        %gather3A_1030 = tpu.vector_load_idx %arg12[%broadcast_in_dim3A_922, %min3A_920, %broadcast_in_dim3A_1028, %and3A_928] : memref<2x8x16x128xf32, #tpu.memory_space<vmem>>[vector<16xi32>, vector<16xi32>, vector<16xi32>, vector<16xi32>], vector<16xf32>,
        %gather3A_1031 = tpu.vector_load_idx %arg13[%broadcast_in_dim3A_1028, %and3A_925] : memref<16x128xf32, #tpu.memory_space<vmem>>[vector<16xi32>, vector<16xi32>], vector<16xf32>,
        %gather3A_1032 = tpu.vector_load_idx %arg14[%broadcast_in_dim3A_1028, %and3A_928] : memref<16x128xf32, #tpu.memory_space<vmem>>[vector<16xi32>, vector<16xi32>], vector<16xf32>,
        %select_n3A_1033 = arith.select %ge3A_931, %gather3A_1031, %gather3A_1029 : vector<16xi1>, vector<16xf32>
        %select_n3A_1034 = arith.select %ge3A_934, %gather3A_1032, %gather3A_1030 : vector<16xi1>, vector<16xf32>
        %mul3A_1035 = arith.mulf %select_n3A_1033, %select_n3A_1034 : vector<16xf32>
        %add3A_1036 = arith.addf %add3A_1026, %mul3A_1035 : vector<16xf32>
        %broadcast_in_dim3A_1037 = arith.constant 10 : i32
        %broadcast_in_dim3A_1038 = vector.broadcast %broadcast_in_dim3A_1037 : i32 to vector<16xi32>
        %gather3A_1039 = tpu.vector_load_idx %arg11[%broadcast_in_dim3A_922, %min3A_920, %broadcast_in_dim3A_1038, %and3A_925] : memref<2x8x16x128xf32, #tpu.memory_space<vmem>>[vector<16xi32>, vector<16xi32>, vector<16xi32>, vector<16xi32>], vector<16xf32>,
        %gather3A_1040 = tpu.vector_load_idx %arg12[%broadcast_in_dim3A_922, %min3A_920, %broadcast_in_dim3A_1038, %and3A_928] : memref<2x8x16x128xf32, #tpu.memory_space<vmem>>[vector<16xi32>, vector<16xi32>, vector<16xi32>, vector<16xi32>], vector<16xf32>,
        %gather3A_1041 = tpu.vector_load_idx %arg13[%broadcast_in_dim3A_1038, %and3A_925] : memref<16x128xf32, #tpu.memory_space<vmem>>[vector<16xi32>, vector<16xi32>], vector<16xf32>,
        %gather3A_1042 = tpu.vector_load_idx %arg14[%broadcast_in_dim3A_1038, %and3A_928] : memref<16x128xf32, #tpu.memory_space<vmem>>[vector<16xi32>, vector<16xi32>], vector<16xf32>,
        %select_n3A_1043 = arith.select %ge3A_931, %gather3A_1041, %gather3A_1039 : vector<16xi1>, vector<16xf32>
        %select_n3A_1044 = arith.select %ge3A_934, %gather3A_1042, %gather3A_1040 : vector<16xi1>, vector<16xf32>
        %mul3A_1045 = arith.mulf %select_n3A_1043, %select_n3A_1044 : vector<16xf32>
        %add3A_1046 = arith.addf %add3A_1036, %mul3A_1045 : vector<16xf32>
        %broadcast_in_dim3A_1047 = arith.constant 11 : i32
        %broadcast_in_dim3A_1048 = vector.broadcast %broadcast_in_dim3A_1047 : i32 to vector<16xi32>
        %gather3A_1049 = tpu.vector_load_idx %arg11[%broadcast_in_dim3A_922, %min3A_920, %broadcast_in_dim3A_1048, %and3A_925] : memref<2x8x16x128xf32, #tpu.memory_space<vmem>>[vector<16xi32>, vector<16xi32>, vector<16xi32>, vector<16xi32>], vector<16xf32>,
        %gather3A_1050 = tpu.vector_load_idx %arg12[%broadcast_in_dim3A_922, %min3A_920, %broadcast_in_dim3A_1048, %and3A_928] : memref<2x8x16x128xf32, #tpu.memory_space<vmem>>[vector<16xi32>, vector<16xi32>, vector<16xi32>, vector<16xi32>], vector<16xf32>,
        %gather3A_1051 = tpu.vector_load_idx %arg13[%broadcast_in_dim3A_1048, %and3A_925] : memref<16x128xf32, #tpu.memory_space<vmem>>[vector<16xi32>, vector<16xi32>], vector<16xf32>,
        %gather3A_1052 = tpu.vector_load_idx %arg14[%broadcast_in_dim3A_1048, %and3A_928] : memref<16x128xf32, #tpu.memory_space<vmem>>[vector<16xi32>, vector<16xi32>], vector<16xf32>,
        %select_n3A_1053 = arith.select %ge3A_931, %gather3A_1051, %gather3A_1049 : vector<16xi1>, vector<16xf32>
        %select_n3A_1054 = arith.select %ge3A_934, %gather3A_1052, %gather3A_1050 : vector<16xi1>, vector<16xf32>
        %mul3A_1055 = arith.mulf %select_n3A_1053, %select_n3A_1054 : vector<16xf32>
        %add3A_1056 = arith.addf %add3A_1046, %mul3A_1055 : vector<16xf32>
        %broadcast_in_dim3A_1057 = arith.constant 12 : i32
        %broadcast_in_dim3A_1058 = vector.broadcast %broadcast_in_dim3A_1057 : i32 to vector<16xi32>
        %gather3A_1059 = tpu.vector_load_idx %arg11[%broadcast_in_dim3A_922, %min3A_920, %broadcast_in_dim3A_1058, %and3A_925] : memref<2x8x16x128xf32, #tpu.memory_space<vmem>>[vector<16xi32>, vector<16xi32>, vector<16xi32>, vector<16xi32>], vector<16xf32>,
        %gather3A_1060 = tpu.vector_load_idx %arg12[%broadcast_in_dim3A_922, %min3A_920, %broadcast_in_dim3A_1058, %and3A_928] : memref<2x8x16x128xf32, #tpu.memory_space<vmem>>[vector<16xi32>, vector<16xi32>, vector<16xi32>, vector<16xi32>], vector<16xf32>,
        %gather3A_1061 = tpu.vector_load_idx %arg13[%broadcast_in_dim3A_1058, %and3A_925] : memref<16x128xf32, #tpu.memory_space<vmem>>[vector<16xi32>, vector<16xi32>], vector<16xf32>,
        %gather3A_1062 = tpu.vector_load_idx %arg14[%broadcast_in_dim3A_1058, %and3A_928] : memref<16x128xf32, #tpu.memory_space<vmem>>[vector<16xi32>, vector<16xi32>], vector<16xf32>,
        %select_n3A_1063 = arith.select %ge3A_931, %gather3A_1061, %gather3A_1059 : vector<16xi1>, vector<16xf32>
        %select_n3A_1064 = arith.select %ge3A_934, %gather3A_1062, %gather3A_1060 : vector<16xi1>, vector<16xf32>
        %mul3A_1065 = arith.mulf %select_n3A_1063, %select_n3A_1064 : vector<16xf32>
        %add3A_1066 = arith.addf %add3A_1056, %mul3A_1065 : vector<16xf32>
        %broadcast_in_dim3A_1067 = arith.constant 13 : i32
        %broadcast_in_dim3A_1068 = vector.broadcast %broadcast_in_dim3A_1067 : i32 to vector<16xi32>
        %gather3A_1069 = tpu.vector_load_idx %arg11[%broadcast_in_dim3A_922, %min3A_920, %broadcast_in_dim3A_1068, %and3A_925] : memref<2x8x16x128xf32, #tpu.memory_space<vmem>>[vector<16xi32>, vector<16xi32>, vector<16xi32>, vector<16xi32>], vector<16xf32>,
        %gather3A_1070 = tpu.vector_load_idx %arg12[%broadcast_in_dim3A_922, %min3A_920, %broadcast_in_dim3A_1068, %and3A_928] : memref<2x8x16x128xf32, #tpu.memory_space<vmem>>[vector<16xi32>, vector<16xi32>, vector<16xi32>, vector<16xi32>], vector<16xf32>,
        %gather3A_1071 = tpu.vector_load_idx %arg13[%broadcast_in_dim3A_1068, %and3A_925] : memref<16x128xf32, #tpu.memory_space<vmem>>[vector<16xi32>, vector<16xi32>], vector<16xf32>,
        %gather3A_1072 = tpu.vector_load_idx %arg14[%broadcast_in_dim3A_1068, %and3A_928] : memref<16x128xf32, #tpu.memory_space<vmem>>[vector<16xi32>, vector<16xi32>], vector<16xf32>,
        %select_n3A_1073 = arith.select %ge3A_931, %gather3A_1071, %gather3A_1069 : vector<16xi1>, vector<16xf32>
        %select_n3A_1074 = arith.select %ge3A_934, %gather3A_1072, %gather3A_1070 : vector<16xi1>, vector<16xf32>
        %mul3A_1075 = arith.mulf %select_n3A_1073, %select_n3A_1074 : vector<16xf32>
        %add3A_1076 = arith.addf %add3A_1066, %mul3A_1075 : vector<16xf32>
        %broadcast_in_dim3A_1077 = arith.constant 14 : i32
        %broadcast_in_dim3A_1078 = vector.broadcast %broadcast_in_dim3A_1077 : i32 to vector<16xi32>
        %gather3A_1079 = tpu.vector_load_idx %arg11[%broadcast_in_dim3A_922, %min3A_920, %broadcast_in_dim3A_1078, %and3A_925] : memref<2x8x16x128xf32, #tpu.memory_space<vmem>>[vector<16xi32>, vector<16xi32>, vector<16xi32>, vector<16xi32>], vector<16xf32>,
        %gather3A_1080 = tpu.vector_load_idx %arg12[%broadcast_in_dim3A_922, %min3A_920, %broadcast_in_dim3A_1078, %and3A_928] : memref<2x8x16x128xf32, #tpu.memory_space<vmem>>[vector<16xi32>, vector<16xi32>, vector<16xi32>, vector<16xi32>], vector<16xf32>,
        %gather3A_1081 = tpu.vector_load_idx %arg13[%broadcast_in_dim3A_1078, %and3A_925] : memref<16x128xf32, #tpu.memory_space<vmem>>[vector<16xi32>, vector<16xi32>], vector<16xf32>,
        %gather3A_1082 = tpu.vector_load_idx %arg14[%broadcast_in_dim3A_1078, %and3A_928] : memref<16x128xf32, #tpu.memory_space<vmem>>[vector<16xi32>, vector<16xi32>], vector<16xf32>,
        %select_n3A_1083 = arith.select %ge3A_931, %gather3A_1081, %gather3A_1079 : vector<16xi1>, vector<16xf32>
        %select_n3A_1084 = arith.select %ge3A_934, %gather3A_1082, %gather3A_1080 : vector<16xi1>, vector<16xf32>
        %mul3A_1085 = arith.mulf %select_n3A_1083, %select_n3A_1084 : vector<16xf32>
        %add3A_1086 = arith.addf %add3A_1076, %mul3A_1085 : vector<16xf32>
        %broadcast_in_dim3A_1087 = arith.constant 15 : i32
        %broadcast_in_dim3A_1088 = vector.broadcast %broadcast_in_dim3A_1087 : i32 to vector<16xi32>
        %gather3A_1089 = tpu.vector_load_idx %arg11[%broadcast_in_dim3A_922, %min3A_920, %broadcast_in_dim3A_1088, %and3A_925] : memref<2x8x16x128xf32, #tpu.memory_space<vmem>>[vector<16xi32>, vector<16xi32>, vector<16xi32>, vector<16xi32>], vector<16xf32>,
        %gather3A_1090 = tpu.vector_load_idx %arg12[%broadcast_in_dim3A_922, %min3A_920, %broadcast_in_dim3A_1088, %and3A_928] : memref<2x8x16x128xf32, #tpu.memory_space<vmem>>[vector<16xi32>, vector<16xi32>, vector<16xi32>, vector<16xi32>], vector<16xf32>,
        %gather3A_1091 = tpu.vector_load_idx %arg13[%broadcast_in_dim3A_1088, %and3A_925] : memref<16x128xf32, #tpu.memory_space<vmem>>[vector<16xi32>, vector<16xi32>], vector<16xf32>,
        %gather3A_1092 = tpu.vector_load_idx %arg14[%broadcast_in_dim3A_1088, %and3A_928] : memref<16x128xf32, #tpu.memory_space<vmem>>[vector<16xi32>, vector<16xi32>], vector<16xf32>,
        %select_n3A_1093 = arith.select %ge3A_931, %gather3A_1091, %gather3A_1089 : vector<16xi1>, vector<16xf32>
        %select_n3A_1094 = arith.select %ge3A_934, %gather3A_1092, %gather3A_1090 : vector<16xi1>, vector<16xf32>
        %mul3A_1095 = arith.mulf %select_n3A_1093, %select_n3A_1094 : vector<16xf32>
        %add3A_1096 = arith.addf %add3A_1086, %mul3A_1095 : vector<16xf32>
        %sub3A_1097 = arith.constant 8 : i32
        %sub3A_1098 = vector.broadcast %sub3A_1097 : i32 to vector<16xi32>
        %sub3A_1099 = arith.subi %iota3A, %sub3A_1098 : vector<16xi32>
        %jit3A_1100 = arith.constant 0 : i32
        %jit3A_1101 = arith.constant 7 : i32
        %max3A_1102 = vector.broadcast %jit3A_1100 : i32 to vector<16xi32>
        %max3A_1103 = arith.maxsi %max3A_1102, %sub3A_1099 : vector<16xi32>
        %min3A_1104 = vector.broadcast %jit3A_1101 : i32 to vector<16xi32>
        %min3A_1105 = arith.minsi %min3A_1104, %max3A_1103 : vector<16xi32>
        %broadcast_in_dim3A_1106 = arith.constant 1 : i32
        %broadcast_in_dim3A_1107 = vector.broadcast %broadcast_in_dim3A_1106 : i32 to vector<16xi32>
        %and3A_1108 = arith.constant 127 : i32
        %and3A_1109 = vector.broadcast %and3A_1108 : i32 to vector<16xi32>
        %and3A_1110 = arith.andi %get3A_298, %and3A_1109 : vector<16xi32>
        %and3A_1111 = arith.constant 127 : i32
        %and3A_1112 = vector.broadcast %and3A_1111 : i32 to vector<16xi32>
        %and3A_1113 = arith.andi %get3A_302, %and3A_1112 : vector<16xi32>
        %ge3A_1114 = arith.constant 999936 : i32
        %ge3A_1115 = vector.broadcast %ge3A_1114 : i32 to vector<16xi32>
        %ge3A_1116 = arith.cmpi sge, %get3A_298, %ge3A_1115 : vector<16xi32>
        %ge3A_1117 = arith.constant 999936 : i32
        %ge3A_1118 = vector.broadcast %ge3A_1117 : i32 to vector<16xi32>
        %ge3A_1119 = arith.cmpi sge, %get3A_302, %ge3A_1118 : vector<16xi32>
        %broadcast_in_dim3A_1120 = arith.constant 0.000000e+00 : f32
        %broadcast_in_dim3A_1121 = vector.broadcast %broadcast_in_dim3A_1120 : f32 to vector<16xf32>
        %broadcast_in_dim3A_1122 = arith.constant 0 : i32
        %broadcast_in_dim3A_1123 = vector.broadcast %broadcast_in_dim3A_1122 : i32 to vector<16xi32>
        %gather3A_1124 = tpu.vector_load_idx %arg11[%broadcast_in_dim3A_1107, %min3A_1105, %broadcast_in_dim3A_1123, %and3A_1110] : memref<2x8x16x128xf32, #tpu.memory_space<vmem>>[vector<16xi32>, vector<16xi32>, vector<16xi32>, vector<16xi32>], vector<16xf32>,
        %gather3A_1125 = tpu.vector_load_idx %arg12[%broadcast_in_dim3A_1107, %min3A_1105, %broadcast_in_dim3A_1123, %and3A_1113] : memref<2x8x16x128xf32, #tpu.memory_space<vmem>>[vector<16xi32>, vector<16xi32>, vector<16xi32>, vector<16xi32>], vector<16xf32>,
        %gather3A_1126 = tpu.vector_load_idx %arg13[%broadcast_in_dim3A_1123, %and3A_1110] : memref<16x128xf32, #tpu.memory_space<vmem>>[vector<16xi32>, vector<16xi32>], vector<16xf32>,
        %gather3A_1127 = tpu.vector_load_idx %arg14[%broadcast_in_dim3A_1123, %and3A_1113] : memref<16x128xf32, #tpu.memory_space<vmem>>[vector<16xi32>, vector<16xi32>], vector<16xf32>,
        %select_n3A_1128 = arith.select %ge3A_1116, %gather3A_1126, %gather3A_1124 : vector<16xi1>, vector<16xf32>
        %select_n3A_1129 = arith.select %ge3A_1119, %gather3A_1127, %gather3A_1125 : vector<16xi1>, vector<16xf32>
        %mul3A_1130 = arith.mulf %select_n3A_1128, %select_n3A_1129 : vector<16xf32>
        %add3A_1131 = arith.addf %broadcast_in_dim3A_1121, %mul3A_1130 : vector<16xf32>
        %broadcast_in_dim3A_1132 = arith.constant 1 : i32
        %broadcast_in_dim3A_1133 = vector.broadcast %broadcast_in_dim3A_1132 : i32 to vector<16xi32>
        %gather3A_1134 = tpu.vector_load_idx %arg11[%broadcast_in_dim3A_1107, %min3A_1105, %broadcast_in_dim3A_1133, %and3A_1110] : memref<2x8x16x128xf32, #tpu.memory_space<vmem>>[vector<16xi32>, vector<16xi32>, vector<16xi32>, vector<16xi32>], vector<16xf32>,
        %gather3A_1135 = tpu.vector_load_idx %arg12[%broadcast_in_dim3A_1107, %min3A_1105, %broadcast_in_dim3A_1133, %and3A_1113] : memref<2x8x16x128xf32, #tpu.memory_space<vmem>>[vector<16xi32>, vector<16xi32>, vector<16xi32>, vector<16xi32>], vector<16xf32>,
        %gather3A_1136 = tpu.vector_load_idx %arg13[%broadcast_in_dim3A_1133, %and3A_1110] : memref<16x128xf32, #tpu.memory_space<vmem>>[vector<16xi32>, vector<16xi32>], vector<16xf32>,
        %gather3A_1137 = tpu.vector_load_idx %arg14[%broadcast_in_dim3A_1133, %and3A_1113] : memref<16x128xf32, #tpu.memory_space<vmem>>[vector<16xi32>, vector<16xi32>], vector<16xf32>,
        %select_n3A_1138 = arith.select %ge3A_1116, %gather3A_1136, %gather3A_1134 : vector<16xi1>, vector<16xf32>
        %select_n3A_1139 = arith.select %ge3A_1119, %gather3A_1137, %gather3A_1135 : vector<16xi1>, vector<16xf32>
        %mul3A_1140 = arith.mulf %select_n3A_1138, %select_n3A_1139 : vector<16xf32>
        %add3A_1141 = arith.addf %add3A_1131, %mul3A_1140 : vector<16xf32>
        %broadcast_in_dim3A_1142 = arith.constant 2 : i32
        %broadcast_in_dim3A_1143 = vector.broadcast %broadcast_in_dim3A_1142 : i32 to vector<16xi32>
        %gather3A_1144 = tpu.vector_load_idx %arg11[%broadcast_in_dim3A_1107, %min3A_1105, %broadcast_in_dim3A_1143, %and3A_1110] : memref<2x8x16x128xf32, #tpu.memory_space<vmem>>[vector<16xi32>, vector<16xi32>, vector<16xi32>, vector<16xi32>], vector<16xf32>,
        %gather3A_1145 = tpu.vector_load_idx %arg12[%broadcast_in_dim3A_1107, %min3A_1105, %broadcast_in_dim3A_1143, %and3A_1113] : memref<2x8x16x128xf32, #tpu.memory_space<vmem>>[vector<16xi32>, vector<16xi32>, vector<16xi32>, vector<16xi32>], vector<16xf32>,
        %gather3A_1146 = tpu.vector_load_idx %arg13[%broadcast_in_dim3A_1143, %and3A_1110] : memref<16x128xf32, #tpu.memory_space<vmem>>[vector<16xi32>, vector<16xi32>], vector<16xf32>,
        %gather3A_1147 = tpu.vector_load_idx %arg14[%broadcast_in_dim3A_1143, %and3A_1113] : memref<16x128xf32, #tpu.memory_space<vmem>>[vector<16xi32>, vector<16xi32>], vector<16xf32>,
        %select_n3A_1148 = arith.select %ge3A_1116, %gather3A_1146, %gather3A_1144 : vector<16xi1>, vector<16xf32>
        %select_n3A_1149 = arith.select %ge3A_1119, %gather3A_1147, %gather3A_1145 : vector<16xi1>, vector<16xf32>
        %mul3A_1150 = arith.mulf %select_n3A_1148, %select_n3A_1149 : vector<16xf32>
        %add3A_1151 = arith.addf %add3A_1141, %mul3A_1150 : vector<16xf32>
        %broadcast_in_dim3A_1152 = arith.constant 3 : i32
        %broadcast_in_dim3A_1153 = vector.broadcast %broadcast_in_dim3A_1152 : i32 to vector<16xi32>
        %gather3A_1154 = tpu.vector_load_idx %arg11[%broadcast_in_dim3A_1107, %min3A_1105, %broadcast_in_dim3A_1153, %and3A_1110] : memref<2x8x16x128xf32, #tpu.memory_space<vmem>>[vector<16xi32>, vector<16xi32>, vector<16xi32>, vector<16xi32>], vector<16xf32>,
        %gather3A_1155 = tpu.vector_load_idx %arg12[%broadcast_in_dim3A_1107, %min3A_1105, %broadcast_in_dim3A_1153, %and3A_1113] : memref<2x8x16x128xf32, #tpu.memory_space<vmem>>[vector<16xi32>, vector<16xi32>, vector<16xi32>, vector<16xi32>], vector<16xf32>,
        %gather3A_1156 = tpu.vector_load_idx %arg13[%broadcast_in_dim3A_1153, %and3A_1110] : memref<16x128xf32, #tpu.memory_space<vmem>>[vector<16xi32>, vector<16xi32>], vector<16xf32>,
        %gather3A_1157 = tpu.vector_load_idx %arg14[%broadcast_in_dim3A_1153, %and3A_1113] : memref<16x128xf32, #tpu.memory_space<vmem>>[vector<16xi32>, vector<16xi32>], vector<16xf32>,
        %select_n3A_1158 = arith.select %ge3A_1116, %gather3A_1156, %gather3A_1154 : vector<16xi1>, vector<16xf32>
        %select_n3A_1159 = arith.select %ge3A_1119, %gather3A_1157, %gather3A_1155 : vector<16xi1>, vector<16xf32>
        %mul3A_1160 = arith.mulf %select_n3A_1158, %select_n3A_1159 : vector<16xf32>
        %add3A_1161 = arith.addf %add3A_1151, %mul3A_1160 : vector<16xf32>
        %broadcast_in_dim3A_1162 = arith.constant 4 : i32
        %broadcast_in_dim3A_1163 = vector.broadcast %broadcast_in_dim3A_1162 : i32 to vector<16xi32>
        %gather3A_1164 = tpu.vector_load_idx %arg11[%broadcast_in_dim3A_1107, %min3A_1105, %broadcast_in_dim3A_1163, %and3A_1110] : memref<2x8x16x128xf32, #tpu.memory_space<vmem>>[vector<16xi32>, vector<16xi32>, vector<16xi32>, vector<16xi32>], vector<16xf32>,
        %gather3A_1165 = tpu.vector_load_idx %arg12[%broadcast_in_dim3A_1107, %min3A_1105, %broadcast_in_dim3A_1163, %and3A_1113] : memref<2x8x16x128xf32, #tpu.memory_space<vmem>>[vector<16xi32>, vector<16xi32>, vector<16xi32>, vector<16xi32>], vector<16xf32>,
        %gather3A_1166 = tpu.vector_load_idx %arg13[%broadcast_in_dim3A_1163, %and3A_1110] : memref<16x128xf32, #tpu.memory_space<vmem>>[vector<16xi32>, vector<16xi32>], vector<16xf32>,
        %gather3A_1167 = tpu.vector_load_idx %arg14[%broadcast_in_dim3A_1163, %and3A_1113] : memref<16x128xf32, #tpu.memory_space<vmem>>[vector<16xi32>, vector<16xi32>], vector<16xf32>,
        %select_n3A_1168 = arith.select %ge3A_1116, %gather3A_1166, %gather3A_1164 : vector<16xi1>, vector<16xf32>
        %select_n3A_1169 = arith.select %ge3A_1119, %gather3A_1167, %gather3A_1165 : vector<16xi1>, vector<16xf32>
        %mul3A_1170 = arith.mulf %select_n3A_1168, %select_n3A_1169 : vector<16xf32>
        %add3A_1171 = arith.addf %add3A_1161, %mul3A_1170 : vector<16xf32>
        %broadcast_in_dim3A_1172 = arith.constant 5 : i32
        %broadcast_in_dim3A_1173 = vector.broadcast %broadcast_in_dim3A_1172 : i32 to vector<16xi32>
        %gather3A_1174 = tpu.vector_load_idx %arg11[%broadcast_in_dim3A_1107, %min3A_1105, %broadcast_in_dim3A_1173, %and3A_1110] : memref<2x8x16x128xf32, #tpu.memory_space<vmem>>[vector<16xi32>, vector<16xi32>, vector<16xi32>, vector<16xi32>], vector<16xf32>,
        %gather3A_1175 = tpu.vector_load_idx %arg12[%broadcast_in_dim3A_1107, %min3A_1105, %broadcast_in_dim3A_1173, %and3A_1113] : memref<2x8x16x128xf32, #tpu.memory_space<vmem>>[vector<16xi32>, vector<16xi32>, vector<16xi32>, vector<16xi32>], vector<16xf32>,
        %gather3A_1176 = tpu.vector_load_idx %arg13[%broadcast_in_dim3A_1173, %and3A_1110] : memref<16x128xf32, #tpu.memory_space<vmem>>[vector<16xi32>, vector<16xi32>], vector<16xf32>,
        %gather3A_1177 = tpu.vector_load_idx %arg14[%broadcast_in_dim3A_1173, %and3A_1113] : memref<16x128xf32, #tpu.memory_space<vmem>>[vector<16xi32>, vector<16xi32>], vector<16xf32>,
        %select_n3A_1178 = arith.select %ge3A_1116, %gather3A_1176, %gather3A_1174 : vector<16xi1>, vector<16xf32>
        %select_n3A_1179 = arith.select %ge3A_1119, %gather3A_1177, %gather3A_1175 : vector<16xi1>, vector<16xf32>
        %mul3A_1180 = arith.mulf %select_n3A_1178, %select_n3A_1179 : vector<16xf32>
        %add3A_1181 = arith.addf %add3A_1171, %mul3A_1180 : vector<16xf32>
        %broadcast_in_dim3A_1182 = arith.constant 6 : i32
        %broadcast_in_dim3A_1183 = vector.broadcast %broadcast_in_dim3A_1182 : i32 to vector<16xi32>
        %gather3A_1184 = tpu.vector_load_idx %arg11[%broadcast_in_dim3A_1107, %min3A_1105, %broadcast_in_dim3A_1183, %and3A_1110] : memref<2x8x16x128xf32, #tpu.memory_space<vmem>>[vector<16xi32>, vector<16xi32>, vector<16xi32>, vector<16xi32>], vector<16xf32>,
        %gather3A_1185 = tpu.vector_load_idx %arg12[%broadcast_in_dim3A_1107, %min3A_1105, %broadcast_in_dim3A_1183, %and3A_1113] : memref<2x8x16x128xf32, #tpu.memory_space<vmem>>[vector<16xi32>, vector<16xi32>, vector<16xi32>, vector<16xi32>], vector<16xf32>,
        %gather3A_1186 = tpu.vector_load_idx %arg13[%broadcast_in_dim3A_1183, %and3A_1110] : memref<16x128xf32, #tpu.memory_space<vmem>>[vector<16xi32>, vector<16xi32>], vector<16xf32>,
        %gather3A_1187 = tpu.vector_load_idx %arg14[%broadcast_in_dim3A_1183, %and3A_1113] : memref<16x128xf32, #tpu.memory_space<vmem>>[vector<16xi32>, vector<16xi32>], vector<16xf32>,
        %select_n3A_1188 = arith.select %ge3A_1116, %gather3A_1186, %gather3A_1184 : vector<16xi1>, vector<16xf32>
        %select_n3A_1189 = arith.select %ge3A_1119, %gather3A_1187, %gather3A_1185 : vector<16xi1>, vector<16xf32>
        %mul3A_1190 = arith.mulf %select_n3A_1188, %select_n3A_1189 : vector<16xf32>
        %add3A_1191 = arith.addf %add3A_1181, %mul3A_1190 : vector<16xf32>
        %broadcast_in_dim3A_1192 = arith.constant 7 : i32
        %broadcast_in_dim3A_1193 = vector.broadcast %broadcast_in_dim3A_1192 : i32 to vector<16xi32>
        %gather3A_1194 = tpu.vector_load_idx %arg11[%broadcast_in_dim3A_1107, %min3A_1105, %broadcast_in_dim3A_1193, %and3A_1110] : memref<2x8x16x128xf32, #tpu.memory_space<vmem>>[vector<16xi32>, vector<16xi32>, vector<16xi32>, vector<16xi32>], vector<16xf32>,
        %gather3A_1195 = tpu.vector_load_idx %arg12[%broadcast_in_dim3A_1107, %min3A_1105, %broadcast_in_dim3A_1193, %and3A_1113] : memref<2x8x16x128xf32, #tpu.memory_space<vmem>>[vector<16xi32>, vector<16xi32>, vector<16xi32>, vector<16xi32>], vector<16xf32>,
        %gather3A_1196 = tpu.vector_load_idx %arg13[%broadcast_in_dim3A_1193, %and3A_1110] : memref<16x128xf32, #tpu.memory_space<vmem>>[vector<16xi32>, vector<16xi32>], vector<16xf32>,
        %gather3A_1197 = tpu.vector_load_idx %arg14[%broadcast_in_dim3A_1193, %and3A_1113] : memref<16x128xf32, #tpu.memory_space<vmem>>[vector<16xi32>, vector<16xi32>], vector<16xf32>,
        %select_n3A_1198 = arith.select %ge3A_1116, %gather3A_1196, %gather3A_1194 : vector<16xi1>, vector<16xf32>
        %select_n3A_1199 = arith.select %ge3A_1119, %gather3A_1197, %gather3A_1195 : vector<16xi1>, vector<16xf32>
        %mul3A_1200 = arith.mulf %select_n3A_1198, %select_n3A_1199 : vector<16xf32>
        %add3A_1201 = arith.addf %add3A_1191, %mul3A_1200 : vector<16xf32>
        %broadcast_in_dim3A_1202 = arith.constant 8 : i32
        %broadcast_in_dim3A_1203 = vector.broadcast %broadcast_in_dim3A_1202 : i32 to vector<16xi32>
        %gather3A_1204 = tpu.vector_load_idx %arg11[%broadcast_in_dim3A_1107, %min3A_1105, %broadcast_in_dim3A_1203, %and3A_1110] : memref<2x8x16x128xf32, #tpu.memory_space<vmem>>[vector<16xi32>, vector<16xi32>, vector<16xi32>, vector<16xi32>], vector<16xf32>,
        %gather3A_1205 = tpu.vector_load_idx %arg12[%broadcast_in_dim3A_1107, %min3A_1105, %broadcast_in_dim3A_1203, %and3A_1113] : memref<2x8x16x128xf32, #tpu.memory_space<vmem>>[vector<16xi32>, vector<16xi32>, vector<16xi32>, vector<16xi32>], vector<16xf32>,
        %gather3A_1206 = tpu.vector_load_idx %arg13[%broadcast_in_dim3A_1203, %and3A_1110] : memref<16x128xf32, #tpu.memory_space<vmem>>[vector<16xi32>, vector<16xi32>], vector<16xf32>,
        %gather3A_1207 = tpu.vector_load_idx %arg14[%broadcast_in_dim3A_1203, %and3A_1113] : memref<16x128xf32, #tpu.memory_space<vmem>>[vector<16xi32>, vector<16xi32>], vector<16xf32>,
        %select_n3A_1208 = arith.select %ge3A_1116, %gather3A_1206, %gather3A_1204 : vector<16xi1>, vector<16xf32>
        %select_n3A_1209 = arith.select %ge3A_1119, %gather3A_1207, %gather3A_1205 : vector<16xi1>, vector<16xf32>
        %mul3A_1210 = arith.mulf %select_n3A_1208, %select_n3A_1209 : vector<16xf32>
        %add3A_1211 = arith.addf %add3A_1201, %mul3A_1210 : vector<16xf32>
        %broadcast_in_dim3A_1212 = arith.constant 9 : i32
        %broadcast_in_dim3A_1213 = vector.broadcast %broadcast_in_dim3A_1212 : i32 to vector<16xi32>
        %gather3A_1214 = tpu.vector_load_idx %arg11[%broadcast_in_dim3A_1107, %min3A_1105, %broadcast_in_dim3A_1213, %and3A_1110] : memref<2x8x16x128xf32, #tpu.memory_space<vmem>>[vector<16xi32>, vector<16xi32>, vector<16xi32>, vector<16xi32>], vector<16xf32>,
        %gather3A_1215 = tpu.vector_load_idx %arg12[%broadcast_in_dim3A_1107, %min3A_1105, %broadcast_in_dim3A_1213, %and3A_1113] : memref<2x8x16x128xf32, #tpu.memory_space<vmem>>[vector<16xi32>, vector<16xi32>, vector<16xi32>, vector<16xi32>], vector<16xf32>,
        %gather3A_1216 = tpu.vector_load_idx %arg13[%broadcast_in_dim3A_1213, %and3A_1110] : memref<16x128xf32, #tpu.memory_space<vmem>>[vector<16xi32>, vector<16xi32>], vector<16xf32>,
        %gather3A_1217 = tpu.vector_load_idx %arg14[%broadcast_in_dim3A_1213, %and3A_1113] : memref<16x128xf32, #tpu.memory_space<vmem>>[vector<16xi32>, vector<16xi32>], vector<16xf32>,
        %select_n3A_1218 = arith.select %ge3A_1116, %gather3A_1216, %gather3A_1214 : vector<16xi1>, vector<16xf32>
        %select_n3A_1219 = arith.select %ge3A_1119, %gather3A_1217, %gather3A_1215 : vector<16xi1>, vector<16xf32>
        %mul3A_1220 = arith.mulf %select_n3A_1218, %select_n3A_1219 : vector<16xf32>
        %add3A_1221 = arith.addf %add3A_1211, %mul3A_1220 : vector<16xf32>
        %broadcast_in_dim3A_1222 = arith.constant 10 : i32
        %broadcast_in_dim3A_1223 = vector.broadcast %broadcast_in_dim3A_1222 : i32 to vector<16xi32>
        %gather3A_1224 = tpu.vector_load_idx %arg11[%broadcast_in_dim3A_1107, %min3A_1105, %broadcast_in_dim3A_1223, %and3A_1110] : memref<2x8x16x128xf32, #tpu.memory_space<vmem>>[vector<16xi32>, vector<16xi32>, vector<16xi32>, vector<16xi32>], vector<16xf32>,
        %gather3A_1225 = tpu.vector_load_idx %arg12[%broadcast_in_dim3A_1107, %min3A_1105, %broadcast_in_dim3A_1223, %and3A_1113] : memref<2x8x16x128xf32, #tpu.memory_space<vmem>>[vector<16xi32>, vector<16xi32>, vector<16xi32>, vector<16xi32>], vector<16xf32>,
        %gather3A_1226 = tpu.vector_load_idx %arg13[%broadcast_in_dim3A_1223, %and3A_1110] : memref<16x128xf32, #tpu.memory_space<vmem>>[vector<16xi32>, vector<16xi32>], vector<16xf32>,
        %gather3A_1227 = tpu.vector_load_idx %arg14[%broadcast_in_dim3A_1223, %and3A_1113] : memref<16x128xf32, #tpu.memory_space<vmem>>[vector<16xi32>, vector<16xi32>], vector<16xf32>,
        %select_n3A_1228 = arith.select %ge3A_1116, %gather3A_1226, %gather3A_1224 : vector<16xi1>, vector<16xf32>
        %select_n3A_1229 = arith.select %ge3A_1119, %gather3A_1227, %gather3A_1225 : vector<16xi1>, vector<16xf32>
        %mul3A_1230 = arith.mulf %select_n3A_1228, %select_n3A_1229 : vector<16xf32>
        %add3A_1231 = arith.addf %add3A_1221, %mul3A_1230 : vector<16xf32>
        %broadcast_in_dim3A_1232 = arith.constant 11 : i32
        %broadcast_in_dim3A_1233 = vector.broadcast %broadcast_in_dim3A_1232 : i32 to vector<16xi32>
        %gather3A_1234 = tpu.vector_load_idx %arg11[%broadcast_in_dim3A_1107, %min3A_1105, %broadcast_in_dim3A_1233, %and3A_1110] : memref<2x8x16x128xf32, #tpu.memory_space<vmem>>[vector<16xi32>, vector<16xi32>, vector<16xi32>, vector<16xi32>], vector<16xf32>,
        %gather3A_1235 = tpu.vector_load_idx %arg12[%broadcast_in_dim3A_1107, %min3A_1105, %broadcast_in_dim3A_1233, %and3A_1113] : memref<2x8x16x128xf32, #tpu.memory_space<vmem>>[vector<16xi32>, vector<16xi32>, vector<16xi32>, vector<16xi32>], vector<16xf32>,
        %gather3A_1236 = tpu.vector_load_idx %arg13[%broadcast_in_dim3A_1233, %and3A_1110] : memref<16x128xf32, #tpu.memory_space<vmem>>[vector<16xi32>, vector<16xi32>], vector<16xf32>,
        %gather3A_1237 = tpu.vector_load_idx %arg14[%broadcast_in_dim3A_1233, %and3A_1113] : memref<16x128xf32, #tpu.memory_space<vmem>>[vector<16xi32>, vector<16xi32>], vector<16xf32>,
        %select_n3A_1238 = arith.select %ge3A_1116, %gather3A_1236, %gather3A_1234 : vector<16xi1>, vector<16xf32>
        %select_n3A_1239 = arith.select %ge3A_1119, %gather3A_1237, %gather3A_1235 : vector<16xi1>, vector<16xf32>
        %mul3A_1240 = arith.mulf %select_n3A_1238, %select_n3A_1239 : vector<16xf32>
        %add3A_1241 = arith.addf %add3A_1231, %mul3A_1240 : vector<16xf32>
        %broadcast_in_dim3A_1242 = arith.constant 12 : i32
        %broadcast_in_dim3A_1243 = vector.broadcast %broadcast_in_dim3A_1242 : i32 to vector<16xi32>
        %gather3A_1244 = tpu.vector_load_idx %arg11[%broadcast_in_dim3A_1107, %min3A_1105, %broadcast_in_dim3A_1243, %and3A_1110] : memref<2x8x16x128xf32, #tpu.memory_space<vmem>>[vector<16xi32>, vector<16xi32>, vector<16xi32>, vector<16xi32>], vector<16xf32>,
        %gather3A_1245 = tpu.vector_load_idx %arg12[%broadcast_in_dim3A_1107, %min3A_1105, %broadcast_in_dim3A_1243, %and3A_1113] : memref<2x8x16x128xf32, #tpu.memory_space<vmem>>[vector<16xi32>, vector<16xi32>, vector<16xi32>, vector<16xi32>], vector<16xf32>,
        %gather3A_1246 = tpu.vector_load_idx %arg13[%broadcast_in_dim3A_1243, %and3A_1110] : memref<16x128xf32, #tpu.memory_space<vmem>>[vector<16xi32>, vector<16xi32>], vector<16xf32>,
        %gather3A_1247 = tpu.vector_load_idx %arg14[%broadcast_in_dim3A_1243, %and3A_1113] : memref<16x128xf32, #tpu.memory_space<vmem>>[vector<16xi32>, vector<16xi32>], vector<16xf32>,
        %select_n3A_1248 = arith.select %ge3A_1116, %gather3A_1246, %gather3A_1244 : vector<16xi1>, vector<16xf32>
        %select_n3A_1249 = arith.select %ge3A_1119, %gather3A_1247, %gather3A_1245 : vector<16xi1>, vector<16xf32>
        %mul3A_1250 = arith.mulf %select_n3A_1248, %select_n3A_1249 : vector<16xf32>
        %add3A_1251 = arith.addf %add3A_1241, %mul3A_1250 : vector<16xf32>
        %broadcast_in_dim3A_1252 = arith.constant 13 : i32
        %broadcast_in_dim3A_1253 = vector.broadcast %broadcast_in_dim3A_1252 : i32 to vector<16xi32>
        %gather3A_1254 = tpu.vector_load_idx %arg11[%broadcast_in_dim3A_1107, %min3A_1105, %broadcast_in_dim3A_1253, %and3A_1110] : memref<2x8x16x128xf32, #tpu.memory_space<vmem>>[vector<16xi32>, vector<16xi32>, vector<16xi32>, vector<16xi32>], vector<16xf32>,
        %gather3A_1255 = tpu.vector_load_idx %arg12[%broadcast_in_dim3A_1107, %min3A_1105, %broadcast_in_dim3A_1253, %and3A_1113] : memref<2x8x16x128xf32, #tpu.memory_space<vmem>>[vector<16xi32>, vector<16xi32>, vector<16xi32>, vector<16xi32>], vector<16xf32>,
        %gather3A_1256 = tpu.vector_load_idx %arg13[%broadcast_in_dim3A_1253, %and3A_1110] : memref<16x128xf32, #tpu.memory_space<vmem>>[vector<16xi32>, vector<16xi32>], vector<16xf32>,
        %gather3A_1257 = tpu.vector_load_idx %arg14[%broadcast_in_dim3A_1253, %and3A_1113] : memref<16x128xf32, #tpu.memory_space<vmem>>[vector<16xi32>, vector<16xi32>], vector<16xf32>,
        %select_n3A_1258 = arith.select %ge3A_1116, %gather3A_1256, %gather3A_1254 : vector<16xi1>, vector<16xf32>
        %select_n3A_1259 = arith.select %ge3A_1119, %gather3A_1257, %gather3A_1255 : vector<16xi1>, vector<16xf32>
        %mul3A_1260 = arith.mulf %select_n3A_1258, %select_n3A_1259 : vector<16xf32>
        %add3A_1261 = arith.addf %add3A_1251, %mul3A_1260 : vector<16xf32>
        %broadcast_in_dim3A_1262 = arith.constant 14 : i32
        %broadcast_in_dim3A_1263 = vector.broadcast %broadcast_in_dim3A_1262 : i32 to vector<16xi32>
        %gather3A_1264 = tpu.vector_load_idx %arg11[%broadcast_in_dim3A_1107, %min3A_1105, %broadcast_in_dim3A_1263, %and3A_1110] : memref<2x8x16x128xf32, #tpu.memory_space<vmem>>[vector<16xi32>, vector<16xi32>, vector<16xi32>, vector<16xi32>], vector<16xf32>,
        %gather3A_1265 = tpu.vector_load_idx %arg12[%broadcast_in_dim3A_1107, %min3A_1105, %broadcast_in_dim3A_1263, %and3A_1113] : memref<2x8x16x128xf32, #tpu.memory_space<vmem>>[vector<16xi32>, vector<16xi32>, vector<16xi32>, vector<16xi32>], vector<16xf32>,
        %gather3A_1266 = tpu.vector_load_idx %arg13[%broadcast_in_dim3A_1263, %and3A_1110] : memref<16x128xf32, #tpu.memory_space<vmem>>[vector<16xi32>, vector<16xi32>], vector<16xf32>,
        %gather3A_1267 = tpu.vector_load_idx %arg14[%broadcast_in_dim3A_1263, %and3A_1113] : memref<16x128xf32, #tpu.memory_space<vmem>>[vector<16xi32>, vector<16xi32>], vector<16xf32>,
        %select_n3A_1268 = arith.select %ge3A_1116, %gather3A_1266, %gather3A_1264 : vector<16xi1>, vector<16xf32>
        %select_n3A_1269 = arith.select %ge3A_1119, %gather3A_1267, %gather3A_1265 : vector<16xi1>, vector<16xf32>
        %mul3A_1270 = arith.mulf %select_n3A_1268, %select_n3A_1269 : vector<16xf32>
        %add3A_1271 = arith.addf %add3A_1261, %mul3A_1270 : vector<16xf32>
        %broadcast_in_dim3A_1272 = arith.constant 15 : i32
        %broadcast_in_dim3A_1273 = vector.broadcast %broadcast_in_dim3A_1272 : i32 to vector<16xi32>
        %gather3A_1274 = tpu.vector_load_idx %arg11[%broadcast_in_dim3A_1107, %min3A_1105, %broadcast_in_dim3A_1273, %and3A_1110] : memref<2x8x16x128xf32, #tpu.memory_space<vmem>>[vector<16xi32>, vector<16xi32>, vector<16xi32>, vector<16xi32>], vector<16xf32>,
        %gather3A_1275 = tpu.vector_load_idx %arg12[%broadcast_in_dim3A_1107, %min3A_1105, %broadcast_in_dim3A_1273, %and3A_1113] : memref<2x8x16x128xf32, #tpu.memory_space<vmem>>[vector<16xi32>, vector<16xi32>, vector<16xi32>, vector<16xi32>], vector<16xf32>,
        %gather3A_1276 = tpu.vector_load_idx %arg13[%broadcast_in_dim3A_1273, %and3A_1110] : memref<16x128xf32, #tpu.memory_space<vmem>>[vector<16xi32>, vector<16xi32>], vector<16xf32>,
        %gather3A_1277 = tpu.vector_load_idx %arg14[%broadcast_in_dim3A_1273, %and3A_1113] : memref<16x128xf32, #tpu.memory_space<vmem>>[vector<16xi32>, vector<16xi32>], vector<16xf32>,
        %select_n3A_1278 = arith.select %ge3A_1116, %gather3A_1276, %gather3A_1274 : vector<16xi1>, vector<16xf32>
        %select_n3A_1279 = arith.select %ge3A_1119, %gather3A_1277, %gather3A_1275 : vector<16xi1>, vector<16xf32>
        %mul3A_1280 = arith.mulf %select_n3A_1278, %select_n3A_1279 : vector<16xf32>
        %add3A_1281 = arith.addf %add3A_1271, %mul3A_1280 : vector<16xf32>
        %lt3A_1282 = arith.constant 8 : i32
        %lt3A_1283 = vector.broadcast %lt3A_1282 : i32 to vector<16xi32>
        %lt3A_1284 = arith.cmpi slt, %iota3A, %lt3A_1283 : vector<16xi32>
        %select_n3A_1285 = arith.select %lt3A_1284, %add3A_1096, %add3A_1281 : vector<16xi1>, vector<16xf32>
        %neg3A_1286 = arith.constant 0.000000e+00 : f32
        %neg3A_1287 = vector.broadcast %neg3A_1286 : f32 to vector<16xf32>
        %neg3A_1288 = arith.subf %neg3A_1287, %select_n3A_1285 : vector<16xf32>
        %exp3A_1289 = math.exp %neg3A_1288 : vector<16xf32>
        %add3A_1290 = arith.constant 1.000000e+00 : f32
        %add3A_1291 = vector.broadcast %add3A_1290 : f32 to vector<16xf32>
        %add3A_1292 = arith.addf %add3A_1291, %exp3A_1289 : vector<16xf32>
        %div3A_1293 = arith.constant 1.000000e+00 : f32
        %div3A_1294 = vector.broadcast %div3A_1293 : f32 to vector<16xf32>
        %div3A_1295 = arith.divf %div3A_1294, %add3A_1292 : vector<16xf32>
        %mul3A_1296 = arith.constant 16 : i32
        %mul3A_1297 = arith.muli %scan3A_294, %mul3A_1296 : i32
        %swap3A_1298 = arith.index_cast %mul3A_1297 : i32 to index
        %swap3A_1299 = tpu.vector_load %arg15[%swap3A_1298] {strides = array<i32>} : memref<512xf32, #tpu.memory_space<vmem>>, vector<16xf32>,
        tpu.vector_store %arg15[%swap3A_1298], %div3A_1295 {strides = array<i32>} : memref<512xf32, #tpu.memory_space<vmem>>, vector<16xf32>,
        %add3A_1300 = arith.constant 1 : i32
        %add3A_1301 = arith.addi %scan3A_294, %add3A_1300 : i32
        %lt3A_1302 = arith.constant 32 : i32
        %lt3A_1303 = arith.cmpi slt, %add3A_1301, %lt3A_1302 : i32
        %convert_element_type3A_1304 = arith.extui %lt3A_1303 : i1 to i32
        %cond3A_1305 = arith.constant 0 : i32
        %cond3A_1306 = arith.cmpi ne, %convert_element_type3A_1304, %cond3A_1305 : i32
        scf.if %cond3A_1306 {
          %add3A_1307 = arith.constant 1 : i32
          %add3A_1308 = arith.addi %scan3A_294, %add3A_1307 : i32
          %mul3A_1309 = arith.constant 16 : i32
          %mul3A_1310 = arith.muli %add3A_1308, %mul3A_1309 : i32
          %get3A_1311 = arith.index_cast %mul3A_1310 : i32 to index
          %get3A_1312 = tpu.vector_load %arg9[%get3A_1311] {strides = array<i32>} : memref<512xi32, #tpu.memory_space<vmem>>, vector<16xi32>,
          %add3A_1313 = arith.constant 1 : i32
          %add3A_1314 = arith.addi %scan3A_294, %add3A_1313 : i32
          %mul3A_1315 = arith.constant 16 : i32
          %mul3A_1316 = arith.muli %add3A_1314, %mul3A_1315 : i32
          %get3A_1317 = arith.index_cast %mul3A_1316 : i32 to index
          %get3A_1318 = tpu.vector_load %arg10[%get3A_1317] {strides = array<i32>} : memref<512xi32, #tpu.memory_space<vmem>>, vector<16xi32>,
          %shift_right_arithmetic3A_1319 = arith.constant 7 : i32
          %shift_right_arithmetic3A_1320 = vector.broadcast %shift_right_arithmetic3A_1319 : i32 to vector<16xi32>
          %shift_right_arithmetic3A_1321 = arith.shrsi %get3A_1312, %shift_right_arithmetic3A_1320 : vector<16xi32>
          %shift_left3A_1322 = arith.constant 7 : i32
          %shift_left3A_1323 = vector.broadcast %shift_left3A_1322 : i32 to vector<16xi32>
          %shift_left3A_1324 = arith.shli %shift_right_arithmetic3A_1321, %shift_left3A_1323 : vector<16xi32>
          %min3A_1325 = arith.constant 999808 : i32
          %min3A_1326 = vector.broadcast %min3A_1325 : i32 to vector<16xi32>
          %min3A_1327 = arith.minsi %shift_left3A_1324, %min3A_1326 : vector<16xi32>
          %shift_right_arithmetic3A_1328 = arith.constant 7 : i32
          %shift_right_arithmetic3A_1329 = vector.broadcast %shift_right_arithmetic3A_1328 : i32 to vector<16xi32>
          %shift_right_arithmetic3A_1330 = arith.shrsi %get3A_1318, %shift_right_arithmetic3A_1329 : vector<16xi32>
          %shift_left3A_1331 = arith.constant 7 : i32
          %shift_left3A_1332 = vector.broadcast %shift_left3A_1331 : i32 to vector<16xi32>
          %shift_left3A_1333 = arith.shli %shift_right_arithmetic3A_1330, %shift_left3A_1332 : vector<16xi32>
          %min3A_1334 = arith.constant 999808 : i32
          %min3A_1335 = vector.broadcast %min3A_1334 : i32 to vector<16xi32>
          %min3A_1336 = arith.minsi %shift_left3A_1333, %min3A_1335 : vector<16xi32>
          %slice3A_1337 = vector.extract_strided_slice %min3A_1327 {offsets = [0], sizes = [1], strides = [1]} : vector<16xi32> to vector<1xi32>
          %squeeze3A_1338 = vector.extract %slice3A_1337[0] : i32 from vector<1xi32>
          %multiple_of3A_1339 = tpu.assume_multiple %squeeze3A_1338, 128 : i32
          %slice3A_1340 = vector.extract_strided_slice %min3A_1336 {offsets = [0], sizes = [1], strides = [1]} : vector<16xi32> to vector<1xi32>
          %squeeze3A_1341 = vector.extract %slice3A_1340[0] : i32 from vector<1xi32>
          %multiple_of3A_1342 = tpu.assume_multiple %squeeze3A_1341, 128 : i32
          %dma_start3A_1343 = arith.constant 0 : i32
          %dma_start3A_1344 = arith.constant 0 : i32
          %dma_start3A_1345 = arith.constant 0 : i32
          %dma_start3A_1346 = arith.constant 0 : i32
          %dma_start3A_1347 = tpu.memref_slice %arg11[%dma_start3A_1343, %dma_start3A_1344, %dma_start3A_1345, %dma_start3A_1346] : memref<2x8x16x128xf32, #tpu.memory_space<vmem>> -> memref<1x1x16x128xf32, #tpu.memory_space<vmem>>
          %dma_start3A_1348 = tpu.memref_squeeze %dma_start3A_1347 : memref<1x1x16x128xf32, #tpu.memory_space<vmem>> -> memref<16x128xf32, #tpu.memory_space<vmem>>
          %dma_start3A_1349 = arith.constant 0 : i32
          %dma_start3A_1350 = tpu.memref_slice %arg2[%dma_start3A_1349, %multiple_of3A_1339] : memref<16x1000000xf32, #tpu.memory_space<hbm>> -> memref<16x128xf32, #tpu.memory_space<hbm>>
          %dma_start3A_1351 = arith.constant 0 : i32
          %dma_start3A_1352 = arith.constant 0 : i32
          %dma_start3A_1353 = tpu.memref_slice %arg11[%dma_start3A_1343, %dma_start3A_1344, %dma_start3A_1351, %dma_start3A_1352] : memref<2x8x16x128xf32, #tpu.memory_space<vmem>> -> memref<1x1x16x128xf32, #tpu.memory_space<vmem>>
          %dma_start3A_1354 = tpu.memref_squeeze %dma_start3A_1353 : memref<1x1x16x128xf32, #tpu.memory_space<vmem>> -> memref<16x128xf32, #tpu.memory_space<vmem>>
          %dma_start3A_1355 = arith.constant 0 : i32
          %dma_start3A_1356 = tpu.memref_slice %arg2[%dma_start3A_1355, %multiple_of3A_1339] : memref<16x1000000xf32, #tpu.memory_space<hbm>> -> memref<16x128xf32, #tpu.memory_space<hbm>>
          tpu.enqueue_dma source(%dma_start3A_1356 : memref<16x128xf32, #tpu.memory_space<hbm>>) target(%dma_start3A_1354 : memref<16x128xf32, #tpu.memory_space<vmem>>) target_semaphore(%arg17 : memref<!tpu.dma_semaphore, #tpu.memory_space<semaphore_mem>>)
          %dma_start3A_1357 = arith.constant 0 : i32
          %dma_start3A_1358 = arith.constant 0 : i32
          %dma_start3A_1359 = arith.constant 0 : i32
          %dma_start3A_1360 = arith.constant 0 : i32
          %dma_start3A_1361 = tpu.memref_slice %arg12[%dma_start3A_1357, %dma_start3A_1358, %dma_start3A_1359, %dma_start3A_1360] : memref<2x8x16x128xf32, #tpu.memory_space<vmem>> -> memref<1x1x16x128xf32, #tpu.memory_space<vmem>>
          %dma_start3A_1362 = tpu.memref_squeeze %dma_start3A_1361 : memref<1x1x16x128xf32, #tpu.memory_space<vmem>> -> memref<16x128xf32, #tpu.memory_space<vmem>>
          %dma_start3A_1363 = arith.constant 0 : i32
          %dma_start3A_1364 = tpu.memref_slice %arg3[%dma_start3A_1363, %multiple_of3A_1342] : memref<16x1000000xf32, #tpu.memory_space<hbm>> -> memref<16x128xf32, #tpu.memory_space<hbm>>
          %dma_start3A_1365 = arith.constant 0 : i32
          %dma_start3A_1366 = arith.constant 0 : i32
          %dma_start3A_1367 = tpu.memref_slice %arg12[%dma_start3A_1357, %dma_start3A_1358, %dma_start3A_1365, %dma_start3A_1366] : memref<2x8x16x128xf32, #tpu.memory_space<vmem>> -> memref<1x1x16x128xf32, #tpu.memory_space<vmem>>
          %dma_start3A_1368 = tpu.memref_squeeze %dma_start3A_1367 : memref<1x1x16x128xf32, #tpu.memory_space<vmem>> -> memref<16x128xf32, #tpu.memory_space<vmem>>
          %dma_start3A_1369 = arith.constant 0 : i32
          %dma_start3A_1370 = tpu.memref_slice %arg3[%dma_start3A_1369, %multiple_of3A_1342] : memref<16x1000000xf32, #tpu.memory_space<hbm>> -> memref<16x128xf32, #tpu.memory_space<hbm>>
          tpu.enqueue_dma source(%dma_start3A_1370 : memref<16x128xf32, #tpu.memory_space<hbm>>) target(%dma_start3A_1368 : memref<16x128xf32, #tpu.memory_space<vmem>>) target_semaphore(%arg17 : memref<!tpu.dma_semaphore, #tpu.memory_space<semaphore_mem>>)
          %slice3A_1371 = vector.extract_strided_slice %min3A_1327 {offsets = [1], sizes = [1], strides = [1]} : vector<16xi32> to vector<1xi32>
          %squeeze3A_1372 = vector.extract %slice3A_1371[0] : i32 from vector<1xi32>
          %multiple_of3A_1373 = tpu.assume_multiple %squeeze3A_1372, 128 : i32
          %slice3A_1374 = vector.extract_strided_slice %min3A_1336 {offsets = [1], sizes = [1], strides = [1]} : vector<16xi32> to vector<1xi32>
          %squeeze3A_1375 = vector.extract %slice3A_1374[0] : i32 from vector<1xi32>
          %multiple_of3A_1376 = tpu.assume_multiple %squeeze3A_1375, 128 : i32
          %dma_start3A_1377 = arith.constant 0 : i32
          %dma_start3A_1378 = arith.constant 1 : i32
          %dma_start3A_1379 = arith.constant 0 : i32
          %dma_start3A_1380 = arith.constant 0 : i32
          %dma_start3A_1381 = tpu.memref_slice %arg11[%dma_start3A_1377, %dma_start3A_1378, %dma_start3A_1379, %dma_start3A_1380] : memref<2x8x16x128xf32, #tpu.memory_space<vmem>> -> memref<1x1x16x128xf32, #tpu.memory_space<vmem>>
          %dma_start3A_1382 = tpu.memref_squeeze %dma_start3A_1381 : memref<1x1x16x128xf32, #tpu.memory_space<vmem>> -> memref<16x128xf32, #tpu.memory_space<vmem>>
          %dma_start3A_1383 = arith.constant 0 : i32
          %dma_start3A_1384 = tpu.memref_slice %arg2[%dma_start3A_1383, %multiple_of3A_1373] : memref<16x1000000xf32, #tpu.memory_space<hbm>> -> memref<16x128xf32, #tpu.memory_space<hbm>>
          %dma_start3A_1385 = arith.constant 0 : i32
          %dma_start3A_1386 = arith.constant 0 : i32
          %dma_start3A_1387 = tpu.memref_slice %arg11[%dma_start3A_1377, %dma_start3A_1378, %dma_start3A_1385, %dma_start3A_1386] : memref<2x8x16x128xf32, #tpu.memory_space<vmem>> -> memref<1x1x16x128xf32, #tpu.memory_space<vmem>>
          %dma_start3A_1388 = tpu.memref_squeeze %dma_start3A_1387 : memref<1x1x16x128xf32, #tpu.memory_space<vmem>> -> memref<16x128xf32, #tpu.memory_space<vmem>>
          %dma_start3A_1389 = arith.constant 0 : i32
          %dma_start3A_1390 = tpu.memref_slice %arg2[%dma_start3A_1389, %multiple_of3A_1373] : memref<16x1000000xf32, #tpu.memory_space<hbm>> -> memref<16x128xf32, #tpu.memory_space<hbm>>
          tpu.enqueue_dma source(%dma_start3A_1390 : memref<16x128xf32, #tpu.memory_space<hbm>>) target(%dma_start3A_1388 : memref<16x128xf32, #tpu.memory_space<vmem>>) target_semaphore(%arg17 : memref<!tpu.dma_semaphore, #tpu.memory_space<semaphore_mem>>)
          %dma_start3A_1391 = arith.constant 0 : i32
          %dma_start3A_1392 = arith.constant 1 : i32
          %dma_start3A_1393 = arith.constant 0 : i32
          %dma_start3A_1394 = arith.constant 0 : i32
          %dma_start3A_1395 = tpu.memref_slice %arg12[%dma_start3A_1391, %dma_start3A_1392, %dma_start3A_1393, %dma_start3A_1394] : memref<2x8x16x128xf32, #tpu.memory_space<vmem>> -> memref<1x1x16x128xf32, #tpu.memory_space<vmem>>
          %dma_start3A_1396 = tpu.memref_squeeze %dma_start3A_1395 : memref<1x1x16x128xf32, #tpu.memory_space<vmem>> -> memref<16x128xf32, #tpu.memory_space<vmem>>
          %dma_start3A_1397 = arith.constant 0 : i32
          %dma_start3A_1398 = tpu.memref_slice %arg3[%dma_start3A_1397, %multiple_of3A_1376] : memref<16x1000000xf32, #tpu.memory_space<hbm>> -> memref<16x128xf32, #tpu.memory_space<hbm>>
          %dma_start3A_1399 = arith.constant 0 : i32
          %dma_start3A_1400 = arith.constant 0 : i32
          %dma_start3A_1401 = tpu.memref_slice %arg12[%dma_start3A_1391, %dma_start3A_1392, %dma_start3A_1399, %dma_start3A_1400] : memref<2x8x16x128xf32, #tpu.memory_space<vmem>> -> memref<1x1x16x128xf32, #tpu.memory_space<vmem>>
          %dma_start3A_1402 = tpu.memref_squeeze %dma_start3A_1401 : memref<1x1x16x128xf32, #tpu.memory_space<vmem>> -> memref<16x128xf32, #tpu.memory_space<vmem>>
          %dma_start3A_1403 = arith.constant 0 : i32
          %dma_start3A_1404 = tpu.memref_slice %arg3[%dma_start3A_1403, %multiple_of3A_1376] : memref<16x1000000xf32, #tpu.memory_space<hbm>> -> memref<16x128xf32, #tpu.memory_space<hbm>>
          tpu.enqueue_dma source(%dma_start3A_1404 : memref<16x128xf32, #tpu.memory_space<hbm>>) target(%dma_start3A_1402 : memref<16x128xf32, #tpu.memory_space<vmem>>) target_semaphore(%arg17 : memref<!tpu.dma_semaphore, #tpu.memory_space<semaphore_mem>>)
          %slice3A_1405 = vector.extract_strided_slice %min3A_1327 {offsets = [2], sizes = [1], strides = [1]} : vector<16xi32> to vector<1xi32>
          %squeeze3A_1406 = vector.extract %slice3A_1405[0] : i32 from vector<1xi32>
          %multiple_of3A_1407 = tpu.assume_multiple %squeeze3A_1406, 128 : i32
          %slice3A_1408 = vector.extract_strided_slice %min3A_1336 {offsets = [2], sizes = [1], strides = [1]} : vector<16xi32> to vector<1xi32>
          %squeeze3A_1409 = vector.extract %slice3A_1408[0] : i32 from vector<1xi32>
          %multiple_of3A_1410 = tpu.assume_multiple %squeeze3A_1409, 128 : i32
          %dma_start3A_1411 = arith.constant 0 : i32
          %dma_start3A_1412 = arith.constant 2 : i32
          %dma_start3A_1413 = arith.constant 0 : i32
          %dma_start3A_1414 = arith.constant 0 : i32
          %dma_start3A_1415 = tpu.memref_slice %arg11[%dma_start3A_1411, %dma_start3A_1412, %dma_start3A_1413, %dma_start3A_1414] : memref<2x8x16x128xf32, #tpu.memory_space<vmem>> -> memref<1x1x16x128xf32, #tpu.memory_space<vmem>>
          %dma_start3A_1416 = tpu.memref_squeeze %dma_start3A_1415 : memref<1x1x16x128xf32, #tpu.memory_space<vmem>> -> memref<16x128xf32, #tpu.memory_space<vmem>>
          %dma_start3A_1417 = arith.constant 0 : i32
          %dma_start3A_1418 = tpu.memref_slice %arg2[%dma_start3A_1417, %multiple_of3A_1407] : memref<16x1000000xf32, #tpu.memory_space<hbm>> -> memref<16x128xf32, #tpu.memory_space<hbm>>
          %dma_start3A_1419 = arith.constant 0 : i32
          %dma_start3A_1420 = arith.constant 0 : i32
          %dma_start3A_1421 = tpu.memref_slice %arg11[%dma_start3A_1411, %dma_start3A_1412, %dma_start3A_1419, %dma_start3A_1420] : memref<2x8x16x128xf32, #tpu.memory_space<vmem>> -> memref<1x1x16x128xf32, #tpu.memory_space<vmem>>
          %dma_start3A_1422 = tpu.memref_squeeze %dma_start3A_1421 : memref<1x1x16x128xf32, #tpu.memory_space<vmem>> -> memref<16x128xf32, #tpu.memory_space<vmem>>
          %dma_start3A_1423 = arith.constant 0 : i32
          %dma_start3A_1424 = tpu.memref_slice %arg2[%dma_start3A_1423, %multiple_of3A_1407] : memref<16x1000000xf32, #tpu.memory_space<hbm>> -> memref<16x128xf32, #tpu.memory_space<hbm>>
          tpu.enqueue_dma source(%dma_start3A_1424 : memref<16x128xf32, #tpu.memory_space<hbm>>) target(%dma_start3A_1422 : memref<16x128xf32, #tpu.memory_space<vmem>>) target_semaphore(%arg17 : memref<!tpu.dma_semaphore, #tpu.memory_space<semaphore_mem>>)
          %dma_start3A_1425 = arith.constant 0 : i32
          %dma_start3A_1426 = arith.constant 2 : i32
          %dma_start3A_1427 = arith.constant 0 : i32
          %dma_start3A_1428 = arith.constant 0 : i32
          %dma_start3A_1429 = tpu.memref_slice %arg12[%dma_start3A_1425, %dma_start3A_1426, %dma_start3A_1427, %dma_start3A_1428] : memref<2x8x16x128xf32, #tpu.memory_space<vmem>> -> memref<1x1x16x128xf32, #tpu.memory_space<vmem>>
          %dma_start3A_1430 = tpu.memref_squeeze %dma_start3A_1429 : memref<1x1x16x128xf32, #tpu.memory_space<vmem>> -> memref<16x128xf32, #tpu.memory_space<vmem>>
          %dma_start3A_1431 = arith.constant 0 : i32
          %dma_start3A_1432 = tpu.memref_slice %arg3[%dma_start3A_1431, %multiple_of3A_1410] : memref<16x1000000xf32, #tpu.memory_space<hbm>> -> memref<16x128xf32, #tpu.memory_space<hbm>>
          %dma_start3A_1433 = arith.constant 0 : i32
          %dma_start3A_1434 = arith.constant 0 : i32
          %dma_start3A_1435 = tpu.memref_slice %arg12[%dma_start3A_1425, %dma_start3A_1426, %dma_start3A_1433, %dma_start3A_1434] : memref<2x8x16x128xf32, #tpu.memory_space<vmem>> -> memref<1x1x16x128xf32, #tpu.memory_space<vmem>>
          %dma_start3A_1436 = tpu.memref_squeeze %dma_start3A_1435 : memref<1x1x16x128xf32, #tpu.memory_space<vmem>> -> memref<16x128xf32, #tpu.memory_space<vmem>>
          %dma_start3A_1437 = arith.constant 0 : i32
          %dma_start3A_1438 = tpu.memref_slice %arg3[%dma_start3A_1437, %multiple_of3A_1410] : memref<16x1000000xf32, #tpu.memory_space<hbm>> -> memref<16x128xf32, #tpu.memory_space<hbm>>
          tpu.enqueue_dma source(%dma_start3A_1438 : memref<16x128xf32, #tpu.memory_space<hbm>>) target(%dma_start3A_1436 : memref<16x128xf32, #tpu.memory_space<vmem>>) target_semaphore(%arg17 : memref<!tpu.dma_semaphore, #tpu.memory_space<semaphore_mem>>)
          %slice3A_1439 = vector.extract_strided_slice %min3A_1327 {offsets = [3], sizes = [1], strides = [1]} : vector<16xi32> to vector<1xi32>
          %squeeze3A_1440 = vector.extract %slice3A_1439[0] : i32 from vector<1xi32>
          %multiple_of3A_1441 = tpu.assume_multiple %squeeze3A_1440, 128 : i32
          %slice3A_1442 = vector.extract_strided_slice %min3A_1336 {offsets = [3], sizes = [1], strides = [1]} : vector<16xi32> to vector<1xi32>
          %squeeze3A_1443 = vector.extract %slice3A_1442[0] : i32 from vector<1xi32>
          %multiple_of3A_1444 = tpu.assume_multiple %squeeze3A_1443, 128 : i32
          %dma_start3A_1445 = arith.constant 0 : i32
          %dma_start3A_1446 = arith.constant 3 : i32
          %dma_start3A_1447 = arith.constant 0 : i32
          %dma_start3A_1448 = arith.constant 0 : i32
          %dma_start3A_1449 = tpu.memref_slice %arg11[%dma_start3A_1445, %dma_start3A_1446, %dma_start3A_1447, %dma_start3A_1448] : memref<2x8x16x128xf32, #tpu.memory_space<vmem>> -> memref<1x1x16x128xf32, #tpu.memory_space<vmem>>
          %dma_start3A_1450 = tpu.memref_squeeze %dma_start3A_1449 : memref<1x1x16x128xf32, #tpu.memory_space<vmem>> -> memref<16x128xf32, #tpu.memory_space<vmem>>
          %dma_start3A_1451 = arith.constant 0 : i32
          %dma_start3A_1452 = tpu.memref_slice %arg2[%dma_start3A_1451, %multiple_of3A_1441] : memref<16x1000000xf32, #tpu.memory_space<hbm>> -> memref<16x128xf32, #tpu.memory_space<hbm>>
          %dma_start3A_1453 = arith.constant 0 : i32
          %dma_start3A_1454 = arith.constant 0 : i32
          %dma_start3A_1455 = tpu.memref_slice %arg11[%dma_start3A_1445, %dma_start3A_1446, %dma_start3A_1453, %dma_start3A_1454] : memref<2x8x16x128xf32, #tpu.memory_space<vmem>> -> memref<1x1x16x128xf32, #tpu.memory_space<vmem>>
          %dma_start3A_1456 = tpu.memref_squeeze %dma_start3A_1455 : memref<1x1x16x128xf32, #tpu.memory_space<vmem>> -> memref<16x128xf32, #tpu.memory_space<vmem>>
          %dma_start3A_1457 = arith.constant 0 : i32
          %dma_start3A_1458 = tpu.memref_slice %arg2[%dma_start3A_1457, %multiple_of3A_1441] : memref<16x1000000xf32, #tpu.memory_space<hbm>> -> memref<16x128xf32, #tpu.memory_space<hbm>>
          tpu.enqueue_dma source(%dma_start3A_1458 : memref<16x128xf32, #tpu.memory_space<hbm>>) target(%dma_start3A_1456 : memref<16x128xf32, #tpu.memory_space<vmem>>) target_semaphore(%arg17 : memref<!tpu.dma_semaphore, #tpu.memory_space<semaphore_mem>>)
          %dma_start3A_1459 = arith.constant 0 : i32
          %dma_start3A_1460 = arith.constant 3 : i32
          %dma_start3A_1461 = arith.constant 0 : i32
          %dma_start3A_1462 = arith.constant 0 : i32
          %dma_start3A_1463 = tpu.memref_slice %arg12[%dma_start3A_1459, %dma_start3A_1460, %dma_start3A_1461, %dma_start3A_1462] : memref<2x8x16x128xf32, #tpu.memory_space<vmem>> -> memref<1x1x16x128xf32, #tpu.memory_space<vmem>>
          %dma_start3A_1464 = tpu.memref_squeeze %dma_start3A_1463 : memref<1x1x16x128xf32, #tpu.memory_space<vmem>> -> memref<16x128xf32, #tpu.memory_space<vmem>>
          %dma_start3A_1465 = arith.constant 0 : i32
          %dma_start3A_1466 = tpu.memref_slice %arg3[%dma_start3A_1465, %multiple_of3A_1444] : memref<16x1000000xf32, #tpu.memory_space<hbm>> -> memref<16x128xf32, #tpu.memory_space<hbm>>
          %dma_start3A_1467 = arith.constant 0 : i32
          %dma_start3A_1468 = arith.constant 0 : i32
          %dma_start3A_1469 = tpu.memref_slice %arg12[%dma_start3A_1459, %dma_start3A_1460, %dma_start3A_1467, %dma_start3A_1468] : memref<2x8x16x128xf32, #tpu.memory_space<vmem>> -> memref<1x1x16x128xf32, #tpu.memory_space<vmem>>
          %dma_start3A_1470 = tpu.memref_squeeze %dma_start3A_1469 : memref<1x1x16x128xf32, #tpu.memory_space<vmem>> -> memref<16x128xf32, #tpu.memory_space<vmem>>
          %dma_start3A_1471 = arith.constant 0 : i32
          %dma_start3A_1472 = tpu.memref_slice %arg3[%dma_start3A_1471, %multiple_of3A_1444] : memref<16x1000000xf32, #tpu.memory_space<hbm>> -> memref<16x128xf32, #tpu.memory_space<hbm>>
          tpu.enqueue_dma source(%dma_start3A_1472 : memref<16x128xf32, #tpu.memory_space<hbm>>) target(%dma_start3A_1470 : memref<16x128xf32, #tpu.memory_space<vmem>>) target_semaphore(%arg17 : memref<!tpu.dma_semaphore, #tpu.memory_space<semaphore_mem>>)
          %slice3A_1473 = vector.extract_strided_slice %min3A_1327 {offsets = [4], sizes = [1], strides = [1]} : vector<16xi32> to vector<1xi32>
          %squeeze3A_1474 = vector.extract %slice3A_1473[0] : i32 from vector<1xi32>
          %multiple_of3A_1475 = tpu.assume_multiple %squeeze3A_1474, 128 : i32
          %slice3A_1476 = vector.extract_strided_slice %min3A_1336 {offsets = [4], sizes = [1], strides = [1]} : vector<16xi32> to vector<1xi32>
          %squeeze3A_1477 = vector.extract %slice3A_1476[0] : i32 from vector<1xi32>
          %multiple_of3A_1478 = tpu.assume_multiple %squeeze3A_1477, 128 : i32
          %dma_start3A_1479 = arith.constant 0 : i32
          %dma_start3A_1480 = arith.constant 4 : i32
          %dma_start3A_1481 = arith.constant 0 : i32
          %dma_start3A_1482 = arith.constant 0 : i32
          %dma_start3A_1483 = tpu.memref_slice %arg11[%dma_start3A_1479, %dma_start3A_1480, %dma_start3A_1481, %dma_start3A_1482] : memref<2x8x16x128xf32, #tpu.memory_space<vmem>> -> memref<1x1x16x128xf32, #tpu.memory_space<vmem>>
          %dma_start3A_1484 = tpu.memref_squeeze %dma_start3A_1483 : memref<1x1x16x128xf32, #tpu.memory_space<vmem>> -> memref<16x128xf32, #tpu.memory_space<vmem>>
          %dma_start3A_1485 = arith.constant 0 : i32
          %dma_start3A_1486 = tpu.memref_slice %arg2[%dma_start3A_1485, %multiple_of3A_1475] : memref<16x1000000xf32, #tpu.memory_space<hbm>> -> memref<16x128xf32, #tpu.memory_space<hbm>>
          %dma_start3A_1487 = arith.constant 0 : i32
          %dma_start3A_1488 = arith.constant 0 : i32
          %dma_start3A_1489 = tpu.memref_slice %arg11[%dma_start3A_1479, %dma_start3A_1480, %dma_start3A_1487, %dma_start3A_1488] : memref<2x8x16x128xf32, #tpu.memory_space<vmem>> -> memref<1x1x16x128xf32, #tpu.memory_space<vmem>>
          %dma_start3A_1490 = tpu.memref_squeeze %dma_start3A_1489 : memref<1x1x16x128xf32, #tpu.memory_space<vmem>> -> memref<16x128xf32, #tpu.memory_space<vmem>>
          %dma_start3A_1491 = arith.constant 0 : i32
          %dma_start3A_1492 = tpu.memref_slice %arg2[%dma_start3A_1491, %multiple_of3A_1475] : memref<16x1000000xf32, #tpu.memory_space<hbm>> -> memref<16x128xf32, #tpu.memory_space<hbm>>
          tpu.enqueue_dma source(%dma_start3A_1492 : memref<16x128xf32, #tpu.memory_space<hbm>>) target(%dma_start3A_1490 : memref<16x128xf32, #tpu.memory_space<vmem>>) target_semaphore(%arg17 : memref<!tpu.dma_semaphore, #tpu.memory_space<semaphore_mem>>)
          %dma_start3A_1493 = arith.constant 0 : i32
          %dma_start3A_1494 = arith.constant 4 : i32
          %dma_start3A_1495 = arith.constant 0 : i32
          %dma_start3A_1496 = arith.constant 0 : i32
          %dma_start3A_1497 = tpu.memref_slice %arg12[%dma_start3A_1493, %dma_start3A_1494, %dma_start3A_1495, %dma_start3A_1496] : memref<2x8x16x128xf32, #tpu.memory_space<vmem>> -> memref<1x1x16x128xf32, #tpu.memory_space<vmem>>
          %dma_start3A_1498 = tpu.memref_squeeze %dma_start3A_1497 : memref<1x1x16x128xf32, #tpu.memory_space<vmem>> -> memref<16x128xf32, #tpu.memory_space<vmem>>
          %dma_start3A_1499 = arith.constant 0 : i32
          %dma_start3A_1500 = tpu.memref_slice %arg3[%dma_start3A_1499, %multiple_of3A_1478] : memref<16x1000000xf32, #tpu.memory_space<hbm>> -> memref<16x128xf32, #tpu.memory_space<hbm>>
          %dma_start3A_1501 = arith.constant 0 : i32
          %dma_start3A_1502 = arith.constant 0 : i32
          %dma_start3A_1503 = tpu.memref_slice %arg12[%dma_start3A_1493, %dma_start3A_1494, %dma_start3A_1501, %dma_start3A_1502] : memref<2x8x16x128xf32, #tpu.memory_space<vmem>> -> memref<1x1x16x128xf32, #tpu.memory_space<vmem>>
          %dma_start3A_1504 = tpu.memref_squeeze %dma_start3A_1503 : memref<1x1x16x128xf32, #tpu.memory_space<vmem>> -> memref<16x128xf32, #tpu.memory_space<vmem>>
          %dma_start3A_1505 = arith.constant 0 : i32
          %dma_start3A_1506 = tpu.memref_slice %arg3[%dma_start3A_1505, %multiple_of3A_1478] : memref<16x1000000xf32, #tpu.memory_space<hbm>> -> memref<16x128xf32, #tpu.memory_space<hbm>>
          tpu.enqueue_dma source(%dma_start3A_1506 : memref<16x128xf32, #tpu.memory_space<hbm>>) target(%dma_start3A_1504 : memref<16x128xf32, #tpu.memory_space<vmem>>) target_semaphore(%arg17 : memref<!tpu.dma_semaphore, #tpu.memory_space<semaphore_mem>>)
          %slice3A_1507 = vector.extract_strided_slice %min3A_1327 {offsets = [5], sizes = [1], strides = [1]} : vector<16xi32> to vector<1xi32>
          %squeeze3A_1508 = vector.extract %slice3A_1507[0] : i32 from vector<1xi32>
          %multiple_of3A_1509 = tpu.assume_multiple %squeeze3A_1508, 128 : i32
          %slice3A_1510 = vector.extract_strided_slice %min3A_1336 {offsets = [5], sizes = [1], strides = [1]} : vector<16xi32> to vector<1xi32>
          %squeeze3A_1511 = vector.extract %slice3A_1510[0] : i32 from vector<1xi32>
          %multiple_of3A_1512 = tpu.assume_multiple %squeeze3A_1511, 128 : i32
          %dma_start3A_1513 = arith.constant 0 : i32
          %dma_start3A_1514 = arith.constant 5 : i32
          %dma_start3A_1515 = arith.constant 0 : i32
          %dma_start3A_1516 = arith.constant 0 : i32
          %dma_start3A_1517 = tpu.memref_slice %arg11[%dma_start3A_1513, %dma_start3A_1514, %dma_start3A_1515, %dma_start3A_1516] : memref<2x8x16x128xf32, #tpu.memory_space<vmem>> -> memref<1x1x16x128xf32, #tpu.memory_space<vmem>>
          %dma_start3A_1518 = tpu.memref_squeeze %dma_start3A_1517 : memref<1x1x16x128xf32, #tpu.memory_space<vmem>> -> memref<16x128xf32, #tpu.memory_space<vmem>>
          %dma_start3A_1519 = arith.constant 0 : i32
          %dma_start3A_1520 = tpu.memref_slice %arg2[%dma_start3A_1519, %multiple_of3A_1509] : memref<16x1000000xf32, #tpu.memory_space<hbm>> -> memref<16x128xf32, #tpu.memory_space<hbm>>
          %dma_start3A_1521 = arith.constant 0 : i32
          %dma_start3A_1522 = arith.constant 0 : i32
          %dma_start3A_1523 = tpu.memref_slice %arg11[%dma_start3A_1513, %dma_start3A_1514, %dma_start3A_1521, %dma_start3A_1522] : memref<2x8x16x128xf32, #tpu.memory_space<vmem>> -> memref<1x1x16x128xf32, #tpu.memory_space<vmem>>
          %dma_start3A_1524 = tpu.memref_squeeze %dma_start3A_1523 : memref<1x1x16x128xf32, #tpu.memory_space<vmem>> -> memref<16x128xf32, #tpu.memory_space<vmem>>
          %dma_start3A_1525 = arith.constant 0 : i32
          %dma_start3A_1526 = tpu.memref_slice %arg2[%dma_start3A_1525, %multiple_of3A_1509] : memref<16x1000000xf32, #tpu.memory_space<hbm>> -> memref<16x128xf32, #tpu.memory_space<hbm>>
          tpu.enqueue_dma source(%dma_start3A_1526 : memref<16x128xf32, #tpu.memory_space<hbm>>) target(%dma_start3A_1524 : memref<16x128xf32, #tpu.memory_space<vmem>>) target_semaphore(%arg17 : memref<!tpu.dma_semaphore, #tpu.memory_space<semaphore_mem>>)
          %dma_start3A_1527 = arith.constant 0 : i32
          %dma_start3A_1528 = arith.constant 5 : i32
          %dma_start3A_1529 = arith.constant 0 : i32
          %dma_start3A_1530 = arith.constant 0 : i32
          %dma_start3A_1531 = tpu.memref_slice %arg12[%dma_start3A_1527, %dma_start3A_1528, %dma_start3A_1529, %dma_start3A_1530] : memref<2x8x16x128xf32, #tpu.memory_space<vmem>> -> memref<1x1x16x128xf32, #tpu.memory_space<vmem>>
          %dma_start3A_1532 = tpu.memref_squeeze %dma_start3A_1531 : memref<1x1x16x128xf32, #tpu.memory_space<vmem>> -> memref<16x128xf32, #tpu.memory_space<vmem>>
          %dma_start3A_1533 = arith.constant 0 : i32
          %dma_start3A_1534 = tpu.memref_slice %arg3[%dma_start3A_1533, %multiple_of3A_1512] : memref<16x1000000xf32, #tpu.memory_space<hbm>> -> memref<16x128xf32, #tpu.memory_space<hbm>>
          %dma_start3A_1535 = arith.constant 0 : i32
          %dma_start3A_1536 = arith.constant 0 : i32
          %dma_start3A_1537 = tpu.memref_slice %arg12[%dma_start3A_1527, %dma_start3A_1528, %dma_start3A_1535, %dma_start3A_1536] : memref<2x8x16x128xf32, #tpu.memory_space<vmem>> -> memref<1x1x16x128xf32, #tpu.memory_space<vmem>>
          %dma_start3A_1538 = tpu.memref_squeeze %dma_start3A_1537 : memref<1x1x16x128xf32, #tpu.memory_space<vmem>> -> memref<16x128xf32, #tpu.memory_space<vmem>>
          %dma_start3A_1539 = arith.constant 0 : i32
          %dma_start3A_1540 = tpu.memref_slice %arg3[%dma_start3A_1539, %multiple_of3A_1512] : memref<16x1000000xf32, #tpu.memory_space<hbm>> -> memref<16x128xf32, #tpu.memory_space<hbm>>
          tpu.enqueue_dma source(%dma_start3A_1540 : memref<16x128xf32, #tpu.memory_space<hbm>>) target(%dma_start3A_1538 : memref<16x128xf32, #tpu.memory_space<vmem>>) target_semaphore(%arg17 : memref<!tpu.dma_semaphore, #tpu.memory_space<semaphore_mem>>)
          %slice3A_1541 = vector.extract_strided_slice %min3A_1327 {offsets = [6], sizes = [1], strides = [1]} : vector<16xi32> to vector<1xi32>
          %squeeze3A_1542 = vector.extract %slice3A_1541[0] : i32 from vector<1xi32>
          %multiple_of3A_1543 = tpu.assume_multiple %squeeze3A_1542, 128 : i32
          %slice3A_1544 = vector.extract_strided_slice %min3A_1336 {offsets = [6], sizes = [1], strides = [1]} : vector<16xi32> to vector<1xi32>
          %squeeze3A_1545 = vector.extract %slice3A_1544[0] : i32 from vector<1xi32>
          %multiple_of3A_1546 = tpu.assume_multiple %squeeze3A_1545, 128 : i32
          %dma_start3A_1547 = arith.constant 0 : i32
          %dma_start3A_1548 = arith.constant 6 : i32
          %dma_start3A_1549 = arith.constant 0 : i32
          %dma_start3A_1550 = arith.constant 0 : i32
          %dma_start3A_1551 = tpu.memref_slice %arg11[%dma_start3A_1547, %dma_start3A_1548, %dma_start3A_1549, %dma_start3A_1550] : memref<2x8x16x128xf32, #tpu.memory_space<vmem>> -> memref<1x1x16x128xf32, #tpu.memory_space<vmem>>
          %dma_start3A_1552 = tpu.memref_squeeze %dma_start3A_1551 : memref<1x1x16x128xf32, #tpu.memory_space<vmem>> -> memref<16x128xf32, #tpu.memory_space<vmem>>
          %dma_start3A_1553 = arith.constant 0 : i32
          %dma_start3A_1554 = tpu.memref_slice %arg2[%dma_start3A_1553, %multiple_of3A_1543] : memref<16x1000000xf32, #tpu.memory_space<hbm>> -> memref<16x128xf32, #tpu.memory_space<hbm>>
          %dma_start3A_1555 = arith.constant 0 : i32
          %dma_start3A_1556 = arith.constant 0 : i32
          %dma_start3A_1557 = tpu.memref_slice %arg11[%dma_start3A_1547, %dma_start3A_1548, %dma_start3A_1555, %dma_start3A_1556] : memref<2x8x16x128xf32, #tpu.memory_space<vmem>> -> memref<1x1x16x128xf32, #tpu.memory_space<vmem>>
          %dma_start3A_1558 = tpu.memref_squeeze %dma_start3A_1557 : memref<1x1x16x128xf32, #tpu.memory_space<vmem>> -> memref<16x128xf32, #tpu.memory_space<vmem>>
          %dma_start3A_1559 = arith.constant 0 : i32
          %dma_start3A_1560 = tpu.memref_slice %arg2[%dma_start3A_1559, %multiple_of3A_1543] : memref<16x1000000xf32, #tpu.memory_space<hbm>> -> memref<16x128xf32, #tpu.memory_space<hbm>>
          tpu.enqueue_dma source(%dma_start3A_1560 : memref<16x128xf32, #tpu.memory_space<hbm>>) target(%dma_start3A_1558 : memref<16x128xf32, #tpu.memory_space<vmem>>) target_semaphore(%arg17 : memref<!tpu.dma_semaphore, #tpu.memory_space<semaphore_mem>>)
          %dma_start3A_1561 = arith.constant 0 : i32
          %dma_start3A_1562 = arith.constant 6 : i32
          %dma_start3A_1563 = arith.constant 0 : i32
          %dma_start3A_1564 = arith.constant 0 : i32
          %dma_start3A_1565 = tpu.memref_slice %arg12[%dma_start3A_1561, %dma_start3A_1562, %dma_start3A_1563, %dma_start3A_1564] : memref<2x8x16x128xf32, #tpu.memory_space<vmem>> -> memref<1x1x16x128xf32, #tpu.memory_space<vmem>>
          %dma_start3A_1566 = tpu.memref_squeeze %dma_start3A_1565 : memref<1x1x16x128xf32, #tpu.memory_space<vmem>> -> memref<16x128xf32, #tpu.memory_space<vmem>>
          %dma_start3A_1567 = arith.constant 0 : i32
          %dma_start3A_1568 = tpu.memref_slice %arg3[%dma_start3A_1567, %multiple_of3A_1546] : memref<16x1000000xf32, #tpu.memory_space<hbm>> -> memref<16x128xf32, #tpu.memory_space<hbm>>
          %dma_start3A_1569 = arith.constant 0 : i32
          %dma_start3A_1570 = arith.constant 0 : i32
          %dma_start3A_1571 = tpu.memref_slice %arg12[%dma_start3A_1561, %dma_start3A_1562, %dma_start3A_1569, %dma_start3A_1570] : memref<2x8x16x128xf32, #tpu.memory_space<vmem>> -> memref<1x1x16x128xf32, #tpu.memory_space<vmem>>
          %dma_start3A_1572 = tpu.memref_squeeze %dma_start3A_1571 : memref<1x1x16x128xf32, #tpu.memory_space<vmem>> -> memref<16x128xf32, #tpu.memory_space<vmem>>
          %dma_start3A_1573 = arith.constant 0 : i32
          %dma_start3A_1574 = tpu.memref_slice %arg3[%dma_start3A_1573, %multiple_of3A_1546] : memref<16x1000000xf32, #tpu.memory_space<hbm>> -> memref<16x128xf32, #tpu.memory_space<hbm>>
          tpu.enqueue_dma source(%dma_start3A_1574 : memref<16x128xf32, #tpu.memory_space<hbm>>) target(%dma_start3A_1572 : memref<16x128xf32, #tpu.memory_space<vmem>>) target_semaphore(%arg17 : memref<!tpu.dma_semaphore, #tpu.memory_space<semaphore_mem>>)
          %slice3A_1575 = vector.extract_strided_slice %min3A_1327 {offsets = [7], sizes = [1], strides = [1]} : vector<16xi32> to vector<1xi32>
          %squeeze3A_1576 = vector.extract %slice3A_1575[0] : i32 from vector<1xi32>
          %multiple_of3A_1577 = tpu.assume_multiple %squeeze3A_1576, 128 : i32
          %slice3A_1578 = vector.extract_strided_slice %min3A_1336 {offsets = [7], sizes = [1], strides = [1]} : vector<16xi32> to vector<1xi32>
          %squeeze3A_1579 = vector.extract %slice3A_1578[0] : i32 from vector<1xi32>
          %multiple_of3A_1580 = tpu.assume_multiple %squeeze3A_1579, 128 : i32
          %dma_start3A_1581 = arith.constant 0 : i32
          %dma_start3A_1582 = arith.constant 7 : i32
          %dma_start3A_1583 = arith.constant 0 : i32
          %dma_start3A_1584 = arith.constant 0 : i32
          %dma_start3A_1585 = tpu.memref_slice %arg11[%dma_start3A_1581, %dma_start3A_1582, %dma_start3A_1583, %dma_start3A_1584] : memref<2x8x16x128xf32, #tpu.memory_space<vmem>> -> memref<1x1x16x128xf32, #tpu.memory_space<vmem>>
          %dma_start3A_1586 = tpu.memref_squeeze %dma_start3A_1585 : memref<1x1x16x128xf32, #tpu.memory_space<vmem>> -> memref<16x128xf32, #tpu.memory_space<vmem>>
          %dma_start3A_1587 = arith.constant 0 : i32
          %dma_start3A_1588 = tpu.memref_slice %arg2[%dma_start3A_1587, %multiple_of3A_1577] : memref<16x1000000xf32, #tpu.memory_space<hbm>> -> memref<16x128xf32, #tpu.memory_space<hbm>>
          %dma_start3A_1589 = arith.constant 0 : i32
          %dma_start3A_1590 = arith.constant 0 : i32
          %dma_start3A_1591 = tpu.memref_slice %arg11[%dma_start3A_1581, %dma_start3A_1582, %dma_start3A_1589, %dma_start3A_1590] : memref<2x8x16x128xf32, #tpu.memory_space<vmem>> -> memref<1x1x16x128xf32, #tpu.memory_space<vmem>>
          %dma_start3A_1592 = tpu.memref_squeeze %dma_start3A_1591 : memref<1x1x16x128xf32, #tpu.memory_space<vmem>> -> memref<16x128xf32, #tpu.memory_space<vmem>>
          %dma_start3A_1593 = arith.constant 0 : i32
          %dma_start3A_1594 = tpu.memref_slice %arg2[%dma_start3A_1593, %multiple_of3A_1577] : memref<16x1000000xf32, #tpu.memory_space<hbm>> -> memref<16x128xf32, #tpu.memory_space<hbm>>
          tpu.enqueue_dma source(%dma_start3A_1594 : memref<16x128xf32, #tpu.memory_space<hbm>>) target(%dma_start3A_1592 : memref<16x128xf32, #tpu.memory_space<vmem>>) target_semaphore(%arg17 : memref<!tpu.dma_semaphore, #tpu.memory_space<semaphore_mem>>)
          %dma_start3A_1595 = arith.constant 0 : i32
          %dma_start3A_1596 = arith.constant 7 : i32
          %dma_start3A_1597 = arith.constant 0 : i32
          %dma_start3A_1598 = arith.constant 0 : i32
          %dma_start3A_1599 = tpu.memref_slice %arg12[%dma_start3A_1595, %dma_start3A_1596, %dma_start3A_1597, %dma_start3A_1598] : memref<2x8x16x128xf32, #tpu.memory_space<vmem>> -> memref<1x1x16x128xf32, #tpu.memory_space<vmem>>
          %dma_start3A_1600 = tpu.memref_squeeze %dma_start3A_1599 : memref<1x1x16x128xf32, #tpu.memory_space<vmem>> -> memref<16x128xf32, #tpu.memory_space<vmem>>
          %dma_start3A_1601 = arith.constant 0 : i32
          %dma_start3A_1602 = tpu.memref_slice %arg3[%dma_start3A_1601, %multiple_of3A_1580] : memref<16x1000000xf32, #tpu.memory_space<hbm>> -> memref<16x128xf32, #tpu.memory_space<hbm>>
          %dma_start3A_1603 = arith.constant 0 : i32
          %dma_start3A_1604 = arith.constant 0 : i32
          %dma_start3A_1605 = tpu.memref_slice %arg12[%dma_start3A_1595, %dma_start3A_1596, %dma_start3A_1603, %dma_start3A_1604] : memref<2x8x16x128xf32, #tpu.memory_space<vmem>> -> memref<1x1x16x128xf32, #tpu.memory_space<vmem>>
          %dma_start3A_1606 = tpu.memref_squeeze %dma_start3A_1605 : memref<1x1x16x128xf32, #tpu.memory_space<vmem>> -> memref<16x128xf32, #tpu.memory_space<vmem>>
          %dma_start3A_1607 = arith.constant 0 : i32
          %dma_start3A_1608 = tpu.memref_slice %arg3[%dma_start3A_1607, %multiple_of3A_1580] : memref<16x1000000xf32, #tpu.memory_space<hbm>> -> memref<16x128xf32, #tpu.memory_space<hbm>>
          tpu.enqueue_dma source(%dma_start3A_1608 : memref<16x128xf32, #tpu.memory_space<hbm>>) target(%dma_start3A_1606 : memref<16x128xf32, #tpu.memory_space<vmem>>) target_semaphore(%arg17 : memref<!tpu.dma_semaphore, #tpu.memory_space<semaphore_mem>>)
        } else {
        }
      } else {
      }
    }
    %scan3A_293 = arith.constant 32 : i32
    "tpu.region"() ({
      %run_scoped3A = tpu.sem_alloc : memref<!tpu.dma_semaphore, #tpu.memory_space<semaphore_mem>>
      %dma_start3A_294 = tpu.memref_slice %arg8[%mul3A_2] : memref<16384xf32, #tpu.memory_space<hbm>> -> memref<512xf32, #tpu.memory_space<hbm>>
      %dma_start3A_295 = tpu.memref_slice %arg8[%mul3A_2] : memref<16384xf32, #tpu.memory_space<hbm>> -> memref<512xf32, #tpu.memory_space<hbm>>
      tpu.enqueue_dma source(%arg15 : memref<512xf32, #tpu.memory_space<vmem>>) target(%dma_start3A_295 : memref<512xf32, #tpu.memory_space<hbm>>) target_semaphore(%run_scoped3A : memref<!tpu.dma_semaphore, #tpu.memory_space<semaphore_mem>>)
      %dma_wait3A = tpu.memref_slice %arg8[%mul3A_2] : memref<16384xf32, #tpu.memory_space<hbm>> -> memref<512xf32, #tpu.memory_space<hbm>>
      %dma_wait3A_296 = tpu.memref_slice %arg8[%mul3A_2] : memref<16384xf32, #tpu.memory_space<hbm>> -> memref<512xf32, #tpu.memory_space<hbm>>
      tpu.wait_dma2 semaphore(%run_scoped3A : memref<!tpu.dma_semaphore, #tpu.memory_space<semaphore_mem>>) src(%arg15 : memref<512xf32, #tpu.memory_space<vmem>>) dst(%dma_wait3A_296 : memref<512xf32, #tpu.memory_space<hbm>>)
      tpu.yield
    }) : () -> ()
    return
  }
}

</mosaic_0001>

<sc_bundles>
// kernel: kernel.3.cloned.1.call-start
scs
__scs_entry_jumppad:
0x0: {  	(pc) =	sbr.rel $0x88, $3  }
0x1: {  	(tag) =	ssettag $0x0;
	lr =	simm.s32 $0x1  }
0x2: {  	[smem:$0x3F9E] =	sst lr;
	_ =	strace $0xD0000000  }
0x3: {  	_ = 	snop  }
0x4: {  	_ = 	snop  }
0x5: {  	_ = 	snop  }
0x6: {  	_ = 	snop  }
0x7: {  	_ = 	snop  }
__scs_overlays_trampoline_lowered:
0x8: {  	[smem:$0x3FAD] =	sst s0  }
0x9: {  	[smem:$0x3FAE] =	sst s1  }
0xa: {  	[smem:$0x3FAF] =	sst s2  }
0xb: {  	[smem:$0x3FB0] =	sst s3  }
0xc: {  	[smem:$0x3FB1] =	sst s4  }
0xd: {  	[smem:$0x3FB2] =	sst s5  }
0xe: {  	[smem:$0x3FB3] =	sst s6  }
0xf: {  	[smem:$0x3FB4] =	sst s7  }
0x10: {  	[smem:$0x3FB5] =	sst s8  }
0x11: {  	[smem:$0x3FB6] =	sst s9;
	s0 =	simm.s32 @!p0 $0x0  }
0x12: {  	s1 =	sld [smem:$0x3F9C];
	s0 =	simm.s32 @p0 $0x1  }
0x13: {  	[smem:$0x3FB7] =	sst s0;
	s0 =	simm.s32 @!p1 $0x0  }
0x14: {  	s2 =	sld [smem:$0x3F9B];
	s0 =	simm.s32 @p1 $0x1  }
0x15: {  	[smem:$0x3FB8] =	sst s0;
	s0 =	simm.s32 @!p2 $0x0  }
0x16: {  	s3 =	sld [smem:$0x3FDB];
	s0 =	simm.s32 @p2 $0x1  }
0x17: {  	s4 =	simm.s32 $0x1BF5;
	[smem:$0x3FBA] =	sst s0  }
0x18: {  	s0 =	sld [smem:$0x3F9D];
	_ =	swait.ge [sflag:s4], $0x0  }
0x19: {  	s7 =	sld [smem:$0x3F9E]  }
0x1a: {  	s8 =	sadd.s32 $0xFFFFE003, lr  }
0x1b: {  	s9 =	sadd.s32 $0xFFFFFEF7, lr;
	s5 =	simm.s32 $0xFFFFFFFF;
	p2 =	slt.u32 s8, $0xFFFFF086  }
0x1c: {  	p1 =	slt.u32 s9, $0xF7A;
	s5 =	simm.s32 @!p2 $0x0  }
0x1d: {  	s5 =	simm.s32 @p1 $0x1;
	p0 =	seq.s32 s7, s2  }
0x1e: {  	s7 =	smul.u32 @!p0 $0xF7A, s2;
	p2 =	seq.s32 @!p0 s5, $0x0  }
0x1f: {  	s9 =	smul.u32 $0xF7A, s1;
	s8 =	simm.s32 @!p0 $0x1BF5;
	p2 =	por !p2, p0  }
0x20: {  	[sflag:s8] =	ssyncset.s32 @!p0 $0xFFFFF086;
	s6 =	sadd.s32 @!p0 s3, s7;
	s7 =	simm.s32 @!p0 $0x108  }
0x21: {  	s3 =	sadd.s32 s3, s9;
	s6 =	sadd.s32 @!p0 $0x88, s6;
	s7 =	simm.s32 @p2 $0x1082  }
0x22: {  	[simem:s7], [sflag:s8] =	dma.local @!p0 [hbm:s6], $0xF7A  }
0x23: {  	s9 =	sor.u32 $0xD0000000, s2;
	s6 =	simm.s32 $0x108;
	_ =	swait.ge @!p0 [sflag:s8], $0x0  }
0x24: {  	s3 =	sadd.s32 $0x88, s3;
	s6 =	simm.s32 @!p1 $0x1082;
	[sflag:s4] =	ssyncset.s32 $0xFFFFF086  }
0x25: {  	[simem:s6], [sflag:s4] =	dma.local [hbm:s3], $0xF7A  }
0x26: {  	[smem:$0x3F9E] =	sst s1;
	(tag) =	ssettag s2;
	_ =	strace s9  }
0x27: {  	s1 =	sld [smem:$0x3FAE]  }
0x28: {  	s2 =	sld [smem:$0x3FAF]  }
0x29: {  	s4 =	sld [smem:$0x3FB1]  }
0x2a: {  	p0 =	seq.s32 s5, $0x0;
	s5 =	sld [smem:$0x3FB2]  }
0x2b: {  	s6 =	sld [smem:$0x3FB3]  }
0x2c: {  	s7 =	sld [smem:$0x3FB4]  }
0x2d: {  	s3 =	simm.s32 $0x108;
	s8 =	sld [smem:$0x3FB5]  }
0x2e: {  	s3 =	simm.s32 @!p0 $0x1082;
	s9 =	sld [smem:$0x3FB6]  }
0x2f: {  	lr =	sadd.s32 s0, s3;
	s0 =	sld [smem:$0x3FAD]  }
0x30: {  	s3 =	sld [smem:$0x3FB0]  }
0x31: {  	[smem:$0x3FB9] =	sst s10  }
0x32: {  	s10 =	sld [smem:$0x3FB7];
	_ =	sdelay $0x3  }
0x33: {  	p0 =	seq.s32 s10, $0x1;
	s10 =	sld [smem:$0x3FB9];
	_ =	sdelay $0x3  }
0x34: {  	[smem:$0x3FB9] =	sst s10  }
0x35: {  	s10 =	sld [smem:$0x3FB8];
	_ =	sdelay $0x3  }
0x36: {  	p1 =	seq.s32 s10, $0x1;
	s10 =	sld [smem:$0x3FB9];
	_ =	sdelay $0x3  }
0x37: {  	[smem:$0x3FB9] =	sst s10  }
0x38: {  	s10 =	sld [smem:$0x3FBA]  }
0x39: {  	_ = 	snop;
	(pc) =	sbr.ind lr, $3  }
0x3a: {  	_ = 	snop  }
0x3b: {  	_ = 	snop  }
0x3c: {  	p2 =	seq.s32 s10, $0x1;
	s10 =	sld [smem:$0x3FB9]  }
0x3d: {  	_ =	shalt  }
0x3e: {  	_ =	shalt  }
0x3f: {  	_ =	shalt  }
0x40: {  	_ =	shalt  }
0x41: {  	_ =	shalt  }
0x42: {  	_ =	shalt  }
0x43: {  	_ =	shalt  }
0x44: {  	_ =	shalt  }
0x45: {  	_ =	shalt  }
0x46: {  	_ =	shalt  }
0x47: {  	_ =	shalt  }
0x48: {  	_ =	shalt  }
0x49: {  	_ =	shalt  }
0x4a: {  	_ =	shalt  }
0x4b: {  	_ =	shalt  }
0x4c: {  	_ =	shalt  }
0x4d: {  	_ =	shalt  }
0x4e: {  	_ =	shalt  }
0x4f: {  	_ =	shalt  }
0x50: {  	_ =	shalt  }
0x51: {  	_ =	shalt  }
0x52: {  	_ =	shalt  }
0x53: {  	_ =	shalt  }
0x54: {  	_ =	shalt  }
0x55: {  	_ =	shalt  }
0x56: {  	_ =	shalt  }
0x57: {  	_ =	shalt  }
0x58: {  	_ =	shalt  }
0x59: {  	_ =	shalt  }
0x5a: {  	_ =	shalt  }
0x5b: {  	_ =	shalt  }
0x5c: {  	_ =	shalt  }
0x5d: {  	_ =	shalt  }
0x5e: {  	_ =	shalt  }
0x5f: {  	_ =	shalt  }
0x60: {  	_ =	shalt  }
0x61: {  	_ =	shalt  }
0x62: {  	_ =	shalt  }
0x63: {  	_ =	shalt  }
0x64: {  	_ =	shalt  }
0x65: {  	_ =	shalt  }
0x66: {  	_ =	shalt  }
0x67: {  	_ =	shalt  }
0x68: {  	_ =	shalt  }
0x69: {  	_ =	shalt  }
0x6a: {  	_ =	shalt  }
0x6b: {  	_ =	shalt  }
0x6c: {  	_ =	shalt  }
0x6d: {  	_ =	shalt  }
0x6e: {  	_ =	shalt  }
0x6f: {  	_ =	shalt  }
0x70: {  	_ =	shalt  }
0x71: {  	_ =	shalt  }
0x72: {  	_ =	shalt  }
0x73: {  	_ =	shalt  }
0x74: {  	_ =	shalt  }
0x75: {  	_ =	shalt  }
0x76: {  	_ =	shalt  }
0x77: {  	_ =	shalt  }
0x78: {  	_ =	shalt  }
0x79: {  	_ =	shalt  }
0x7a: {  	_ =	shalt  }
0x7b: {  	_ =	shalt  }
0x7c: {  	_ =	shalt  }
0x7d: {  	_ =	shalt  }
0x7e: {  	_ =	shalt  }
0x7f: {  	_ =	shalt  }
0x80: {  	_ =	shalt  }
0x81: {  	_ =	shalt  }
0x82: {  	_ =	shalt  }
0x83: {  	_ =	shalt  }
0x84: {  	_ =	shalt  }
0x85: {  	_ =	shalt  }
0x86: {  	_ =	shalt  }
0x87: {  	_ =	shalt  }
.Lfunc_end0:
.L_simem_size_0:
called_computation_lowered:
.L_overlay_start_0:
0x88: {  	s2 =	sld [smem:$0x3FD9]  }
0x89: {  	s3 =	sld [smem:$0x3FFE];
	_ =	sdelay $0x1  }
0x8a: {  	s1 =	srdreg.scid  }
0x8b: {  	s0 =	sand.u32 $0x1, s1  }
0x8c: {  	s17 =	sshll.u32 s0, $0xA;
	s2 =	sadd.s32 s3, s2  }
0x8d: {  	s2 =	sadd.s32 s2, s17  }
0x8e: {  	[smem:$0x3FC5] =	sst s2  }
0x8f: {  	_ = 	snop  }
0x90: {  	s2 =	sld [smem:$0x3FC8]  }
0x91: {  	s18 =	sld [smem:$0x3FC7]  }
0x92: {  	s4 =	sld [smem:$0x3FD0];
	(tm) =	ssettm $0x1  }
0x93: {  	s5 =	sld [smem:$0x3FFB];
	_ =	sdelay $0x3  }
0x94: {  	_ =	strace s5  }
0x95: {  	s5 =	sld [smem:$0x3FFC];
	_ =	sdelay $0x3  }
0x96: {  	_ =	strace s5  }
0x97: {  	s5 =	sld [smem:$0x3FFD];
	_ =	sdelay $0x3  }
0x98: {  	_ =	strace s5  }
0x99: {  	_ =	strace $0x8FFFFFFF  }
0x9a: {  	s19 =	sld [smem:$0x3FDB];
	_ =	sdelay $0x1  }
0x9b: {  	s6 =	simm.s32 $_scs_section_size  }
0x9c: {  	s7 =	simm.s32 $_size__tile_overlayer_lowered;
	s8 =	simm.s32 $_tile_overlayer_lowered  }
0x9d: {  	s22 =	simm.s32 $0x1BFF;
	s21 =	sshll.u32 s8, $0x1;
	s5 =	sadd.s32 s6, s19  }
0x9e: {  	s9 =	simm.s32 $0x0;
	s20 =	sshll.u32 s7, $0x1;
	s7 =	sadd.s32 s21, s5  }
0x9f: {  	[timem:s9], [sflag:s22] =	dma.local [hbm:s7], s20  }
0xa0: {  	_ =	swait.ge [sflag:s22], s20  }
0xa1: {  	s6 =	ssub.s32 $0x0, s20;
	[sflag:s22] =	ssyncset.done $0x0  }
0xa2: {  	[sflag:s22] =	ssyncadd.s32 s6;
	_ =	sdelay $0x1  }
0xa3: {  	s23 =	simm.s32 $0x1B8B  }
0xa4: {  	_ =	swait.ge [sflag:s23], $0x1  }
0xa5: {  	[sflag:s23] =	ssyncset.done $0x0  }
0xa6: {  	s25 =	simm.s32 $0x1B8E;
	s24 =	sld [smem:$0x3FFE];
	[sflag:s23] =	ssyncadd.s32 $0xFFFFFFFF  }
0xa7: {  	s26 =	simm.s32 $execute0_lowered;
	[smem:$0x3FD2] =	sst s25  }
0xa8: {  	s7 =	sshll.u32 s26, $0x1;
	_ =	strace $0x80000046;
	[dreg:$0x1] =	wrdreg $0xFFFFFFFF  }
0xa9: {  	s28 =	simm.s32 $_size_execute0_lowered;
	s5 =	sadd.s32 s5, s7;
	[dreg:$0x0] =	wrdreg $0x0  }
0xaa: {  	s7 =	sshll.u32 s28, $0x1;
	[dreg:$0x2] =	wrdreg s5  }
0xab: {  	[dreg:$0x3] =	wrdreg s7  }
0xac: {  	[dreg:$0x4] =	wrdreg $0xC0  }
0xad: {  	_ =	task [dreg:s9], $0x5FFFF  }
0xae: {  	[dreg:$0x1] =	wrdreg $0xFFFFFFFF  }
0xaf: {  	[dreg:$0x0] =	wrdreg $0x60  }
0xb0: {  	[dreg:$0x2] =	wrdreg s2  }
0xb1: {  	[dreg:$0x3] =	wrdreg s18  }
0xb2: {  	[dreg:$0x4] =	wrdreg s24  }
0xb3: {  	[dreg:$0x5] =	wrdreg s4  }
0xb4: {  	[dreg:$0x6] =	wrdreg $0x9  }
0xb5: {  	_ =	task.clear_ibuf [dreg:s9], $0x7FFFF;
	_ =	strace $0x90000046  }
0xb6: {  	s29 =	simm.s32 $0x9;
	_ =	strace $0x80000048  }
0xb7: {  	_ =	swait.ge [sflag:s29], $0x1  }
0xb8: {  	[sflag:s29] =	ssyncadd.s32 $0xFFFFFFFF  }
0xb9: {  	_ =	strace $0x90000048  }
0xba: {  	_ =	sfence  }
0xbb: {  	s30 =	sld [smem:$0x0];
	_ =	sdelay $0x2  }
0xbc: {  	s31 =	sshll.u32 s1, $0xD;
	s1 =	sshrl.u32 s1, $0x2  }
0xbd: {  	s3 =	sand.u32 $0x4000, s31;
	s1 =	sadd.s32 s1, s30  }
0xbe: {  	s0 =	sor.u32 s3, s0;
	s1 =	sshll.u32 s1, $0x11  }
0xbf: {  	s0 =	sor.u32 s1, s0  }
0xc0: {  	s0 =	sadd.s32 $0x8F2B, s0  }
0xc1: {  	[sflag:s0] =	ssyncadd.remote.s32 $0x1  }
0xc2: {  	_ =	sfence.sel $0xFFFF  }
0xc3: {  	[dreg:$0x0] =	wrdreg $0xFFFFFFFF;
	(pc) =	sbr.abs _section_cstart, $3  }
0xc4: {  	[dreg:$0x1] =	wrdreg $0xFFFFFFFF  }
0xc5: {  	_ =	task.clear_ibuf [dreg:s9], $0x2FFFF;
	_ =	strace $0x9FFFFFFF  }
0xc6: {  	(tm) =	ssettm $0x7FFFFFFF  }
0xc7: {  	_ =	shalt  }
tec
execute0_lowered:
.L_overlay_start_1:
0x0: {  	(tag) =	ssettag $0x1  }
0x1: {  	v0 =	vimm.s32 $0x3800;
	vm3 =	vcmask $0x300;
	vm2 =	vcmask $0x704  }
0x2: {  	vm1 =	vcmask $0xB08;
	vm0 =	vcmask $0xF0C;
	v1 =	vimm.s32 $0x3880  }
0x3: {  	v2 =	vimm.s32 $0x3900;
	vm7 =	vcmask $0x1310;
	vm8 =	vcmask $0x1714  }
0x4: {  	vm9 =	vcmask $0x1B18;
	v16 =	vimm.s32 $0x3980;
	v17 =	vimm.s32 $0x3A00  }
0x5: {  	v18 =	vimm.s32 $0x3A80;
	v21 =	vimm.s32 $0x3B00;
	v22 =	vimm.s32 $0x3B80  }
0x6: {  	v23 =	vimm.s32 $0x3C00;
	v26 =	vimm.s32 $0x3C80;
	v27 =	vimm.s32 $0x3D00  }
0x7: {  	v28 =	vimm.s32 $0x3D80;
	v31 =	vimm.s32 $0x3E00;
	v32 =	vimm.s32 $0x3E80  }
0x8: {  	v33 =	vimm.s32 $0x3F00;
	v36 =	vimm.s32 $0x3F80;
	v37 =	vimm.s32 $0x7800  }
0x9: {  	vm6 =	vcmask $0x2300;
	vm5 =	vcmask $0x2724;
	vm4 =	vcmask $0x2B28  }
0xa: {  	vm12 =	vcmask $0x2F2C;
	vm13 =	vcmask $0x3330;
	vm14 =	vcmask $0x3734  }
0xb: {  	vm15 =	vcmask $0x3B38;
	v39 =	vimm.s32 $0x7880;
	v40 =	vimm.s32 $0x7900  }
0xc: {  	v41 =	vimm.s32 $0x7980;
	v44 =	vimm.s32 $0x7A00;
	v45 =	vimm.s32 $0x7A80  }
0xd: {  	v46 =	vimm.s32 $0x7B00;
	v49 =	vimm.s32 $0x7B80;
	v50 =	vimm.s32 $0x7C00  }
0xe: {  	v51 =	vimm.s32 $0x7C80;
	v54 =	vimm.s32 $0x7D00;
	v55 =	vimm.s32 $0x7D80  }
0xf: {  	v56 =	vimm.s32 $0x7E00;
	v59 =	vimm.s32 $0x7E80;
	v0 =	vsel vm3, $0x0, v0  }
0x10: {  	v60 =	vimm.s32 $0x7F00;
	v61 =	vimm.s32 $0x7F80;
	v0 =	vsel vm2, $0x800, v0  }
0x11: {  	v1 =	vsel vm3, $0x80, v1;
	v2 =	vsel vm3, $0x100, v2;
	v0 =	vsel vm1, $0x1000, v0  }
0x12: {  	v1 =	vsel vm2, $0x880, v1;
	v2 =	vsel vm2, $0x900, v2;
	v0 =	vsel vm0, $0x1800, v0  }
0x13: {  	v1 =	vsel vm1, $0x1080, v1;
	v2 =	vsel vm1, $0x1100, v2;
	v0 =	vsel vm7, $0x2000, v0  }
0x14: {  	v1 =	vsel vm0, $0x1880, v1;
	v2 =	vsel vm0, $0x1900, v2;
	v0 =	vsel vm8, $0x2800, v0  }
0x15: {  	v1 =	vsel vm7, $0x2080, v1;
	v2 =	vsel vm7, $0x2100, v2;
	v0 =	vsel vm9, $0x3000, v0  }
0x16: {  	v1 =	vsel vm8, $0x2880, v1;
	v2 =	vsel vm8, $0x2900, v2;
	[tilespmem:$0x1FE00] =	vst v0;
	v0 =	vsel vm3, $0x180, v16  }
0x17: {  	v14 =	vsel vm9, $0x3080, v1;
	v15 =	vsel vm9, $0x3100, v2;
	v0 =	vsel vm2, $0x980, v0  }
0x18: {  	v1 =	vsel vm3, $0x200, v17;
	v2 =	vsel vm3, $0x280, v18;
	v0 =	vsel vm1, $0x1180, v0  }
0x19: {  	v1 =	vsel vm2, $0xA00, v1;
	v2 =	vsel vm2, $0xA80, v2;
	v0 =	vsel vm0, $0x1980, v0  }
0x1a: {  	v1 =	vsel vm1, $0x1200, v1;
	v2 =	vsel vm1, $0x1280, v2;
	v0 =	vsel vm7, $0x2180, v0  }
0x1b: {  	v1 =	vsel vm0, $0x1A00, v1;
	v2 =	vsel vm0, $0x1A80, v2;
	v0 =	vsel vm8, $0x2980, v0  }
0x1c: {  	v1 =	vsel vm7, $0x2200, v1;
	v2 =	vsel vm7, $0x2280, v2;
	v0 =	vsel vm9, $0x3180, v0  }
0x1d: {  	v1 =	vsel vm8, $0x2A00, v1;
	v2 =	vsel vm8, $0x2A80, v2;
	[tilespmem:$0x1FE30] =	vst v0;
	v0 =	vsel vm3, $0x300, v21  }
0x1e: {  	v19 =	vsel vm9, $0x3200, v1;
	v20 =	vsel vm9, $0x3280, v2;
	v0 =	vsel vm2, $0xB00, v0  }
0x1f: {  	v1 =	vsel vm3, $0x380, v22;
	v2 =	vsel vm3, $0x400, v23;
	v0 =	vsel vm1, $0x1300, v0  }
0x20: {  	v1 =	vsel vm2, $0xB80, v1;
	v2 =	vsel vm2, $0xC00, v2;
	v0 =	vsel vm0, $0x1B00, v0  }
0x21: {  	v1 =	vsel vm1, $0x1380, v1;
	v2 =	vsel vm1, $0x1400, v2;
	v0 =	vsel vm7, $0x2300, v0  }
0x22: {  	v1 =	vsel vm0, $0x1B80, v1;
	v2 =	vsel vm0, $0x1C00, v2;
	v0 =	vsel vm8, $0x2B00, v0  }
0x23: {  	v1 =	vsel vm7, $0x2380, v1;
	v2 =	vsel vm7, $0x2400, v2;
	v0 =	vsel vm9, $0x3300, v0  }
0x24: {  	v1 =	vsel vm8, $0x2B80, v1;
	v2 =	vsel vm8, $0x2C00, v2;
	[tilespmem:$0x1FE60] =	vst v0;
	v0 =	vsel vm3, $0x480, v26  }
0x25: {  	v24 =	vsel vm9, $0x3380, v1;
	v25 =	vsel vm9, $0x3400, v2;
	v0 =	vsel vm2, $0xC80, v0  }
0x26: {  	v1 =	vsel vm3, $0x500, v27;
	v2 =	vsel vm3, $0x580, v28;
	v0 =	vsel vm1, $0x1480, v0  }
0x27: {  	v1 =	vsel vm2, $0xD00, v1;
	v2 =	vsel vm2, $0xD80, v2;
	v0 =	vsel vm0, $0x1C80, v0  }
0x28: {  	v1 =	vsel vm1, $0x1500, v1;
	v2 =	vsel vm1, $0x1580, v2;
	v0 =	vsel vm7, $0x2480, v0  }
0x29: {  	v1 =	vsel vm0, $0x1D00, v1;
	v2 =	vsel vm0, $0x1D80, v2;
	v0 =	vsel vm8, $0x2C80, v0  }
0x2a: {  	v1 =	vsel vm7, $0x2500, v1;
	v2 =	vsel vm7, $0x2580, v2;
	v0 =	vsel vm9, $0x3480, v0  }
0x2b: {  	v1 =	vsel vm8, $0x2D00, v1;
	v2 =	vsel vm8, $0x2D80, v2;
	[tilespmem:$0x1FE90] =	vst v0;
	v0 =	vsel vm3, $0x600, v31  }
0x2c: {  	v29 =	vsel vm9, $0x3500, v1;
	v30 =	vsel vm9, $0x3580, v2;
	v0 =	vsel vm2, $0xE00, v0  }
0x2d: {  	v1 =	vsel vm3, $0x680, v32;
	v2 =	vsel vm3, $0x700, v33;
	v0 =	vsel vm1, $0x1600, v0  }
0x2e: {  	v1 =	vsel vm2, $0xE80, v1;
	v2 =	vsel vm2, $0xF00, v2;
	v0 =	vsel vm0, $0x1E00, v0  }
0x2f: {  	v1 =	vsel vm1, $0x1680, v1;
	v2 =	vsel vm1, $0x1700, v2;
	v0 =	vsel vm7, $0x2600, v0  }
0x30: {  	v1 =	vsel vm0, $0x1E80, v1;
	v2 =	vsel vm0, $0x1F00, v2;
	v0 =	vsel vm8, $0x2E00, v0  }
0x31: {  	v1 =	vsel vm7, $0x2680, v1;
	v2 =	vsel vm7, $0x2700, v2;
	v0 =	vsel vm9, $0x3600, v0  }
0x32: {  	v1 =	vsel vm8, $0x2E80, v1;
	v2 =	vsel vm8, $0x2F00, v2;
	[tilespmem:$0x1FEC0] =	vst v0;
	v0 =	vsel vm3, $0x780, v36  }
0x33: {  	v34 =	vsel vm9, $0x3680, v1;
	v35 =	vsel vm9, $0x3700, v2;
	v0 =	vsel vm2, $0xF80, v0  }
0x34: {  	v1 =	vsel vm6, $0x4000, v37;
	v2 =	vsel vm6, $0x4180, v41;
	v0 =	vsel vm1, $0x1780, v0  }
0x35: {  	v1 =	vsel vm5, $0x4800, v1;
	v2 =	vsel vm5, $0x4980, v2;
	v0 =	vsel vm0, $0x1F80, v0  }
0x36: {  	v1 =	vsel vm4, $0x5000, v1;
	v2 =	vsel vm4, $0x5180, v2;
	v0 =	vsel vm7, $0x2780, v0  }
0x37: {  	v1 =	vsel vm12, $0x5800, v1;
	v2 =	vsel vm12, $0x5980, v2;
	v0 =	vsel vm8, $0x2F80, v0  }
0x38: {  	v1 =	vsel vm13, $0x6000, v1;
	v2 =	vsel vm13, $0x6180, v2;
	v0 =	vsel vm9, $0x3780, v0  }
0x39: {  	v1 =	vsel vm14, $0x6800, v1;
	v2 =	vsel vm14, $0x6980, v2;
	[tilespmem:$0x1FEF0] =	vst v0;
	v0 =	vsel vm6, $0x4080, v39  }
0x3a: {  	v38 =	vsel vm15, $0x7000, v1;
	v1 =	vsel vm6, $0x4100, v40;
	v0 =	vsel vm5, $0x4880, v0  }
0x3b: {  	v43 =	vsel vm15, $0x7180, v2;
	v2 =	vsel vm6, $0x4300, v46;
	v0 =	vsel vm4, $0x5080, v0  }
0x3c: {  	v1 =	vsel vm5, $0x4900, v1;
	v2 =	vsel vm5, $0x4B00, v2;
	v0 =	vsel vm12, $0x5880, v0  }
0x3d: {  	[tilespmem:$0x1FE10] =	vst v14;
	v1 =	vsel vm4, $0x5100, v1;
	v2 =	vsel vm4, $0x5300, v2;
	v0 =	vsel vm13, $0x6080, v0  }
0x3e: {  	[tilespmem:$0x1FE20] =	vst v15;
	v1 =	vsel vm12, $0x5900, v1;
	v2 =	vsel vm12, $0x5B00, v2;
	v0 =	vsel vm14, $0x6880, v0  }
0x3f: {  	[tilespmem:$0x1FE40] =	vst v19;
	v1 =	vsel vm13, $0x6100, v1;
	v2 =	vsel vm13, $0x6300, v2;
	v0 =	vsel vm15, $0x7080, v0  }
0x40: {  	v1 =	vsel vm14, $0x6900, v1;
	v2 =	vsel vm14, $0x6B00, v2;
	[tilespmem:$0x1FF10] =	vst v0;
	v0 =	vsel vm6, $0x4200, v44  }
0x41: {  	[tilespmem:$0x1FE50] =	vst v20;
	v42 =	vsel vm15, $0x7100, v1;
	v1 =	vsel vm6, $0x4280, v45;
	v0 =	vsel vm5, $0x4A00, v0  }
0x42: {  	[tilespmem:$0x1FE70] =	vst v24;
	v48 =	vsel vm15, $0x7300, v2;
	v2 =	vsel vm6, $0x4480, v51;
	v0 =	vsel vm4, $0x5200, v0  }
0x43: {  	[tilespmem:$0x1FE80] =	vst v25;
	v1 =	vsel vm5, $0x4A80, v1;
	v2 =	vsel vm5, $0x4C80, v2;
	v0 =	vsel vm12, $0x5A00, v0  }
0x44: {  	[tilespmem:$0x1FEA0] =	vst v29;
	v1 =	vsel vm4, $0x5280, v1;
	v2 =	vsel vm4, $0x5480, v2;
	v0 =	vsel vm13, $0x6200, v0  }
0x45: {  	[tilespmem:$0x1FEB0] =	vst v30;
	v1 =	vsel vm12, $0x5A80, v1;
	v2 =	vsel vm12, $0x5C80, v2;
	v0 =	vsel vm14, $0x6A00, v0  }
0x46: {  	[tilespmem:$0x1FED0] =	vst v34;
	v1 =	vsel vm13, $0x6280, v1;
	v2 =	vsel vm13, $0x6480, v2;
	v0 =	vsel vm15, $0x7200, v0  }
0x47: {  	v1 =	vsel vm14, $0x6A80, v1;
	v2 =	vsel vm14, $0x6C80, v2;
	[tilespmem:$0x1FF40] =	vst v0;
	v0 =	vsel vm6, $0x4380, v49  }
0x48: {  	[tilespmem:$0x1FEE0] =	vst v35;
	v47 =	vsel vm15, $0x7280, v1;
	v1 =	vsel vm6, $0x4400, v50;
	v0 =	vsel vm5, $0x4B80, v0  }
0x49: {  	s0 =	rddreg [dreg:$0x0];
	[tilespmem:$0x1FF00] =	vst v38;
	v53 =	vsel vm15, $0x7480, v2;
	v1 =	vsel vm5, $0x4C00, v1;
	v0 =	vsel vm4, $0x5380, v0  }
0x4a: {  	s1 =	rddreg [dreg:$0x1];
	[tilespmem:$0x1FF30] =	vst v43;
	v2 =	vsel vm6, $0x4600, v56;
	v1 =	vsel vm4, $0x5400, v1;
	v0 =	vsel vm12, $0x5B80, v0  }
0x4b: {  	s2 =	rddreg [dreg:$0x2];
	s12 =	simm.s32 $0x10400;
	s14 =	simm.s32 $0x10C00;
	[tilespmem:$0x1FF20] =	vst v42;
	v2 =	vsel vm5, $0x4E00, v2;
	v1 =	vsel vm12, $0x5C00, v1;
	v0 =	vsel vm13, $0x6380, v0  }
0x4c: {  	s3 =	rddreg [dreg:$0x3];
	s11 =	simm.s32 $0x0;
	s15 =	simm.s32 $0x7A1400;
	[tilespmem:$0x1FF60] =	vst v48;
	v2 =	vsel vm4, $0x5600, v2;
	v1 =	vsel vm13, $0x6400, v1;
	v0 =	vsel vm14, $0x6B80, v0  }
0x4d: {  	s4 =	srdreg.scid;
	s16 =	simm.s32 $0x400;
	[smem:$0x7FF] =	sst s11;
	[tilespmem:$0x1FF50] =	vst v47;
	v2 =	vsel vm12, $0x5E00, v2;
	v1 =	vsel vm14, $0x6C00, v1;
	v0 =	vsel vm15, $0x7380, v0  }
0x4e: {  	s5 =	stileid.u32;
	s13 =	simm.s32 $0x3;
	v52 =	vsel vm15, $0x7400, v1;
	v1 =	vsel vm6, $0x4580, v55;
	_ =	strace $0x80000047;
	[tilespmem:$0x1FF70] =	vst v0;
	v0 =	vsel vm6, $0x4500, v54  }
0x4f: {  	s17 =	simm.s32 $0x8400;
	s18 =	simm.s32 $0xC00;
	s19 =	simm.s32 $0x8C00;
	v2 =	vsel vm13, $0x6600, v2;
	v1 =	vsel vm5, $0x4D80, v1;
	v0 =	vsel vm5, $0x4D00, v0  }
0x50: {  	s20 =	simm.s32 $0x1400;
	s21 =	simm.s32 $0x9400;
	s28 =	simm.s32 $0xAC00;
	v2 =	vsel vm14, $0x6E00, v2;
	v1 =	vsel vm4, $0x5580, v1;
	v0 =	vsel vm4, $0x5500, v0  }
0x51: {  	s29 =	simm.s32 $0x3400;
	s30 =	simm.s32 $0xB400;
	s31 =	simm.s32 $0x3C00;
	v58 =	vsel vm15, $0x7600, v2;
	v1 =	vsel vm12, $0x5D80, v1;
	v0 =	vsel vm12, $0x5D00, v0  }
0x52: {  	s8 =	simm.s32 $0xFC00;
	s9 =	simm.s32 $0x1;
	s4 =	sand.u32 $0x1, s4;
	v2 =	vsel vm6, $0x4780, v61;
	v1 =	vsel vm13, $0x6580, v1;
	v0 =	vsel vm13, $0x6500, v0  }
0x53: {  	s10 =	simm.s32 $0x2;
	s5 =	sshll.u32 s5, $0x7;
	s6 =	sshll.u32 s4, $0x6;
	v2 =	vsel vm5, $0x4F80, v2;
	v1 =	vsel vm14, $0x6D80, v1;
	v0 =	vsel vm14, $0x6D00, v0  }
0x54: {  	s7 =	sadd.s32 $0x1A00, s2;
	s23 =	sadd.s32 $0x1800, s2;
	s5 =	sor.u32 s6, s5;
	v57 =	vsel vm15, $0x7580, v1;
	v1 =	vsel vm6, $0x4700, v60;
	v0 =	vsel vm15, $0x7500, v0  }
0x55: {  	s4 =	ssub.s32 $0x2, s4;
	s2 =	sadd.s32 s5, s2;
	v2 =	vsel vm4, $0x5780, v2;
	[dreg:$0x5] =	wrdreg s7;
	v1 =	vsel vm5, $0x4F00, v1;
	[tilespmem:$0x1FFA0] =	vst v0;
	v0 =	vsel vm6, $0x4680, v59  }
0x56: {  	s22 =	sshrl.u32 s4, $0x1;
	s24 =	sadd.s32 $0x1000, s2;
	[tilespmem:$0x1FF80] =	vst v52;
	[dreg:$0x6] =	wrdreg s23;
	v2 =	vsel vm12, $0x5F80, v2;
	v1 =	vsel vm4, $0x5700, v1;
	v0 =	vsel vm5, $0x4E80, v0  }
0x57: {  	s4 =	ssub.s32 s4, s22;
	s2 =	sadd.s32 $0x800, s2;
	[tilespmem:$0x1FF90] =	vst v53;
	[dreg:$0x7] =	wrdreg s24;
	v2 =	vsel vm13, $0x6780, v2;
	v1 =	vsel vm12, $0x5F00, v1;
	v0 =	vsel vm4, $0x5680, v0  }
.Ltmp0:
0x58: {  	s25 =	sadd.s32 s3, s5;
	[dreg:$0x8] =	wrdreg s2;
	[tilespmem:$0x1FFC0] =	vst v58;
	v2 =	vsel vm14, $0x6F80, v2;
	v1 =	vsel vm13, $0x6700, v1;
	v0 =	vsel vm12, $0x5E80, v0;
	(pc) =	sbr.rel .LBB2_1-.Ltmp0, $4  }
0x59: {  	s6 =	simm.s32 $0xF400;
	s26 =	smax.u32 s4, $0x1;
	[dreg:$0x9] =	wrdreg s25;
	v63 =	vsel vm15, $0x7780, v2;
	[tilespmem:$0x1FFB0] =	vst v57;
	v1 =	vsel vm14, $0x6F00, v1;
	v0 =	vsel vm13, $0x6680, v0  }
0x5a: {  	s22 =	simm.s32 $0x1C00;
	s4 =	simm.s32 $0x0;
	[dreg:$0xa] =	wrdreg s26;
	[tilespmem:$0x1FFF0] =	vst v63;
	v62 =	vsel vm15, $0x7700, v1;
	v0 =	vsel vm14, $0x6E80, v0  }
0x5b: {  	s23 =	simm.s32 $0x9C00;
	s24 =	simm.s32 $0x2400;
	s25 =	simm.s32 $0xA400;
	[tilespmem:$0x1FFE0] =	vst v62;
	v0 =	vsel vm15, $0x7680, v0  }
0x5c: {  	s26 =	simm.s32 $0x2C00;
	s2 =	simm.s32 $0xBC00;
	s7 =	simm.s32 $0x7C00;
	[tilespmem:$0x1FFD0] =	vst v0  }
.LBB2_8:
0x5d: {  	s11 =	simm.s32 $0x0  }
0x5e: {  	s3 =	rddreg [dreg:$0x9];
	s4 =	simm.s32 $0x11400;
	s13 =	simm.s32 $0x3  }
0x5f: {  	[hbm4b:s3+s11] =	stream.linear.scatter [tilespmem:s4], [sflag:$0x3], $0x200, $0x38;
	[tilespmem:$0x11600] =	vst v63  }
0x60: {  	_ =	swait.ge [sflag:s13], $0x200  }
0x61: {  	s3 =	rddreg [dreg:$0xb]  }
0x62: {  	s5 =	rddreg [dreg:$0xa];
	s4 =	sadd.s32 $0x1, s3  }
0x63: {  	p0 =	sne.s32 s4, s5  }
.Ltmp1:
0x64: {  	_ = 	snop;
	(pc) =	sbr.rel @!p0 .LBB2_9-.Ltmp1, $3  }
0x65: {  	_ =	sdelay $0x1  }
0x66: {  	[sflag:s13] =	ssyncset.done $0x0  }
0x67: {  	[sflag:s13] =	ssyncadd.s32 $0xFFFFFE00  }
.LBB2_1:
0x68: {  	[dreg:$0xb] =	wrdreg s4  }
0x69: {  	s3 =	rddreg [dreg:$0x7]  }
0x6a: {  	[tilespmem:s11], [sflag:$0x3] =	stream.linear.gather [hbm4b:s3+s11], $0x200, $0x38;
	[tilespmem:$0x11600] =	vst v63  }
0x6b: {  	_ =	swait.ge [sflag:s13], $0x200  }
0x6c: {  	[sflag:s13] =	ssyncset.done $0x0  }
0x6d: {  	s5 =	simm.s32 $0x200;
	s4 =	rddreg [dreg:$0x8];
	[sflag:s13] =	ssyncadd.s32 $0xFFFFFE00  }
0x6e: {  	[tilespmem:s5], [sflag:$0x3] =	stream.linear.gather [hbm4b:s4+s11], $0x200, $0x38;
	[tilespmem:$0x11600] =	vst v63  }
0x6f: {  	_ =	swait.ge [sflag:s13], $0x200  }
0x70: {  	[sflag:s13] =	ssyncset.done $0x0  }
0x71: {  	s4 =	rddreg [dreg:$0x5];
	[sflag:s13] =	ssyncadd.s32 $0xFFFFFE00  }
0x72: {  	[tilespmem:s12], [sflag:$0x3] =	stream.linear.gather [hbm4b:s4+s11], $0x800, $0x38;
	[tilespmem:$0x11600] =	vst v63  }
0x73: {  	_ =	swait.ge [sflag:s13], $0x800  }
0x74: {  	[sflag:s13] =	ssyncset.done $0x0  }
0x75: {  	s5 =	rddreg [dreg:$0x6];
	[sflag:s13] =	ssyncadd.s32 $0xFFFFF800  }
0x76: {  	[tilespmem:s14], [sflag:$0x3] =	stream.linear.gather [hbm4b:s5+s11], $0x800, $0x38;
	[tilespmem:$0x11600] =	vst v63  }
0x77: {  	_ =	swait.ge [sflag:s13], $0x800  }
0x78: {  	[sflag:s13] =	ssyncset.done $0x0  }
0x79: {  	[sflag:s13] =	ssyncadd.s32 $0xFFFFF800  }
0x7a: {  	v0 =	vld [tilespmem:$0x0];
	_ =	sdelay $0x1  }
0x7b: {  	v1 =	vld [tilespmem:$0x200];
	_ =	sdelay $0x2  }
0x7c: {  	v0 =	vand.u32 $0xFFFFFF80, v0  }
0x7d: {  	vm0 =	vlt.s32 v0, $0xF4180  }
0x7e: {  	v1 =	vand.u32 $0xFFFFFF80, v1;
	v0 =	vnsel vm0, $0xF4180, v0  }
0x7f: {  	vm15 =	vlt.s32 v1, $0xF4180;
	v0 =	vadd.s32 s0, v0  }
0x80: {  	v1 =	vnsel vm15, $0xF4180, v1;
	(v2sf) =	vpush v0, $0x0  }
0x81: {  	v1 =	vadd.s32 s1, v1  }
0x82: {  	(v2sf) =	vpush v1, $0x0;
	_ =	sdelay $0x1  }
0x83: {  	(v2sf) =	vpush v0, $0x1;
	_ =	sdelay $0x1  }
0x84: {  	(v2sf) =	vpush v1, $0x1;
	_ =	sdelay $0x1  }
0x85: {  	(v2sf) =	vpush v0, $0x2;
	_ =	sdelay $0x1  }
0x86: {  	(v2sf) =	vpush v1, $0x2;
	_ =	sdelay $0x1  }
0x87: {  	(v2sf) =	vpush v0, $0x3;
	_ =	sdelay $0x1  }
0x88: {  	(v2sf) =	vpush v1, $0x3  }
0x89: {  	s4 =	spop (v2sf)  }
0x8a: {  	(v2sf) =	vpush v0, $0x4;
	[tilespmem:s16], [sflag:$0x1] =	stream.strided.gather [hbm4b:s4+s16], $0x800, s15, s16, $0x38;
	[tilespmem:$0x11600] =	vst v63  }
0x8b: {  	s5 =	spop (v2sf)  }
0x8c: {  	(v2sf) =	vpush v1, $0x4;
	[tilespmem:s17], [sflag:$0x1] =	stream.strided.gather [hbm4b:s5+s16], $0x800, s15, s16, $0x38;
	[tilespmem:$0x11600] =	vst v63  }
0x8d: {  	s11 =	spop (v2sf)  }
0x8e: {  	(v2sf) =	vpush v0, $0x5;
	[tilespmem:s18], [sflag:$0x1] =	stream.strided.gather [hbm4b:s11+s16], $0x800, s15, s16, $0x38;
	[tilespmem:$0x11600] =	vst v63  }
0x8f: {  	s13 =	spop (v2sf)  }
0x90: {  	(v2sf) =	vpush v1, $0x5;
	[tilespmem:s19], [sflag:$0x1] =	stream.strided.gather [hbm4b:s13+s16], $0x800, s15, s16, $0x38;
	[tilespmem:$0x11600] =	vst v63  }
0x91: {  	s4 =	spop (v2sf)  }
0x92: {  	(v2sf) =	vpush v0, $0x6;
	[tilespmem:s20], [sflag:$0x1] =	stream.strided.gather [hbm4b:s4+s16], $0x800, s15, s16, $0x38;
	[tilespmem:$0x11600] =	vst v63  }
0x93: {  	s5 =	spop (v2sf)  }
0x94: {  	(v2sf) =	vpush v1, $0x6;
	[tilespmem:s21], [sflag:$0x1] =	stream.strided.gather [hbm4b:s5+s16], $0x800, s15, s16, $0x38;
	[tilespmem:$0x11600] =	vst v63  }
0x95: {  	s11 =	spop (v2sf)  }
0x96: {  	[tilespmem:s22], [sflag:$0x1] =	stream.strided.gather [hbm4b:s11+s16], $0x800, s15, s16, $0x38;
	[tilespmem:$0x11600] =	vst v63  }
0x97: {  	(v2sf) =	vpush v0, $0x7;
	s13 =	spop (v2sf)  }
0x98: {  	[tilespmem:s23], [sflag:$0x1] =	stream.strided.gather [hbm4b:s13+s16], $0x800, s15, s16, $0x38;
	[tilespmem:$0x11600] =	vst v63  }
0x99: {  	(v2sf) =	vpush v1, $0x7;
	s4 =	spop (v2sf)  }
0x9a: {  	[tilespmem:s24], [sflag:$0x1] =	stream.strided.gather [hbm4b:s4+s16], $0x800, s15, s16, $0x38;
	[tilespmem:$0x11600] =	vst v63  }
0x9b: {  	s5 =	spop (v2sf)  }
0x9c: {  	[tilespmem:s25], [sflag:$0x1] =	stream.strided.gather [hbm4b:s5+s16], $0x800, s15, s16, $0x38;
	[tilespmem:$0x11600] =	vst v63  }
0x9d: {  	s11 =	spop (v2sf)  }
0x9e: {  	[tilespmem:s26], [sflag:$0x1] =	stream.strided.gather [hbm4b:s11+s16], $0x800, s15, s16, $0x38;
	[tilespmem:$0x11600] =	vst v63  }
0x9f: {  	s13 =	spop (v2sf)  }
0xa0: {  	[tilespmem:s28], [sflag:$0x1] =	stream.strided.gather [hbm4b:s13+s16], $0x800, s15, s16, $0x38;
	[tilespmem:$0x11600] =	vst v63  }
0xa1: {  	s4 =	spop (v2sf)  }
0xa2: {  	[tilespmem:s29], [sflag:$0x1] =	stream.strided.gather [hbm4b:s4+s16], $0x800, s15, s16, $0x38;
	[tilespmem:$0x11600] =	vst v63  }
0xa3: {  	s5 =	spop (v2sf)  }
0xa4: {  	[tilespmem:s30], [sflag:$0x1] =	stream.strided.gather [hbm4b:s5+s16], $0x800, s15, s16, $0x38;
	[tilespmem:$0x11600] =	vst v63  }
.Ltmp2:
0xa5: {  	_ = 	snop;
	(pc) =	sbr.rel .LBB2_2-.Ltmp2, $4  }
0xa6: {  	s11 =	spop (v2sf)  }
0xa7: {  	[tilespmem:s31], [sflag:$0x1] =	stream.strided.gather [hbm4b:s11+s16], $0x800, s15, s16, $0x38;
	[tilespmem:$0x11600] =	vst v63  }
0xa8: {  	s3 =	simm.s32 $0x0;
	s13 =	spop (v2sf)  }
0xa9: {  	[tilespmem:s2], [sflag:$0x1] =	stream.strided.gather [hbm4b:s13+s16], $0x800, s15, s16, $0x38;
	[tilespmem:$0x11600] =	vst v63  }
.LBB2_7:
0xaa: {  	s3 =	sadd.s32 $0x40, s3  }
0xab: {  	p0 =	sne.s32 s3, $0x800  }
.Ltmp3:
0xac: {  	_ = 	snop;
	(pc) =	sbr.rel @!p0 .LBB2_8-.Ltmp3, $1  }
0xad: {  	_ =	sdelay $0x3  }
.LBB2_2:
0xae: {  	s13 =	sshra.s32 s3, $0x2  }
0xaf: {  	v0 =	vld [tilespmem:s13+$0x0]  }
0xb0: {  	v1 =	vld [tilespmem:s13+$0x200];
	_ =	sdelay $0x4  }
0xb1: {  	vm1 =	vgt.s32 v0, $0xF41FF;
	vm0 =	vgt.s32 v1, $0xF41FF  }
0xb2: {  	v2 =	vimm.s32 $0x0;
	vm2 =	vmor vm1, vm0  }
0xb3: {  	v2 =	vsel vm2, $0x1, v2  }
0xb4: {  	v2 =	vor.u32 $0x80000000, v2  }
0xb5: {  	(xrf0) =	vmax.scan.msk.u32 $0xffff, v2;
	_ =	sdelay $0x3  }
0xb6: {  	v2 =	vand.u32 $0xFFFFFF80, v0  }
0xb7: {  	vm2 =	vlt.s32 v2, $0xF4180  }
0xb8: {  	v4 =	vand.u32 $0xFFFFFF80, v1;
	v2 =	vnsel vm2, $0xF4180, v2;
	v3, _, _ =	vpop (xrf0)  }
0xb9: {  	vm2 =	vlt.s32 v4, $0xF4180;
	v2 =	vadd.s32 s0, v2;
	(v2sf) =	vpush v3, $0xF  }
0xba: {  	v3 =	vnsel vm2, $0xF4180, v4;
	(v2sf) =	vpush v2, $0x8  }
0xbb: {  	v3 =	vadd.s32 s1, v3  }
0xbc: {  	(v2sf) =	vpush v3, $0x8;
	_ =	sdelay $0x1  }
0xbd: {  	(v2sf) =	vpush v2, $0x9;
	_ =	sdelay $0x1  }
0xbe: {  	(v2sf) =	vpush v3, $0x9;
	_ =	sdelay $0x1  }
0xbf: {  	(v2sf) =	vpush v2, $0xA;
	_ =	sdelay $0x1  }
0xc0: {  	(v2sf) =	vpush v3, $0xA;
	_ =	sdelay $0x1  }
0xc1: {  	(v2sf) =	vpush v2, $0xB;
	_ =	sdelay $0x1  }
0xc2: {  	s4 =	spop (v2sf);
	(v2sf) =	vpush v3, $0xB  }
0xc3: {  	s5 =	simm.s32 $0x4400;
	s11 =	spop (v2sf)  }
0xc4: {  	(v2sf) =	vpush v2, $0xC;
	[tilespmem:s5], [sflag:$0x2] =	stream.strided.gather [hbm4b:s11+s16], $0x800, s15, s16, $0x38;
	[tilespmem:$0x11600] =	vst v63  }
0xc5: {  	s11 =	spop (v2sf);
	s5 =	simm.s32 $0xC400  }
0xc6: {  	(v2sf) =	vpush v3, $0xC;
	[tilespmem:s5], [sflag:$0x2] =	stream.strided.gather [hbm4b:s11+s16], $0x800, s15, s16, $0x38;
	[tilespmem:$0x11600] =	vst v63  }
0xc7: {  	s11 =	spop (v2sf);
	s5 =	simm.s32 $0x4C00  }
0xc8: {  	(v2sf) =	vpush v2, $0xD;
	[tilespmem:s5], [sflag:$0x2] =	stream.strided.gather [hbm4b:s11+s16], $0x800, s15, s16, $0x38;
	[tilespmem:$0x11600] =	vst v63  }
0xc9: {  	s11 =	spop (v2sf);
	s5 =	simm.s32 $0xCC00  }
0xca: {  	(v2sf) =	vpush v3, $0xD;
	[tilespmem:s5], [sflag:$0x2] =	stream.strided.gather [hbm4b:s11+s16], $0x800, s15, s16, $0x38;
	[tilespmem:$0x11600] =	vst v63  }
0xcb: {  	s11 =	spop (v2sf);
	s5 =	simm.s32 $0x5400  }
0xcc: {  	(v2sf) =	vpush v2, $0xE;
	[tilespmem:s5], [sflag:$0x2] =	stream.strided.gather [hbm4b:s11+s16], $0x800, s15, s16, $0x38;
	[tilespmem:$0x11600] =	vst v63  }
0xcd: {  	s11 =	spop (v2sf);
	s5 =	simm.s32 $0xD400  }
0xce: {  	(v2sf) =	vpush v3, $0xE;
	[tilespmem:s5], [sflag:$0x2] =	stream.strided.gather [hbm4b:s11+s16], $0x800, s15, s16, $0x38;
	[tilespmem:$0x11600] =	vst v63  }
0xcf: {  	s11 =	spop (v2sf);
	s5 =	simm.s32 $0x5C00  }
0xd0: {  	(v2sf) =	vpush v2, $0xF;
	[tilespmem:s5], [sflag:$0x2] =	stream.strided.gather [hbm4b:s11+s16], $0x800, s15, s16, $0x38;
	[tilespmem:$0x11600] =	vst v63  }
0xd1: {  	s5 =	simm.s32 $0xDC00;
	s11 =	spop (v2sf)  }
0xd2: {  	(v2sf) =	vpush v3, $0xF;
	[tilespmem:s5], [sflag:$0x2] =	stream.strided.gather [hbm4b:s11+s16], $0x800, s15, s16, $0x38;
	[tilespmem:$0x11600] =	vst v63  }
0xd3: {  	s11 =	spop (v2sf);
	s5 =	simm.s32 $0x6400  }
0xd4: {  	[tilespmem:s5], [sflag:$0x2] =	stream.strided.gather [hbm4b:s11+s16], $0x800, s15, s16, $0x38;
	[tilespmem:$0x11600] =	vst v63  }
0xd5: {  	s11 =	spop (v2sf);
	s5 =	simm.s32 $0xE400  }
0xd6: {  	[tilespmem:s5], [sflag:$0x2] =	stream.strided.gather [hbm4b:s11+s16], $0x800, s15, s16, $0x38;
	[tilespmem:$0x11600] =	vst v63  }
0xd7: {  	s11 =	spop (v2sf);
	s5 =	simm.s32 $0x6C00  }
0xd8: {  	[tilespmem:s5], [sflag:$0x2] =	stream.strided.gather [hbm4b:s11+s16], $0x800, s15, s16, $0x38;
	[tilespmem:$0x11600] =	vst v63  }
0xd9: {  	s11 =	spop (v2sf);
	s5 =	simm.s32 $0xEC00  }
0xda: {  	[tilespmem:s5], [sflag:$0x2] =	stream.strided.gather [hbm4b:s11+s16], $0x800, s15, s16, $0x38;
	[tilespmem:$0x11600] =	vst v63  }
0xdb: {  	s11 =	spop (v2sf);
	s5 =	simm.s32 $0x7400  }
0xdc: {  	[tilespmem:s5], [sflag:$0x2] =	stream.strided.gather [hbm4b:s11+s16], $0x800, s15, s16, $0x38;
	[tilespmem:$0x11600] =	vst v63  }
0xdd: {  	s5 =	spop (v2sf)  }
0xde: {  	[tilespmem:s6], [sflag:$0x2] =	stream.strided.gather [hbm4b:s5+s16], $0x800, s15, s16, $0x38;
	[tilespmem:$0x11600] =	vst v63  }
0xdf: {  	s5 =	spop (v2sf)  }
0xe0: {  	[tilespmem:s7], [sflag:$0x2] =	stream.strided.gather [hbm4b:s5+s16], $0x800, s15, s16, $0x38;
	[tilespmem:$0x11600] =	vst v63  }
0xe1: {  	s5 =	spop (v2sf)  }
0xe2: {  	[tilespmem:s8], [sflag:$0x2] =	stream.strided.gather [hbm4b:s5+s16], $0x800, s15, s16, $0x38;
	[tilespmem:$0x11600] =	vst v63  }
0xe3: {  	_ =	swait.ge [sflag:s9], $0x4000  }
0xe4: {  	[sflag:s9] =	ssyncset.done $0x0  }
0xe5: {  	[sflag:s9] =	ssyncadd.s32 $0xFFFFC000  }
0xe6: {  	v34 =	vand.u32 $0x7F, v0;
	v0 =	vld [tilespmem:$0x1FE00];
	_ =	swait.ge [sflag:s9], $0x4000  }
0xe7: {  	v2 =	vld [tilespmem:$0x1FE20];
	_ =	sdelay $0x3  }
0xe8: {  	v33 =	vand.u32 $0x7F, v1  }
0xe9: {  	v61 =	vor.u32 v2, v34;
	v16 =	vor.u32 v2, v33;
	v2 =	vld [tilespmem:$0x1FE30];
	_ =	sdelay $0x4  }
0xea: {  	v59 =	vor.u32 v2, v34;
	v60 =	vor.u32 v2, v33;
	v2 =	vld [tilespmem:$0x1FE40];
	_ =	sdelay $0x4  }
0xeb: {  	v5 =	vor.u32 v2, v34;
	v58 =	vor.u32 v2, v33;
	v2 =	vld [tilespmem:$0x1FE50];
	_ =	sdelay $0x4  }
0xec: {  	v4 =	vor.u32 v2, v34;
	v7 =	vor.u32 v2, v33;
	v2 =	vld [tilespmem:$0x1FE60];
	_ =	sdelay $0x4  }
0xed: {  	v3 =	vor.u32 v2, v34;
	v9 =	vor.u32 v2, v33;
	v2 =	vld [tilespmem:$0x1FE70];
	_ =	sdelay $0x1  }
0xee: {  	[sflag:s9] =	ssyncset.done $0x0  }
0xef: {  	[sflag:s9] =	ssyncadd.s32 $0xFFFFC000  }
0xf0: {  	v13 =	vld.idx.msk [tilespmem:v5+s16+$0x0], $0xffff  }
0xf1: {  	[tilespmem:$0x1FC90] =	vst v5;
	v5 =	vor.u32 v2, v34;
	v17 =	vor.u32 v2, v33;
	v2 =	vld [tilespmem:$0x1FE80];
	_ =	sdelay $0x1  }
0xf2: {  	v6 =	vld.idx.msk [tilespmem:v4+s16+$0x0], $0xffff  }
0xf3: {  	v8 =	vld.idx.msk [tilespmem:v3+s16+$0x0], $0xffff  }
0xf4: {  	[tilespmem:$0x1FCC0] =	vst v3;
	v3 =	vld [tilespmem:$0x1FE90]  }
0xf5: {  	[tilespmem:$0x1FCA0] =	vst v4;
	v4 =	vor.u32 v2, v34;
	v15 =	vor.u32 v2, v33;
	v2 =	vld.idx.msk [tilespmem:v5+s16+$0x0], $0xffff  }
0xf6: {  	[tilespmem:$0x1FCE0] =	vst v5;
	v5 =	vld [tilespmem:$0x1FEA0];
	_ =	sdelay $0x2  }
0xf7: {  	v1 =	vld [tilespmem:$0x1FE10]  }
0xf8: {  	v62 =	vor.u32 v0, v34;
	v10 =	vor.u32 v3, v34;
	v18 =	vor.u32 v3, v33;
	v3 =	vld.idx.msk [tilespmem:v17+s17+$0x0], $0xffff  }
0xf9: {  	[tilespmem:$0x1FCF0] =	vst v17;
	v17 =	vor.u32 v5, v34;
	v25 =	vor.u32 v5, v33;
	v5 =	vld.idx.msk [tilespmem:v15+s17+$0x0], $0xffff  }
0xfa: {  	[tilespmem:$0x1FD10] =	vst v15;
	v15 =	vld [tilespmem:$0x1FEB0];
	_ =	sdelay $0x1  }
0xfb: {  	v63 =	vor.u32 v0, v33  }
0xfc: {  	v0 =	vor.u32 v1, v34  }
0xfd: {  	v1 =	vor.u32 v1, v33;
	v23 =	vld.idx.msk [tilespmem:v62+s16+$0x0], $0xffff  }
0xfe: {  	v28 =	vor.u32 v15, v34;
	v31 =	vor.u32 v15, v33;
	v15 =	vld.idx.msk [tilespmem:v18+s17+$0x0], $0xffff  }
0xff: {  	[tilespmem:$0x1FD30] =	vst v18;
	v18 =	vld [tilespmem:$0x1FEC0]  }
0x100: {  	v24 =	vld.idx.msk [tilespmem:v63+s17+$0x0], $0xffff  }
0x101: {  	v19 =	vld.idx.msk [tilespmem:v0+s16+$0x0], $0xffff  }
0x102: {  	v20 =	vld.idx.msk [tilespmem:v1+s17+$0x0], $0xffff  }
0x103: {  	v21 =	vld.idx.msk [tilespmem:v61+s16+$0x0], $0xffff  }
0x104: {  	v27 =	vor.u32 v18, v34;
	v26 =	vor.u32 v18, v33;
	v18 =	vld.idx.msk [tilespmem:v25+s17+$0x0], $0xffff  }
0x105: {  	[tilespmem:$0x1FD50] =	vst v25;
	v25 =	vld [tilespmem:$0x1FED0]  }
0x106: {  	v22 =	vld.idx.msk [tilespmem:v16+s17+$0x0], $0xffff  }
0x107: {  	v11 =	vld.idx.msk [tilespmem:v59+s16+$0x0], $0xffff  }
0x108: {  	v12 =	vld.idx.msk [tilespmem:v60+s17+$0x0], $0xffff  }
0x109: {  	v14 =	vld.idx.msk [tilespmem:v58+s17+$0x0], $0xffff  }
0x10a: {  	v30 =	vor.u32 v25, v34;
	v29 =	vor.u32 v25, v33;
	v25 =	vld [tilespmem:$0x1FEE0]  }
0x10b: {  	[tilespmem:$0x1FCB0] =	vst v7;
	v7 =	vld.idx.msk [tilespmem:v7+s17+$0x0], $0xffff  }
0x10c: {  	[tilespmem:$0x1FCD0] =	vst v9;
	v9 =	vld.idx.msk [tilespmem:v9+s17+$0x0], $0xffff  }
0x10d: {  	[tilespmem:$0x1FD00] =	vst v4;
	v4 =	vld.idx.msk [tilespmem:v4+s16+$0x0], $0xffff  }
0x10e: {  	v42 =	vld.idx.msk [tilespmem:v27+s16+$0x0], $0xffff  }
0x10f: {  	[tilespmem:$0x1FD80] =	vst v27;
	v57 =	vor.u32 v25, v34;
	v27 =	vor.u32 v25, v33;
	v25 =	vld [tilespmem:$0x1FEF0]  }
0x110: {  	[tilespmem:$0x1FD20] =	vst v10;
	v10 =	vld.idx.msk [tilespmem:v10+s16+$0x0], $0xffff  }
0x111: {  	[tilespmem:$0x1FD40] =	vst v17;
	v17 =	vld.idx.msk [tilespmem:v17+s16+$0x0], $0xffff  }
0x112: {  	[tilespmem:$0x1FD60] =	vst v28;
	v44 =	vld.idx.msk [tilespmem:v28+s16+$0x0], $0xffff  }
0x113: {  	p0 =	seq.s32 s3, $0x7C0;
	[tilespmem:$0x1FD70] =	vst v31;
	v46 =	vld.idx.msk [tilespmem:v31+s17+$0x0], $0xffff  }
0x114: {  	p1 =	sne.s32 @!p0 s4, $0x80000000;
	[tilespmem:$0x1FD90] =	vst v26;
	v45 =	vld.idx.msk [tilespmem:v26+s17+$0x0], $0xffff;
	v26 =	vor.u32 v25, v34  }
0x115: {  	p1 =	por p0, p1;
	[tilespmem:$0x1FDA0] =	vst v30;
	v39 =	vld.idx.msk [tilespmem:v30+s16+$0x0], $0xffff;
	v25 =	vor.u32 v25, v33  }
.Ltmp4:
0x116: {  	[tilespmem:$0x1FDB0] =	vst v29;
	v43 =	vld.idx.msk [tilespmem:v29+s17+$0x0], $0xffff;
	(pc) =	sbr.rel @p1 .LBB2_4-.Ltmp4, $4  }
0x117: {  	[tilespmem:$0x1FDC0] =	vst v57;
	v37 =	vld.idx.msk [tilespmem:v57+s16+$0x0], $0xffff  }
0x118: {  	[tilespmem:$0x1FDD0] =	vst v27;
	v40 =	vld.idx.msk [tilespmem:v27+s17+$0x0], $0xffff  }
0x119: {  	[tilespmem:$0x1FDE0] =	vst v26;
	v38 =	vld.idx.msk [tilespmem:v26+s16+$0x0], $0xffff  }
0x11a: {  	[tilespmem:$0x1FDF0] =	vst v25;
	v41 =	vld.idx.msk [tilespmem:v25+s17+$0x0], $0xffff  }
0x11b: {  	v25 =	vld [tilespmem:s13+$0x10];
	_ =	sdelay $0x1  }
0x11c: {  	v26 =	vld [tilespmem:s13+$0x210];
	_ =	sdelay $0x2  }
0x11d: {  	v25 =	vand.u32 $0xFFFFFF80, v25  }
0x11e: {  	vm2 =	vlt.s32 v25, $0xF4180  }
0x11f: {  	v26 =	vand.u32 $0xFFFFFF80, v26;
	v25 =	vnsel vm2, $0xF4180, v25  }
0x120: {  	vm2 =	vlt.s32 v26, $0xF4180;
	v25 =	vadd.s32 s0, v25  }
0x121: {  	v26 =	vnsel vm2, $0xF4180, v26;
	(v2sf) =	vpush v25, $0x0  }
0x122: {  	v26 =	vadd.s32 s1, v26  }
0x123: {  	(v2sf) =	vpush v26, $0x0;
	_ =	sdelay $0x1  }
0x124: {  	(v2sf) =	vpush v25, $0x1;
	_ =	sdelay $0x1  }
0x125: {  	(v2sf) =	vpush v26, $0x1;
	_ =	sdelay $0x1  }
0x126: {  	(v2sf) =	vpush v25, $0x2;
	_ =	sdelay $0x1  }
0x127: {  	(v2sf) =	vpush v26, $0x2;
	_ =	sdelay $0x1  }
0x128: {  	(v2sf) =	vpush v25, $0x3;
	_ =	sdelay $0x1  }
0x129: {  	(v2sf) =	vpush v26, $0x3  }
0x12a: {  	s11 =	spop (v2sf)  }
0x12b: {  	(v2sf) =	vpush v25, $0x4;
	[tilespmem:s16], [sflag:$0x1] =	stream.strided.gather [hbm4b:s11+s16], $0x800, s15, s16, $0x38;
	[tilespmem:$0x11600] =	vst v63  }
0x12c: {  	s5 =	spop (v2sf)  }
0x12d: {  	(v2sf) =	vpush v26, $0x4;
	[tilespmem:s17], [sflag:$0x1] =	stream.strided.gather [hbm4b:s5+s16], $0x800, s15, s16, $0x38;
	[tilespmem:$0x11600] =	vst v63  }
0x12e: {  	s5 =	spop (v2sf)  }
0x12f: {  	(v2sf) =	vpush v25, $0x5;
	[tilespmem:s18], [sflag:$0x1] =	stream.strided.gather [hbm4b:s5+s16], $0x800, s15, s16, $0x38;
	[tilespmem:$0x11600] =	vst v63  }
0x130: {  	s5 =	spop (v2sf)  }
0x131: {  	(v2sf) =	vpush v26, $0x5;
	[tilespmem:s19], [sflag:$0x1] =	stream.strided.gather [hbm4b:s5+s16], $0x800, s15, s16, $0x38;
	[tilespmem:$0x11600] =	vst v63  }
0x132: {  	s5 =	spop (v2sf)  }
0x133: {  	(v2sf) =	vpush v25, $0x6;
	[tilespmem:s20], [sflag:$0x1] =	stream.strided.gather [hbm4b:s5+s16], $0x800, s15, s16, $0x38;
	[tilespmem:$0x11600] =	vst v63  }
0x134: {  	s5 =	spop (v2sf)  }
0x135: {  	(v2sf) =	vpush v26, $0x6;
	[tilespmem:s21], [sflag:$0x1] =	stream.strided.gather [hbm4b:s5+s16], $0x800, s15, s16, $0x38;
	[tilespmem:$0x11600] =	vst v63  }
0x136: {  	s5 =	spop (v2sf)  }
0x137: {  	(v2sf) =	vpush v25, $0x7;
	[tilespmem:s22], [sflag:$0x1] =	stream.strided.gather [hbm4b:s5+s16], $0x800, s15, s16, $0x38;
	[tilespmem:$0x11600] =	vst v63  }
0x138: {  	s5 =	spop (v2sf)  }
0x139: {  	(v2sf) =	vpush v26, $0x7;
	[tilespmem:s23], [sflag:$0x1] =	stream.strided.gather [hbm4b:s5+s16], $0x800, s15, s16, $0x38;
	[tilespmem:$0x11600] =	vst v63  }
0x13a: {  	s5 =	spop (v2sf)  }
0x13b: {  	[tilespmem:s24], [sflag:$0x1] =	stream.strided.gather [hbm4b:s5+s16], $0x800, s15, s16, $0x38;
	[tilespmem:$0x11600] =	vst v63  }
0x13c: {  	s5 =	spop (v2sf)  }
0x13d: {  	[tilespmem:s25], [sflag:$0x1] =	stream.strided.gather [hbm4b:s5+s16], $0x800, s15, s16, $0x38;
	[tilespmem:$0x11600] =	vst v63  }
0x13e: {  	s5 =	spop (v2sf)  }
0x13f: {  	[tilespmem:s26], [sflag:$0x1] =	stream.strided.gather [hbm4b:s5+s16], $0x800, s15, s16, $0x38;
	[tilespmem:$0x11600] =	vst v63  }
0x140: {  	s5 =	spop (v2sf)  }
0x141: {  	[tilespmem:s28], [sflag:$0x1] =	stream.strided.gather [hbm4b:s5+s16], $0x800, s15, s16, $0x38;
	[tilespmem:$0x11600] =	vst v63  }
0x142: {  	s5 =	spop (v2sf)  }
0x143: {  	[tilespmem:s29], [sflag:$0x1] =	stream.strided.gather [hbm4b:s5+s16], $0x800, s15, s16, $0x38;
	[tilespmem:$0x11600] =	vst v63  }
0x144: {  	s5 =	spop (v2sf)  }
0x145: {  	[tilespmem:s30], [sflag:$0x1] =	stream.strided.gather [hbm4b:s5+s16], $0x800, s15, s16, $0x38;
	[tilespmem:$0x11600] =	vst v63  }
0x146: {  	s5 =	spop (v2sf)  }
0x147: {  	[tilespmem:s31], [sflag:$0x1] =	stream.strided.gather [hbm4b:s5+s16], $0x800, s15, s16, $0x38;
	[tilespmem:$0x11600] =	vst v63  }
0x148: {  	s5 =	spop (v2sf)  }
0x149: {  	[tilespmem:s2], [sflag:$0x1] =	stream.strided.gather [hbm4b:s5+s16], $0x800, s15, s16, $0x38;
	[tilespmem:$0x11600] =	vst v63  }
.LBB2_4:
0x14a: {  	_ =	swait.ge [sflag:s10], $0x4000  }
0x14b: {  	v25 =	vld [tilespmem:$0x1FF00];
	_ =	sdelay $0x1  }
0x14c: {  	[sflag:s10] =	ssyncset.done $0x0  }
0x14d: {  	[sflag:s10] =	ssyncadd.s32 $0xFFFFC000  }
0x14e: {  	_ =	swait.ge [sflag:s10], $0x4000  }
0x14f: {  	v36 =	vor.u32 v25, v34;
	v35 =	vor.u32 v25, v33;
	v25 =	vld [tilespmem:$0x1FF10];
	_ =	sdelay $0x4  }
0x150: {  	v32 =	vor.u32 v25, v34;
	v31 =	vor.u32 v25, v33;
	v25 =	vld [tilespmem:$0x1FF20];
	_ =	sdelay $0x2  }
0x151: {  	[sflag:s10] =	ssyncset.done $0x0  }
0x152: {  	v54 =	vmul.f32 v20, v19;
	v19 =	vld [tilespmem:$0x1FF60];
	[sflag:s10] =	ssyncadd.s32 $0xFFFFC000  }
0x153: {  	v47 =	vld.idx.msk [tilespmem:v36+s16+$0x0], $0xffff;
	v30 =	vor.u32 v25, v34  }
0x154: {  	v48 =	vld.idx.msk [tilespmem:v35+s17+$0x0], $0xffff;
	v29 =	vor.u32 v25, v33  }
0x155: {  	v25 =	vld [tilespmem:$0x1FF30]  }
0x156: {  	v52 =	vmul.f32 v24, v23;
	v49 =	vld.idx.msk [tilespmem:v32+s16+$0x0], $0xffff  }
0x157: {  	v50 =	vld.idx.msk [tilespmem:v31+s17+$0x0], $0xffff  }
0x158: {  	v52 =	vadd.f32 $0.0e+00, v52;
	v51 =	vld.idx.msk [tilespmem:v30+s16+$0x0], $0xffff  }
0x159: {  	v53 =	vld.idx.msk [tilespmem:v29+s17+$0x0], $0xffff  }
0x15a: {  	v52 =	vadd.f32 v54, v52;
	v47 =	vmul.f32 v48, v47;
	v28 =	vor.u32 v25, v34  }
0x15b: {  	v54 =	vmul.f32 v22, v21;
	v20 =	vor.u32 v19, v34;
	v27 =	vor.u32 v25, v33  }
0x15c: {  	v57 =	vor.u32 v19, v33;
	v19 =	vld [tilespmem:$0x1FF70];
	v47 =	vadd.f32 $0.0e+00, v47;
	v49 =	vmul.f32 v50, v49  }
0x15d: {  	v52 =	vadd.f32 v54, v52;
	v25 =	vld [tilespmem:$0x1FF40]  }
0x15e: {  	v47 =	vadd.f32 v49, v47;
	v49 =	vmul.f32 v53, v51;
	v53 =	vmul.f32 v12, v11;
	v11 =	vld [tilespmem:$0x1FF80]  }
0x15f: {  	v48 =	vld.idx.msk [tilespmem:v28+s16+$0x0], $0xffff  }
0x160: {  	v55 =	vld.idx.msk [tilespmem:v27+s17+$0x0], $0xffff;
	v52 =	vadd.f32 v53, v52;
	v53 =	vmul.f32 v14, v13  }
0x161: {  	v23 =	vld [tilespmem:$0x1FF50]  }
0x162: {  	v21 =	vor.u32 v19, v34;
	v52 =	vadd.f32 v53, v52;
	v53 =	vmul.f32 v7, v6;
	v6 =	vld [tilespmem:$0x1FFA0]  }
0x163: {  	v22 =	vor.u32 v19, v33;
	v12 =	vor.u32 v11, v34;
	v19 =	vor.u32 v11, v33;
	v11 =	vld [tilespmem:$0x1FF90]  }
0x164: {  	[tilespmem:$0x1FC80] =	vst v57;
	v26 =	vor.u32 v25, v34;
	v25 =	vor.u32 v25, v33  }
0x165: {  	v48 =	vmul.f32 v55, v48;
	v55 =	vld.idx.msk [tilespmem:v57+s17+$0x0], $0xffff;
	v57 =	vmul.f32 v9, v8;
	v52 =	vadd.f32 v53, v52  }
0x166: {  	v24 =	vor.u32 v23, v34;
	v23 =	vor.u32 v23, v33  }
0x167: {  	v52 =	vadd.f32 v57, v52;
	v57 =	vmul.f32 v3, v2;
	v2 =	vld [tilespmem:$0x1FFC0];
	v7 =	vor.u32 v6, v34  }
0x168: {  	v13 =	vor.u32 v11, v34;
	v14 =	vor.u32 v11, v33;
	v11 =	vor.u32 v6, v33;
	v6 =	vld [tilespmem:$0x1FFB0]  }
0x169: {  	v50 =	vld.idx.msk [tilespmem:v26+s16+$0x0], $0xffff  }
0x16a: {  	v56 =	vld.idx.msk [tilespmem:v25+s17+$0x0], $0xffff  }
0x16b: {  	v54 =	vld.idx.msk [tilespmem:v23+s17+$0x0], $0xffff  }
0x16c: {  	v51 =	vld.idx.msk [tilespmem:v24+s16+$0x0], $0xffff;
	v47 =	vadd.f32 v49, v47;
	v3 =	vor.u32 v2, v34  }
0x16d: {  	v8 =	vor.u32 v6, v34;
	v9 =	vor.u32 v6, v33;
	v6 =	vor.u32 v2, v33;
	v2 =	vld [tilespmem:$0x1FFD0]  }
0x16e: {  	v49 =	vld.idx.msk [tilespmem:v20+s16+$0x0], $0xffff  }
0x16f: {  	v47 =	vadd.f32 v48, v47;
	v48 =	vmul.f32 v56, v50;
	v50 =	vld.idx.msk [tilespmem:v21+s16+$0x0], $0xffff  }
0x170: {  	v56 =	vld.idx.msk [tilespmem:v22+s17+$0x0], $0xffff  }
0x171: {  	v47 =	vadd.f32 v48, v47;
	v48 =	vmul.f32 v54, v51;
	v51 =	vld.idx.msk [tilespmem:v12+s16+$0x0], $0xffff  }
0x172: {  	v53 =	vmul.f32 v5, v4;
	v4 =	vor.u32 v2, v34;
	v5 =	vor.u32 v2, v33;
	v2 =	vld [tilespmem:$0x1FFE0]  }
0x173: {  	v54 =	vld.idx.msk [tilespmem:v19+s17+$0x0], $0xffff  }
0x174: {  	v47 =	vadd.f32 v48, v47;
	v48 =	vmul.f32 v55, v49;
	v49 =	vld.idx.msk [tilespmem:v13+s16+$0x0], $0xffff  }
0x175: {  	v55 =	vld.idx.msk [tilespmem:v14+s17+$0x0], $0xffff  }
0x176: {  	v52 =	vadd.f32 v57, v52;
	v47 =	vadd.f32 v48, v47;
	v48 =	vmul.f32 v56, v50;
	v50 =	vld.idx.msk [tilespmem:v7+s16+$0x0], $0xffff  }
0x177: {  	v57 =	vmul.f32 v15, v10;
	v10 =	vor.u32 v2, v34;
	v15 =	vor.u32 v2, v33;
	v2 =	vld [tilespmem:$0x1FFF0]  }
0x178: {  	v56 =	vld.idx.msk [tilespmem:v11+s17+$0x0], $0xffff  }
0x179: {  	v47 =	vadd.f32 v48, v47;
	v48 =	vmul.f32 v54, v51;
	v51 =	vld.idx.msk [tilespmem:v8+s16+$0x0], $0xffff  }
0x17a: {  	v52 =	vadd.f32 v53, v52;
	v54 =	vld.idx.msk [tilespmem:v9+s17+$0x0], $0xffff  }
0x17b: {  	v47 =	vadd.f32 v48, v47;
	v48 =	vmul.f32 v55, v49;
	v49 =	vld.idx.msk [tilespmem:v3+s16+$0x0], $0xffff  }
0x17c: {  	v52 =	vadd.f32 v57, v52;
	v57 =	vmul.f32 v18, v17;
	v55 =	vld.idx.msk [tilespmem:v6+s17+$0x0], $0xffff;
	v17 =	vor.u32 v2, v34  }
0x17d: {  	v56 =	vmul.f32 v56, v50;
	v47 =	vadd.f32 v48, v47;
	v50 =	vld.idx.msk [tilespmem:v4+s16+$0x0], $0xffff;
	v2 =	vor.u32 v2, v33  }
0x17e: {  	v44 =	vmul.f32 v46, v44;
	v46 =	vld.idx.msk [tilespmem:v5+s17+$0x0], $0xffff  }
0x17f: {  	v52 =	vadd.f32 v57, v52;
	v47 =	vadd.f32 v56, v47;
	v57 =	vmul.f32 v54, v51;
	v51 =	vld.idx.msk [tilespmem:v10+s16+$0x0], $0xffff  }
0x180: {  	v42 =	vmul.f32 v45, v42;
	v54 =	vld.idx.msk [tilespmem:v15+s17+$0x0], $0xffff  }
0x181: {  	v44 =	vadd.f32 v44, v52;
	v55 =	vmul.f32 v55, v49;
	v47 =	vadd.f32 v57, v47;
	v56 =	vld.idx.msk [tilespmem:v17+s16+$0x0], $0xffff  }
0x182: {  	v39 =	vmul.f32 v43, v39;
	v57 =	vld.idx.msk [tilespmem:v2+s17+$0x0], $0xffff  }
0x183: {  	v42 =	vadd.f32 v42, v44;
	v52 =	vadd.f32 v55, v47;
	v46 =	vmul.f32 v46, v50  }
0x184: {  	v37 =	vmul.f32 v40, v37  }
0x185: {  	v39 =	vadd.f32 v39, v42;
	v53 =	vadd.f32 v46, v52;
	v54 =	vmul.f32 v54, v51  }
0x186: {  	v38 =	vmul.f32 v41, v38  }
0x187: {  	v37 =	vadd.f32 v37, v39;
	v55 =	vadd.f32 v54, v53;
	v56 =	vmul.f32 v57, v56;
	_ =	sdelay $0x1  }
0x188: {  	v37 =	vadd.f32 v38, v37;
	v57 =	vadd.f32 v56, v55  }
0x189: {  	vm2 =	vmmov $0xff  }
0x18a: {  	v37 =	vsel vm2, v37, v57  }
0x18b: {  	v37 =	vsub.f32 $0.0e+00, v37;
	_ =	sdelay $0x1  }
0x18c: {  	v37 =	vmul.f32 $1.442695020e+00, v37;
	_ =	sdelay $0x1  }
0x18d: {  	(erf) = vpow2.f32 v37;
	_ =	sdelay $0x8  }
0x18e: {  	v37 =	vpop (erf)  }
0x18f: {  	v37 =	vadd.f32 $1.000000000e+00, v37;
	_ =	sdelay $0x1  }
0x190: {  	(erf) = vrcp.f32 v37;
	_ =	sdelay $0x4  }
0x191: {  	p1 =	slt.u32 s4, $0x80000001  }
.Ltmp5:
0x192: {  	_ = 	snop;
	(pc) =	sbr.rel @p1 .LBB2_7-.Ltmp5, $3  }
0x193: {  	_ =	sdelay $0x1  }
0x194: {  	v37 =	vpop (erf)  }
0x195: {  	[tilespmem:s13+$0x11400] =	vst v37  }
0x196: {  	v37 =	vor.u32 $0x80, v34;
	_ =	sdelay $0x4  }
0x197: {  	v50 =	vld.idx.msk [tilespmem:v37+s12+$0x0], $0xffff;
	v37 =	vor.u32 $0x180, v33;
	_ =	sdelay $0x2  }
0x198: {  	v39 =	vld.idx.msk [tilespmem:v62+s16+$0x0], $0xffff  }
0x199: {  	v62 =	vld.idx.msk [tilespmem:v60+s17+$0x0], $0xffff  }
0x19a: {  	v60 =	vld.idx.msk [tilespmem:v37+s14+$0x0], $0xffff  }
0x19b: {  	v37 =	vld [tilespmem:$0x1FCB0];
	_ =	sdelay $0x5  }
0x19c: {  	v38 =	vor.u32 $0x80, v33;
	_ =	sdelay $0x1  }
0x19d: {  	[tilespmem:$0x1FC20] =	vst v4;
	v4 =	vld.idx.msk [tilespmem:v37+s17+$0x0], $0xffff  }
0x19e: {  	v37 =	vld [tilespmem:$0x1FCE0]  }
0x19f: {  	v57 =	vor.u32 $0x180, v34  }
0x1a0: {  	v51 =	vld.idx.msk [tilespmem:v38+s14+$0x0], $0xffff;
	v38 =	vor.u32 $0x200, v34;
	_ =	sdelay $0x1  }
0x1a1: {  	v18 =	vld [tilespmem:$0x1FCA0]  }
0x1a2: {  	v49 =	vld.idx.msk [tilespmem:v59+s16+$0x0], $0xffff  }
0x1a3: {  	v59 =	vld.idx.msk [tilespmem:v57+s12+$0x0], $0xffff  }
0x1a4: {  	v57 =	vld.idx.msk [tilespmem:v38+s12+$0x0], $0xffff  }
0x1a5: {  	[tilespmem:$0x1FBB0] =	vst v7;
	v38 =	vor.u32 $0x300, v34;
	v7 =	vld.idx.msk [tilespmem:v37+s16+$0x0], $0xffff  }
0x1a6: {  	v37 =	vld [tilespmem:$0x1FD10];
	_ =	sdelay $0x2  }
0x1a7: {  	[tilespmem:$0x1FC00] =	vst v3;
	v3 =	vld.idx.msk [tilespmem:v18+s16+$0x0], $0xffff  }
0x1a8: {  	v53 =	vld.idx.msk [tilespmem:v38+s12+$0x0], $0xffff  }
0x1a9: {  	v38 =	vld [tilespmem:$0x1FCF0]  }
0x1aa: {  	v18 =	vld [tilespmem:$0x1FD00];
	_ =	sdelay $0x1  }
0x1ab: {  	[tilespmem:$0x1FC40] =	vst v10;
	v10 =	vld.idx.msk [tilespmem:v37+s17+$0x0], $0xffff  }
0x1ac: {  	v37 =	vld [tilespmem:$0x1FD30];
	_ =	sdelay $0x3  }
0x1ad: {  	[tilespmem:$0x1FBE0] =	vst v8;
	v8 =	vld.idx.msk [tilespmem:v38+s17+$0x0], $0xffff;
	v38 =	vor.u32 $0x480, v33  }
0x1ae: {  	[tilespmem:$0x1FBF0] =	vst v9;
	v9 =	vld.idx.msk [tilespmem:v18+s16+$0x0], $0xffff  }
0x1af: {  	v18 =	vld [tilespmem:$0x1FD20]  }
0x1b0: {  	v42 =	vld [tilespmem:$0x1FC90]  }
0x1b1: {  	[tilespmem:$0x1FB50] =	vst v12;
	v12 =	vld.idx.msk [tilespmem:v37+s17+$0x0], $0xffff  }
0x1b2: {  	v37 =	vld.idx.msk [tilespmem:v38+s14+$0x0], $0xffff  }
0x1b3: {  	v38 =	vld [tilespmem:$0x1FD40];
	_ =	sdelay $0x1  }
0x1b4: {  	v40 =	vld.idx.msk [tilespmem:v63+s17+$0x0], $0xffff  }
0x1b5: {  	v43 =	vld.idx.msk [tilespmem:v0+s16+$0x0], $0xffff  }
0x1b6: {  	[tilespmem:$0x1FBC0] =	vst v11;
	v11 =	vld.idx.msk [tilespmem:v18+s16+$0x0], $0xffff  }
0x1b7: {  	v18 =	vld [tilespmem:$0x1FD50]  }
0x1b8: {  	v63 =	vld.idx.msk [tilespmem:v42+s16+$0x0], $0xffff  }
0x1b9: {  	v42 =	vld [tilespmem:$0x1FCC0]  }
0x1ba: {  	v0 =	vld.idx.msk [tilespmem:v38+s16+$0x0], $0xffff;
	_ =	sdelay $0x2  }
0x1bb: {  	v45 =	vld.idx.msk [tilespmem:v1+s17+$0x0], $0xffff;
	v1 =	vor.u32 $0x400, v33;
	_ =	sdelay $0x1  }
0x1bc: {  	[tilespmem:$0x1FB30] =	vst v0;
	v0 =	vld.idx.msk [tilespmem:v18+s17+$0x0], $0xffff;
	_ =	sdelay $0x1  }
0x1bd: {  	[tilespmem:$0x1FC30] =	vst v5;
	v5 =	vld.idx.msk [tilespmem:v42+s16+$0x0], $0xffff  }
0x1be: {  	v42 =	vld.idx.msk [tilespmem:v1+s14+$0x0], $0xffff;
	v1 =	vor.u32 $0x500, v34;
	_ =	sdelay $0x1  }
0x1bf: {  	[tilespmem:$0x1FB40] =	vst v0;
	v0 =	vld [tilespmem:$0x1FD60];
	_ =	sdelay $0x2  }
0x1c0: {  	v18 =	vld.idx.msk [tilespmem:v1+s12+$0x0], $0xffff;
	_ =	sdelay $0x1  }
0x1c1: {  	v47 =	vld.idx.msk [tilespmem:v61+s16+$0x0], $0xffff  }
0x1c2: {  	v55 =	vor.u32 $0x100, v34;
	[tilespmem:$0x1FC70] =	vst v2;
	v2 =	vld.idx.msk [tilespmem:v58+s17+$0x0], $0xffff  }
0x1c3: {  	v56 =	vor.u32 $0x100, v33;
	[tilespmem:$0x1FB90] =	vst v13;
	v13 =	vld.idx.msk [tilespmem:v34+s12+$0x0], $0xffff  }
0x1c4: {  	v41 =	vor.u32 $0x200, v33;
	[tilespmem:$0x1FB20] =	vst v18;
	v18 =	vld.idx.msk [tilespmem:v0+s16+$0x0], $0xffff  }
0x1c5: {  	v44 =	vor.u32 $0x280, v34;
	v0 =	vld [tilespmem:$0x1FD70]  }
0x1c6: {  	[tilespmem:$0x1FBA0] =	vst v14;
	v14 =	vld.idx.msk [tilespmem:v33+s14+$0x0], $0xffff  }
0x1c7: {  	v46 =	vor.u32 $0x280, v33;
	v52 =	vld.idx.msk [tilespmem:v55+s12+$0x0], $0xffff  }
0x1c8: {  	v61 =	vld.idx.msk [tilespmem:v56+s14+$0x0], $0xffff  }
0x1c9: {  	[tilespmem:$0x1FC50] =	vst v15;
	v15 =	vor.u32 $0x580, v33;
	v58 =	vld.idx.msk [tilespmem:v41+s14+$0x0], $0xffff  }
0x1ca: {  	v55 =	vld.idx.msk [tilespmem:v44+s12+$0x0], $0xffff  }
0x1cb: {  	v44 =	vld [tilespmem:$0x1FCD0]  }
0x1cc: {  	v56 =	vld.idx.msk [tilespmem:v46+s14+$0x0], $0xffff  }
0x1cd: {  	v41 =	vor.u32 $0x300, v33;
	[tilespmem:$0x1FB70] =	vst v18;
	v18 =	vld.idx.msk [tilespmem:v0+s17+$0x0], $0xffff  }
0x1ce: {  	v40 =	vsel vm0, v14, v40;
	v0 =	vsel vm1, v13, v39;
	v39 =	vld.idx.msk [tilespmem:v15+s14+$0x0], $0xffff  }
0x1cf: {  	v46 =	vor.u32 $0x380, v34;
	v15 =	vmul.f32 v40, v0;
	v0 =	vld [tilespmem:$0x1FD80]  }
0x1d0: {  	v48 =	vld.idx.msk [tilespmem:v16+s17+$0x0], $0xffff;
	v16 =	vor.u32 $0x380, v33;
	_ =	sdelay $0x1  }
0x1d1: {  	v54 =	vld.idx.msk [tilespmem:v41+s14+$0x0], $0xffff  }
0x1d2: {  	[tilespmem:$0x1FC10] =	vst v6;
	v41 =	vor.u32 $0x400, v34;
	v6 =	vld.idx.msk [tilespmem:v44+s17+$0x0], $0xffff  }
0x1d3: {  	v44 =	vld.idx.msk [tilespmem:v46+s12+$0x0], $0xffff  }
0x1d4: {  	v46 =	vld.idx.msk [tilespmem:v16+s14+$0x0], $0xffff;
	v16 =	vor.u32 $0x480, v34;
	_ =	sdelay $0x1  }
0x1d5: {  	v40 =	vld.idx.msk [tilespmem:v0+s16+$0x0], $0xffff  }
0x1d6: {  	v2 =	vsel vm0, v58, v2;
	v41 =	vld.idx.msk [tilespmem:v41+s12+$0x0], $0xffff;
	v63 =	vsel vm1, v57, v63;
	[tilespmem:$0x1FB80] =	vst v18;
	v18 =	vor.u32 $0x600, v33  }
0x1d7: {  	v2 =	vmul.f32 v2, v63;
	v63 =	vld [tilespmem:$0x1FDD0]  }
0x1d8: {  	v3 =	vsel vm1, v55, v3;
	v16 =	vld.idx.msk [tilespmem:v16+s12+$0x0], $0xffff;
	v4 =	vsel vm0, v56, v4  }
0x1d9: {  	v47 =	vsel vm1, v52, v47;
	v3 =	vmul.f32 v4, v3;
	v4 =	vld.idx.msk [tilespmem:v36+s16+$0x0], $0xffff;
	v38 =	vor.u32 $0x500, v33  }
0x1da: {  	v48 =	vsel vm0, v61, v48;
	[tilespmem:$0x1FBD0] =	vst v40;
	v40 =	vsel vm1, v50, v43;
	v43 =	vsel vm0, v51, v45;
	v45 =	vld [tilespmem:$0x1FD90]  }
0x1db: {  	v1 =	vor.u32 $0x580, v34;
	v0 =	vmovc v22;
	v22 =	vmovc v21;
	v21 =	vmov v20;
	v20 =	vmul.f32 v43, v40;
	v43 =	vld.idx.msk [tilespmem:v18+s14+$0x0], $0xffff  }
0x1dc: {  	[tilespmem:$0x1FC60] =	vst v17;
	v17 =	vor.u32 $0x600, v34;
	v18 =	vmul.f32 v48, v47;
	v48 =	vld [tilespmem:$0x1FDA0]  }
0x1dd: {  	v36 =	vsel vm0, v46, v8;
	v8 =	vld.idx.msk [tilespmem:v31+s17+$0x0], $0xffff  }
0x1de: {  	v38 =	vld.idx.msk [tilespmem:v38+s14+$0x0], $0xffff  }
0x1df: {  	v47 =	vsel vm1, v59, v49;
	v49 =	vld [tilespmem:$0x1FDC0]  }
0x1e0: {  	v1 =	vld.idx.msk [tilespmem:v1+s12+$0x0], $0xffff  }
0x1e1: {  	v40 =	vld.idx.msk [tilespmem:v17+s12+$0x0], $0xffff;
	v17 =	vor.u32 $0x680, v33  }
0x1e2: {  	v15 =	vadd.f32 $0.0e+00, v15;
	v22 =	vld.idx.msk [tilespmem:v22+s16+$0x0], $0xffff  }
0x1e3: {  	[tilespmem:$0x1FB60] =	vst v19;
	v19 =	vld.idx.msk [tilespmem:v45+s17+$0x0], $0xffff  }
0x1e4: {  	v15 =	vadd.f32 v20, v15;
	v20 =	vld.idx.msk [tilespmem:v48+s16+$0x0], $0xffff  }
0x1e5: {  	v48 =	vsel vm0, v60, v62;
	v62 =	vld [tilespmem:$0x1FDB0]  }
0x1e6: {  	v15 =	vadd.f32 v18, v15;
	v18 =	vmul.f32 v48, v47;
	v47 =	vld.idx.msk [tilespmem:v17+s14+$0x0], $0xffff  }
0x1e7: {  	v48 =	vld.idx.msk [tilespmem:v49+s16+$0x0], $0xffff  }
0x1e8: {  	v6 =	vsel vm0, v54, v6;
	v5 =	vsel vm1, v53, v5;
	v45 =	vor.u32 $0x680, v34;
	v49 =	vld.idx.msk [tilespmem:v63+s17+$0x0], $0xffff  }
0x1e9: {  	v15 =	vadd.f32 v18, v15;
	v18 =	vmul.f32 v6, v5;
	v5 =	vld.idx.msk [tilespmem:v32+s16+$0x0], $0xffff  }
0x1ea: {  	v31 =	vor.u32 $0x700, v33;
	v32 =	vld.idx.msk [tilespmem:v30+s16+$0x0], $0xffff  }
0x1eb: {  	v30 =	vld.idx.msk [tilespmem:v27+s17+$0x0], $0xffff  }
0x1ec: {  	v27 =	vld [tilespmem:$0x1FB50]  }
0x1ed: {  	v17 =	vor.u32 $0x700, v34;
	v45 =	vld.idx.msk [tilespmem:v45+s12+$0x0], $0xffff  }
0x1ee: {  	v2 =	vadd.f32 v2, v15;
	v15 =	vld.idx.msk [tilespmem:v35+s17+$0x0], $0xffff  }
0x1ef: {  	v35 =	vsel vm1, v44, v7;
	v7 =	vld.idx.msk [tilespmem:v31+s14+$0x0], $0xffff  }
0x1f0: {  	v31 =	vld.idx.msk [tilespmem:v26+s16+$0x0], $0xffff  }
0x1f1: {  	v26 =	vor.u32 $0x780, v34;
	v34 =	vld [tilespmem:$0x1FB70]  }
0x1f2: {  	v6 =	vld.idx.msk [tilespmem:v17+s12+$0x0], $0xffff  }
0x1f3: {  	v8 =	vsel vm0, v51, v8;
	v17 =	vld [tilespmem:$0x1FB30];
	v2 =	vadd.f32 v3, v2  }
0x1f4: {  	v51 =	vsel vm0, v37, v12;
	v63 =	vmul.f32 v36, v35;
	v62 =	vld.idx.msk [tilespmem:v62+s17+$0x0], $0xffff;
	v5 =	vsel vm1, v50, v5  }
0x1f5: {  	v32 =	vsel vm1, v52, v32;
	v50 =	vsel vm1, v16, v11;
	v52 =	vld.idx.msk [tilespmem:v24+s16+$0x0], $0xffff;
	v2 =	vadd.f32 v18, v2  }
0x1f6: {  	v5 =	vmul.f32 v8, v5;
	v8 =	vmul.f32 v51, v50;
	v51 =	vld [tilespmem:$0x1FB90]  }
0x1f7: {  	v2 =	vadd.f32 v63, v2;
	v63 =	vld.idx.msk [tilespmem:v29+s17+$0x0], $0xffff  }
0x1f8: {  	v35 =	vsel vm1, v13, v4;
	v36 =	vsel vm0, v14, v15;
	v29 =	vld.idx.msk [tilespmem:v28+s16+$0x0], $0xffff  }
0x1f9: {  	v18 =	vsel vm0, v42, v10;
	v15 =	vsel vm1, v41, v9;
	v3 =	vmul.f32 v36, v35;
	v36 =	vld.idx.msk [tilespmem:v25+s17+$0x0], $0xffff  }
0x1fa: {  	v4 =	vmul.f32 v18, v15;
	v15 =	vld [tilespmem:$0x1FC80]  }
0x1fb: {  	v18 =	vld [tilespmem:$0x1FB40]  }
0x1fc: {  	v25 =	vld [tilespmem:$0x1FDF0]  }
0x1fd: {  	v28 =	vld.idx.msk [tilespmem:v27+s16+$0x0], $0xffff  }
0x1fe: {  	v2 =	vadd.f32 v4, v2;
	v4 =	vsel vm1, v57, v31;
	v31 =	vld [tilespmem:$0x1FB60]  }
0x1ff: {  	v57 =	vld [tilespmem:$0x1FBB0]  }
0x200: {  	v10 =	vsel vm1, v59, v29;
	v59 =	vld.idx.msk [tilespmem:v23+s17+$0x0], $0xffff  }
0x201: {  	v35 =	vsel vm0, v61, v63;
	v61 =	vld [tilespmem:$0x1FDE0]  }
0x202: {  	v63 =	vld.idx.msk [tilespmem:v21+s16+$0x0], $0xffff  }
0x203: {  	v21 =	vld [tilespmem:$0x1FB20]  }
0x204: {  	v23 =	vld.idx.msk [tilespmem:v0+s17+$0x0], $0xffff  }
0x205: {  	v14 =	vsel vm0, v58, v36;
	v36 =	vld [tilespmem:$0x1FB80]  }
0x206: {  	v12 =	vsel vm1, v55, v52;
	v52 =	vld.idx.msk [tilespmem:v51+s16+$0x0], $0xffff  }
0x207: {  	v4 =	vmul.f32 v14, v4;
	v14 =	vsel vm1, v44, v22;
	v22 =	vld [tilespmem:$0x1FBD0]  }
0x208: {  	v44 =	vld [tilespmem:$0x1FC50]  }
0x209: {  	v9 =	vsel vm0, v60, v30;
	v3 =	vadd.f32 $0.0e+00, v3;
	v51 =	vld [tilespmem:$0x1FC60]  }
0x20a: {  	v60 =	vmul.f32 v9, v10;
	v10 =	vld.idx.msk [tilespmem:v15+s17+$0x0], $0xffff  }
0x20b: {  	v3 =	vadd.f32 v5, v3;
	v5 =	vmul.f32 v35, v32;
	v32 =	vld.idx.msk [tilespmem:v31+s17+$0x0], $0xffff  }
0x20c: {  	v9 =	vld.idx.msk [tilespmem:v61+s16+$0x0], $0xffff  }
0x20d: {  	v61 =	vld [tilespmem:$0x1FBC0]  }
0x20e: {  	v29 =	vsel vm1, v53, v63;
	v53 =	vld [tilespmem:$0x1FBA0]  }
0x20f: {  	v58 =	vld.idx.msk [tilespmem:v57+s16+$0x0], $0xffff  }
0x210: {  	v11 =	vsel vm0, v56, v59;
	v59 =	vsel vm1, v41, v28;
	v28 =	vld [tilespmem:$0x1FBF0]  }
0x211: {  	v31 =	vld [tilespmem:$0x1FC00]  }
0x212: {  	v41 =	vld [tilespmem:$0x1FC30]  }
0x213: {  	v56 =	vor.u32 $0x780, v33;
	v24 =	vmul.f32 v11, v12;
	v11 =	vld.idx.msk [tilespmem:v25+s17+$0x0], $0xffff  }
0x214: {  	v3 =	vadd.f32 v5, v3;
	v25 =	vld [tilespmem:$0x1FBE0]  }
0x215: {  	v2 =	vadd.f32 v8, v2;
	v13 =	vsel vm0, v38, v18;
	v35 =	vsel vm1, v1, v34;
	v63 =	vld.idx.msk [tilespmem:v61+s17+$0x0], $0xffff  }
0x216: {  	v3 =	vadd.f32 v60, v3;
	v5 =	vsel vm1, v21, v17;
	v50 =	vsel vm0, v39, v36;
	v12 =	vld.idx.msk [tilespmem:v26+s12+$0x0], $0xffff  }
0x217: {  	v5 =	vmul.f32 v13, v5;
	v8 =	vmul.f32 v50, v35;
	v13 =	vsel vm0, v46, v23;
	v35 =	vld [tilespmem:$0x1FC10]  }
0x218: {  	v3 =	vadd.f32 v4, v3;
	v55 =	vmul.f32 v13, v14;
	v13 =	vld.idx.msk [tilespmem:v56+s14+$0x0], $0xffff  }
0x219: {  	v30 =	vsel vm0, v54, v10;
	v54 =	vld.idx.msk [tilespmem:v53+s17+$0x0], $0xffff  }
0x21a: {  	v3 =	vadd.f32 v24, v3;
	v4 =	vmul.f32 v30, v29;
	v34 =	vsel vm0, v38, v63;
	v38 =	vld [tilespmem:$0x1FC20]  }
0x21b: {  	v60 =	vsel vm0, v42, v32;
	v42 =	vld [tilespmem:$0x1FC40]  }
0x21c: {  	v36 =	vsel vm1, v45, v20;
	v3 =	vadd.f32 v4, v3;
	v29 =	vld.idx.msk [tilespmem:v28+s17+$0x0], $0xffff  }
0x21d: {  	v23 =	vsel vm1, v40, v22;
	v2 =	vadd.f32 v5, v2;
	v24 =	vsel vm0, v43, v19;
	v26 =	vld.idx.msk [tilespmem:v25+s16+$0x0], $0xffff  }
0x21e: {  	v4 =	vmul.f32 v60, v59;
	v3 =	vadd.f32 v55, v3;
	v15 =	vsel vm0, v37, v54;
	v54 =	vld [tilespmem:$0x1FC70]  }
0x21f: {  	v27 =	vsel vm1, v16, v52;
	v2 =	vadd.f32 v8, v2;
	v5 =	vmul.f32 v24, v23;
	v32 =	vld.idx.msk [tilespmem:v31+s16+$0x0], $0xffff  }
0x220: {  	v8 =	vld.idx.msk [tilespmem:v35+s17+$0x0], $0xffff;
	v3 =	vadd.f32 v4, v3;
	v37 =	vsel vm0, v47, v62;
	v30 =	vmul.f32 v15, v27  }
0x221: {  	v33 =	vsel vm1, v21, v58;
	v2 =	vadd.f32 v5, v2;
	v4 =	vmul.f32 v37, v36;
	v15 =	vld.idx.msk [tilespmem:v41+s17+$0x0], $0xffff  }
0x222: {  	v3 =	vadd.f32 v30, v3;
	v0 =	vmul.f32 v34, v33;
	v14 =	vld.idx.msk [tilespmem:v38+s16+$0x0], $0xffff  }
0x223: {  	v39 =	vsel vm0, v39, v29;
	v1 =	vsel vm1, v1, v26;
	v2 =	vadd.f32 v4, v2;
	v4 =	vld.idx.msk [tilespmem:v44+s17+$0x0], $0xffff  }
0x224: {  	v1 =	vmul.f32 v39, v1;
	v0 =	vadd.f32 v0, v3;
	v3 =	vld.idx.msk [tilespmem:v42+s16+$0x0], $0xffff  }
0x225: {  	v46 =	vsel vm1, v40, v32;
	v50 =	vsel vm0, v43, v8;
	v8 =	vld.idx.msk [tilespmem:v51+s16+$0x0], $0xffff  }
0x226: {  	v52 =	vsel vm1, v6, v48;
	v0 =	vadd.f32 v1, v0;
	v1 =	vmul.f32 v50, v46;
	v16 =	vld.idx.msk [tilespmem:v54+s17+$0x0], $0xffff  }
0x227: {  	v53 =	vsel vm0, v7, v49;
	v56 =	vsel vm0, v47, v15;
	v55 =	vsel vm1, v45, v14  }
0x228: {  	v59 =	vsel vm1, v12, v9;
	v0 =	vadd.f32 v1, v0;
	v57 =	vmul.f32 v56, v55  }
0x229: {  	v5 =	vmul.f32 v53, v52;
	v4 =	vsel vm0, v7, v4;
	v3 =	vsel vm1, v6, v3  }
0x22a: {  	v61 =	vsel vm0, v13, v11;
	v58 =	vmul.f32 v4, v3;
	v0 =	vadd.f32 v57, v0  }
0x22b: {  	v2 =	vadd.f32 v5, v2;
	v60 =	vsel vm1, v12, v8;
	v62 =	vsel vm0, v13, v16  }
0x22c: {  	v3 =	vmul.f32 v61, v59;
	v63 =	vmul.f32 v62, v60;
	v0 =	vadd.f32 v58, v0;
	_ =	sdelay $0x1  }
0x22d: {  	v2 =	vadd.f32 v3, v2;
	v0 =	vadd.f32 v63, v0;
	_ =	sdelay $0x1  }
0x22e: {  	v0 =	vsel vm2, v2, v0  }
0x22f: {  	v0 =	vsub.f32 $0.0e+00, v0;
	_ =	sdelay $0x1  }
0x230: {  	v0 =	vmul.f32 $1.442695020e+00, v0;
	_ =	sdelay $0x1  }
0x231: {  	(erf) = vpow2.f32 v0;
	_ =	sdelay $0x8  }
0x232: {  	v0 =	vpop (erf)  }
0x233: {  	v0 =	vadd.f32 $1.000000000e+00, v0;
	_ =	sdelay $0x1  }
0x234: {  	(erf) = vrcp.f32 v0;
	_ =	sdelay $0x5  }
.Ltmp6:
0x235: {  	_ = 	snop;
	(pc) =	sbr.rel @p0 .LBB2_8-.Ltmp6, $3  }
0x236: {  	_ =	sdelay $0x1  }
0x237: {  	v0 =	vpop (erf)  }
0x238: {  	[tilespmem:s13+$0x11400] =	vst v0  }
0x239: {  	v0 =	vld [tilespmem:s13+$0x10];
	_ =	sdelay $0x1  }
0x23a: {  	v1 =	vld [tilespmem:s13+$0x210];
	_ =	sdelay $0x2  }
0x23b: {  	v0 =	vand.u32 $0xFFFFFF80, v0  }
0x23c: {  	vm0 =	vlt.s32 v0, $0xF4180  }
0x23d: {  	v1 =	vand.u32 $0xFFFFFF80, v1;
	v0 =	vnsel vm0, $0xF4180, v0  }
0x23e: {  	vm15 =	vlt.s32 v1, $0xF4180;
	v0 =	vadd.s32 s0, v0  }
0x23f: {  	v1 =	vnsel vm15, $0xF4180, v1;
	(v2sf) =	vpush v0, $0x0  }
0x240: {  	v1 =	vadd.s32 s1, v1  }
0x241: {  	(v2sf) =	vpush v1, $0x0;
	_ =	sdelay $0x1  }
0x242: {  	(v2sf) =	vpush v0, $0x1;
	_ =	sdelay $0x1  }
0x243: {  	(v2sf) =	vpush v1, $0x1;
	_ =	sdelay $0x1  }
0x244: {  	(v2sf) =	vpush v0, $0x2;
	_ =	sdelay $0x1  }
0x245: {  	(v2sf) =	vpush v1, $0x2;
	_ =	sdelay $0x1  }
0x246: {  	(v2sf) =	vpush v0, $0x3;
	_ =	sdelay $0x1  }
0x247: {  	(v2sf) =	vpush v1, $0x3  }
0x248: {  	s4 =	spop (v2sf)  }
0x249: {  	(v2sf) =	vpush v0, $0x4;
	[tilespmem:s16], [sflag:$0x1] =	stream.strided.gather [hbm4b:s4+s16], $0x800, s15, s16, $0x38;
	[tilespmem:$0x11600] =	vst v63  }
0x24a: {  	s5 =	spop (v2sf)  }
0x24b: {  	(v2sf) =	vpush v1, $0x4;
	[tilespmem:s17], [sflag:$0x1] =	stream.strided.gather [hbm4b:s5+s16], $0x800, s15, s16, $0x38;
	[tilespmem:$0x11600] =	vst v63  }
0x24c: {  	s11 =	spop (v2sf)  }
0x24d: {  	(v2sf) =	vpush v0, $0x5;
	[tilespmem:s18], [sflag:$0x1] =	stream.strided.gather [hbm4b:s11+s16], $0x800, s15, s16, $0x38;
	[tilespmem:$0x11600] =	vst v63  }
0x24e: {  	s13 =	spop (v2sf)  }
0x24f: {  	(v2sf) =	vpush v1, $0x5;
	[tilespmem:s19], [sflag:$0x1] =	stream.strided.gather [hbm4b:s13+s16], $0x800, s15, s16, $0x38;
	[tilespmem:$0x11600] =	vst v63  }
0x250: {  	s5 =	spop (v2sf)  }
0x251: {  	(v2sf) =	vpush v0, $0x6;
	[tilespmem:s20], [sflag:$0x1] =	stream.strided.gather [hbm4b:s5+s16], $0x800, s15, s16, $0x38;
	[tilespmem:$0x11600] =	vst v63  }
0x252: {  	s11 =	spop (v2sf)  }
0x253: {  	(v2sf) =	vpush v1, $0x6;
	[tilespmem:s21], [sflag:$0x1] =	stream.strided.gather [hbm4b:s11+s16], $0x800, s15, s16, $0x38;
	[tilespmem:$0x11600] =	vst v63  }
0x254: {  	s13 =	spop (v2sf)  }
0x255: {  	[tilespmem:s22], [sflag:$0x1] =	stream.strided.gather [hbm4b:s13+s16], $0x800, s15, s16, $0x38;
	[tilespmem:$0x11600] =	vst v63  }
0x256: {  	(v2sf) =	vpush v0, $0x7;
	s5 =	spop (v2sf)  }
0x257: {  	[tilespmem:s23], [sflag:$0x1] =	stream.strided.gather [hbm4b:s5+s16], $0x800, s15, s16, $0x38;
	[tilespmem:$0x11600] =	vst v63  }
0x258: {  	(v2sf) =	vpush v1, $0x7;
	s11 =	spop (v2sf)  }
0x259: {  	[tilespmem:s24], [sflag:$0x1] =	stream.strided.gather [hbm4b:s11+s16], $0x800, s15, s16, $0x38;
	[tilespmem:$0x11600] =	vst v63  }
0x25a: {  	s13 =	spop (v2sf)  }
0x25b: {  	[tilespmem:s25], [sflag:$0x1] =	stream.strided.gather [hbm4b:s13+s16], $0x800, s15, s16, $0x38;
	[tilespmem:$0x11600] =	vst v63  }
0x25c: {  	s5 =	spop (v2sf)  }
0x25d: {  	[tilespmem:s26], [sflag:$0x1] =	stream.strided.gather [hbm4b:s5+s16], $0x800, s15, s16, $0x38;
	[tilespmem:$0x11600] =	vst v63  }
0x25e: {  	s11 =	spop (v2sf)  }
0x25f: {  	[tilespmem:s28], [sflag:$0x1] =	stream.strided.gather [hbm4b:s11+s16], $0x800, s15, s16, $0x38;
	[tilespmem:$0x11600] =	vst v63  }
0x260: {  	s13 =	spop (v2sf)  }
0x261: {  	[tilespmem:s29], [sflag:$0x1] =	stream.strided.gather [hbm4b:s13+s16], $0x800, s15, s16, $0x38;
	[tilespmem:$0x11600] =	vst v63  }
0x262: {  	s5 =	spop (v2sf)  }
0x263: {  	[tilespmem:s30], [sflag:$0x1] =	stream.strided.gather [hbm4b:s5+s16], $0x800, s15, s16, $0x38;
	[tilespmem:$0x11600] =	vst v63  }
.Ltmp7:
0x264: {  	_ = 	snop;
	(pc) =	sbr.rel .LBB2_7-.Ltmp7, $4  }
0x265: {  	s11 =	spop (v2sf)  }
0x266: {  	[tilespmem:s31], [sflag:$0x1] =	stream.strided.gather [hbm4b:s11+s16], $0x800, s15, s16, $0x38;
	[tilespmem:$0x11600] =	vst v63  }
0x267: {  	s13 =	spop (v2sf)  }
0x268: {  	[tilespmem:s2], [sflag:$0x1] =	stream.strided.gather [hbm4b:s13+s16], $0x800, s15, s16, $0x38;
	[tilespmem:$0x11600] =	vst v63  }
.LBB2_9:
0x269: {  	_ =	sfence.sel $0x180000  }
0x26a: {  	[bflag:$0x0] =	sbarrier.arrive $0xFFFF  }
0x26b: {  	_ =	strace $0x90000047  }
0x26c: {  	s0 =	stileid.u32;
	[bflag:$0x2] =	sbarrier.arrive $0xFFFF  }
0x26d: {  	p0 =	sne.s32 s0, $0x0;
	s0 =	rddreg [dreg:$0x4]  }
0x26e: {  	s0 =	sadd.s32 @!p0 $0x100000, s0  }
0x26f: {  	[sflag:s0] =	ssyncadd.tile.s32 @!p0 $0x1;
	_ =	shalt  }
.Lfunc_end2:
_tile_overlayer_lowered:
.L_overlay_start_2:
0x270: {  	(tag) =	ssettag $0x2  }
0x271: {  	s0 =	rddreg [dreg:$0x0];
	s2 =	stileid.u32  }
0x272: {  	s1 =	rddreg [dreg:$0x1];
	p0 =	sne.s32 s2, $0x0  }
0x273: {  	s3 =	rddreg [dreg:$0x2];
	[bflag:$0x3] =	sbarrier.arrive $0xFFFF;
	s2 =	simm.s32 @!p0 $0x1C03  }
0x274: {  	[timem:s3], [sflag:s2] =	dma.local @!p0 [hbm:s0], s1  }
0x275: {  	s0 =	simm.s32 @!p0 $0x3  }
0x276: {  	_ =	swait.ge @!p0 [sflag:s0], s1  }
0x277: {  	s1 =	ssub.s32 @!p0 $0x0, s1;
	[sflag:s0] =	ssyncset.done @!p0 $0x0  }
0x278: {  	[sflag:s0] =	ssyncadd.s32 @!p0 s1  }
0x279: {  	[bflag:$0x3] =	sbarrier.arrive $0xFFFF  }
0x27a: {  	_ =	shalt  }

</sc_bundles>
